<compile_context>
chip_gen: v7x
topology: tpu7x:2x2x1
jax: 0.10.2.dev20260603
libtpu: 0.0.44.dev20260713+nightly
codegen_flags: <defaults>
</compile_context>

<pallas_src>
import functools

import jax
import jax.numpy as jnp
from jax import lax
from jax.experimental import pallas as pl
from jax.experimental.pallas import tpu as pltpu
from jax.experimental.pallas import tpu_sc as plsc

N = 10000
E = 320000
D = 128
EPS = 1e-5

NC = 2
NS = 16
NW = NC * NS
CHUNK = 128
NBUF = 2
IGRP = 40
C = 80
NGRP = C // IGRP
E_PAD = NW * C * CHUNK
ZPAD = 128
NROWS = 10240
RPS = NROWS // NS
NA = 10112
ARPS = NA // NS

_mesh = plsc.VectorSubcoreMesh(core_axis_name="c", subcore_axis_name="s")



@functools.partial(
    pl.kernel,
    out_type=jax.ShapeDtypeStruct((NC, NROWS), jnp.float32),
    mesh=_mesh,
    scratch_types=[
        pltpu.VMEM((C, CHUNK), jnp.int32),
        pltpu.VMEM((CHUNK,), jnp.float32),
        pltpu.VMEM_SHARED((NROWS,), jnp.float32),
    ],
)
def _deg_kernel(dst_hbm, zeros1_hbm, out_hbm, dst_v, ones_v, acc_sh):
    c = lax.axis_index("c")
    s = lax.axis_index("s")
    w = s * NC + c

    pltpu.sync_copy(dst_hbm.at[w], dst_v)
    for i in range(CHUNK // 16):
        ones_v[pl.ds(i * 16, 16)] = jnp.ones((16,), jnp.float32)

    pltpu.sync_copy(zeros1_hbm, acc_sh.at[pl.ds(s * RPS, RPS)])
    plsc.subcore_barrier()

    @pl.loop(0, C)
    def _(j):
        pltpu.sync_copy(ones_v, acc_sh.at[dst_v.at[j]], add=True)

    plsc.subcore_barrier()
    pltpu.sync_copy(acc_sh.at[pl.ds(s * RPS, RPS)],
                    out_hbm.at[c, pl.ds(s * RPS, RPS)])



@functools.partial(
    pl.kernel,
    out_type=jax.ShapeDtypeStruct((NC, NA, D), jnp.float32),
    mesh=_mesh,
    scratch_types=[
        pltpu.VMEM((C, CHUNK), jnp.int32),
        pltpu.VMEM((IGRP, CHUNK), jnp.int32),
        pltpu.VMEM((NBUF, CHUNK, D), jnp.float32),
        pltpu.VMEM_SHARED((NA, D), jnp.float32),
        [pltpu.SemaphoreType.DMA] * NBUF,
        [pltpu.SemaphoreType.DMA] * NBUF,
    ],
)
def _agg_kernel(g_hbm, src_hbm, dst_hbm, zeros2_hbm, out_hbm,
                src_v, dst_v, rows_v, acc_sh, gsems, ssems):
    c = lax.axis_index("c")
    s = lax.axis_index("s")
    w = s * NC + c


    def start_gather(b, j):
        pltpu.async_copy(g_hbm.at[src_v.at[j]], rows_v.at[b], gsems[b])

    def wait_gather(b, j):
        pltpu.make_async_copy(g_hbm.at[src_v.at[j]], rows_v.at[b],
                              gsems[b]).wait()

    def start_scatter(b, j):
        pltpu.async_copy(rows_v.at[b], acc_sh.at[dst_v.at[j]], ssems[b],
                         add=True)

    def wait_scatter(b, j):
        pltpu.make_async_copy(rows_v.at[b], acc_sh.at[dst_v.at[j]],
                              ssems[b]).wait()

    pltpu.sync_copy(zeros2_hbm, rows_v.at[0])
    for i in range(ARPS // CHUNK):
        pltpu.async_copy(rows_v.at[0],
                         acc_sh.at[pl.ds(s * ARPS + i * CHUNK, CHUNK)],
                         gsems[0])
    rem = ARPS % CHUNK
    if rem:
        pltpu.sync_copy(zeros2_hbm.at[pl.ds(0, rem)],
                        acc_sh.at[pl.ds(s * ARPS
                                        + (ARPS // CHUNK) * CHUNK, rem)])
    for i in range(ARPS // CHUNK):
        pltpu.make_async_copy(rows_v.at[0],
                              acc_sh.at[pl.ds(s * ARPS + i * CHUNK,
                                              CHUNK)],
                              gsems[0]).wait()
    plsc.subcore_barrier()

    pltpu.sync_copy(src_hbm.at[w], src_v)
    pltpu.sync_copy(dst_hbm.at[w, pl.ds(0, IGRP)], dst_v)

    for b in range(NBUF):
        start_gather(b, b)

    refill_t = IGRP // NBUF

    @pl.loop(0, C // NBUF - 1)
    def _(t):
        @pl.when(t == refill_t)
        def _():
            pltpu.sync_copy(dst_hbm.at[w, pl.ds(IGRP, IGRP)], dst_v)

        for b in range(NBUF):
            j = t * NBUF + b
            jm = lax.rem(j, IGRP)
            wait_gather(b, j)
            start_scatter(b, jm)
            wait_scatter(b, jm)
            start_gather(b, j + NBUF)

    for b in range(NBUF):
        j = C - NBUF + b
        wait_gather(b, j)
        start_scatter(b, lax.rem(j, IGRP))
        wait_scatter(b, lax.rem(j, IGRP))

    plsc.subcore_barrier()
    pltpu.sync_copy(acc_sh.at[pl.ds(s * ARPS, ARPS)],
                    out_hbm.at[c, pl.ds(s * ARPS, ARPS)])



def _tc0_body(x_ref, w_ref, h_ref):
    h_ref[...] = jnp.dot(x_ref[...], w_ref[...],
                         preferred_element_type=jnp.float32)


def _tc1_body(h_ref, degp_ref, g_ref, dinv_ref):
    deg = degp_ref[0, :N] + degp_ref[1, :N] + 1.0
    dinv = lax.rsqrt(deg)[:, None]
    g_ref[:N] = h_ref[...] * dinv
    g_ref[N:] = jnp.zeros((ZPAD, D), jnp.float32)
    dinv_ref[...] = dinv


def _tc2_body(s_ref, g_ref, dinv_ref, b_ref, gam_ref, bet_ref, w_ref,
              out_ref):
    agg = s_ref[0, :N] + s_ref[1, :N] + g_ref[:N]
    t = agg * dinv_ref[...] + b_ref[...]
    t = jnp.maximum(t, 0.0)
    mean = jnp.mean(t, axis=0, keepdims=True)
    var = jnp.mean(jnp.square(t - mean), axis=0, keepdims=True)
    bn = (t - mean) * lax.rsqrt(var + EPS) * gam_ref[...] + bet_ref[...]
    h2 = jnp.dot(bn, w_ref[...], preferred_element_type=jnp.float32)
    out_ref[:N] = h2 * dinv_ref[...]
    out_ref[N:] = jnp.zeros((ZPAD, D), jnp.float32)


def _tc3_body(s_ref, g_ref, dinv_ref, b_ref, gam_ref, bet_ref, wc_ref,
              bc_ref, out_ref):
    agg = s_ref[0, :N] + s_ref[1, :N] + g_ref[:N]
    t = agg * dinv_ref[...] + b_ref[...]
    t = jnp.maximum(t, 0.0)
    mean = jnp.mean(t, axis=0, keepdims=True)
    var = jnp.mean(jnp.square(t - mean), axis=0, keepdims=True)
    bn = (t - mean) * lax.rsqrt(var + EPS) * gam_ref[...] + bet_ref[...]
    out_ref[...] = (
        jnp.dot(bn, wc_ref[...], preferred_element_type=jnp.float32)
        + bc_ref[...])


_tc0 = pl.pallas_call(
    _tc0_body,
    out_shape=jax.ShapeDtypeStruct((N, D), jnp.float32),
)

_tc1 = pl.pallas_call(
    _tc1_body,
    out_shape=(jax.ShapeDtypeStruct((N + ZPAD, D), jnp.float32),
               jax.ShapeDtypeStruct((N, 1), jnp.float32)),
)

_tc2 = pl.pallas_call(
    _tc2_body,
    out_shape=jax.ShapeDtypeStruct((N + ZPAD, D), jnp.float32),
)

_tc3 = pl.pallas_call(
    _tc3_body,
    out_shape=jax.ShapeDtypeStruct((N, 1), jnp.float32),
)



def kernel(x, edge_index, W1, b1, g1, be1, W2, b2, g2, be2, Wc, bc):
    pad = E_PAD - E
    ar = jnp.arange(pad, dtype=jnp.int32)
    src = jnp.concatenate([edge_index[0].astype(jnp.int32),
                           N + (ar % ZPAD)])
    dst_agg = jnp.concatenate([edge_index[1].astype(jnp.int32), ar % N])
    dst_deg = jnp.concatenate([edge_index[1].astype(jnp.int32),
                               N + (ar % CHUNK)])
    src_r = src.reshape(NW, C, CHUNK)
    dsta_r = dst_agg.reshape(NW, C, CHUNK)
    dstd_r = dst_deg.reshape(NW, C, CHUNK)

    zeros1 = jnp.zeros((RPS,), jnp.float32)
    zeros2 = jnp.zeros((CHUNK, D), jnp.float32)

    degp = _deg_kernel(dstd_r, zeros1)
    h1 = _tc0(x, W1)
    g1x, dinv = _tc1(h1, degp)

    s1 = _agg_kernel(g1x, src_r, dsta_r, zeros2)
    g2x = _tc2(s1, g1x, dinv, b1.reshape(1, D), g1.reshape(1, D),
               be1.reshape(1, D), W2)

    s2 = _agg_kernel(g2x, src_r, dsta_r, zeros2)
    out = _tc3(s2, g2x, dinv, b2.reshape(1, D), g2.reshape(1, D),
               be2.reshape(1, D), Wc, bc.reshape(1, 1))
    return out

# --- scband reference (transcript-rebuilt; emitter-appended) ---
"""Pipeline reference for scband-gcn-10943576670613 (READ-ONLY COPY).

The authoritative reference and input builder live on the scoring server;
editing this copy changes nothing except your own understanding.
"""

import jax, jax.numpy as jnp
import numpy as np

N = 10000
E = 320000
IN_DIM = 128
HID = 128
OUT_DIM = 1
EPS = 1e-5


def setup_inputs(seed: int = 0) -> dict:
    key = jax.random.key(seed)
    ks = jax.random.split(key, 12)
    x = jax.random.normal(ks[0], (N, IN_DIM), dtype=jnp.float32)
    edge_index = jax.random.randint(ks[1], (2, E), 0, N)
    W1 = jax.random.normal(ks[2], (IN_DIM, HID), dtype=jnp.float32) * 0.05
    b1 = jax.random.normal(ks[3], (HID,), dtype=jnp.float32) * 0.05
    g1 = jnp.ones((HID,), dtype=jnp.float32)
    be1 = jnp.zeros((HID,), dtype=jnp.float32)
    W2 = jax.random.normal(ks[4], (HID, HID), dtype=jnp.float32) * 0.05
    b2 = jax.random.normal(ks[5], (HID,), dtype=jnp.float32) * 0.05
    g2 = jnp.ones((HID,), dtype=jnp.float32)
    be2 = jnp.zeros((HID,), dtype=jnp.float32)
    Wc = jax.random.normal(ks[6], (HID, OUT_DIM), dtype=jnp.float32) * 0.05
    bc = jax.random.normal(ks[7], (OUT_DIM,), dtype=jnp.float32) * 0.05
    return {"x": x, "edge_index": edge_index, "W1": W1, "b1": b1, "g1": g1, "be1": be1,
            "W2": W2, "b2": b2, "g2": g2, "be2": be2, "Wc": Wc, "bc": bc}


def batch_norm(h, gamma, beta):
    mean = jnp.mean(h, axis=0)
    var = jnp.var(h, axis=0)
    return (h - mean) / jnp.sqrt(var + EPS) * gamma + beta


def gcn_conv(x, edge_index, W, b):
    src = edge_index[0]
    dst = edge_index[1]
    loop = jnp.arange(N, dtype=src.dtype)
    src = jnp.concatenate([src, loop])
    dst = jnp.concatenate([dst, loop])
    h = x @ W
    deg = jnp.zeros((N,), dtype=h.dtype).at[dst].add(1.0)
    dinv = jnp.where(deg > 0, jax.lax.rsqrt(jnp.maximum(deg, 1e-12)), 0.0)
    norm = dinv[src] * dinv[dst]
    msg = h[src] * norm.reshape((-1,) + (1,) * (h.ndim - 1))
    out = jnp.zeros((N,) + h.shape[1:], dtype=h.dtype).at[dst].add(msg)
    return out + b


def reference(x, edge_index, W1, b1, g1, be1, W2, b2, g2, be2, Wc, bc):
    batch_size = x.shape[0]
    h = jax.nn.relu(gcn_conv(x, edge_index, W1, b1))
    h = h.reshape(-1, h.shape[-1])
    h = batch_norm(h, g1, be1)
    h = h.reshape(batch_size, -1, h.shape[-1])
    # dropout is identity in eval mode
    h = jax.nn.relu(gcn_conv(h, edge_index, W2, b2))
    h = h.reshape(-1, h.shape[-1])
    h = batch_norm(h, g2, be2)
    h = h.reshape(batch_size, -1, h.shape[-1])
    out = h @ Wc + bc
    out = jnp.squeeze(out, axis=-1)
    return out

if __name__ == "__main__":
    import jax
    _d = setup_inputs()
    print(jax.jit(kernel)(*tuple(_d.values())))

</pallas_src>

<mosaic_0001>
#map = affine_map<(d0, d1) -> (0, 0, 0)>
#map1 = affine_map<(d0, d1) -> (0)>
#map2 = affine_map<(d0, d1) -> (0, 0)>
module attributes {stable_mosaic.version = 14 : i64} {
  func.func @_deg_kernel(%arg0: i32, %arg1: i32, %arg2: memref<32x80x128xi32, #tpu.memory_space<hbm>>, %arg3: memref<640xf32, #tpu.memory_space<hbm>>, %arg4: memref<2x10240xf32, #tpu.memory_space<hbm>>, %arg5: memref<80x128xi32, #tpu.memory_space<vmem>>, %arg6: memref<128xf32, #tpu.memory_space<vmem>>, %arg7: memref<10240xf32, #tpu.memory_space<vmem_shared>>) attributes {dimension_semantics = [#tpu.dimension_semantics<core_parallel>, #tpu.dimension_semantics<subcore_parallel>], iteration_bounds = array<i64: 2, 16>, scalar_prefetch = 0 : i64, scratch_operands = 3 : i64, tpu.core_type = #tpu.core_type<sc_vector_subcore>, window_params = [{transform_indices = #map}, {transform_indices = #map1}, {transform_indices = #map2}]} {
    %mul3A = arith.constant 2 : i32
    %mul3A_0 = arith.muli %arg1, %mul3A : i32
    %add3A = arith.addi %mul3A_0, %arg0 : i32
    "tpu.region"() ({
      %run_scoped3A = tpu.sem_alloc : memref<!tpu.dma_semaphore, #tpu.memory_space<semaphore_mem>>
      %dma_start3A = arith.constant 0 : i32
      %dma_start3A_58 = arith.constant 0 : i32
      %dma_start3A_59 = tpu.memref_slice %arg2[%add3A, %dma_start3A, %dma_start3A_58] : memref<32x80x128xi32, #tpu.memory_space<hbm>> -> memref<1x80x128xi32, #tpu.memory_space<hbm>>
      %dma_start3A_60 = tpu.memref_squeeze %dma_start3A_59 : memref<1x80x128xi32, #tpu.memory_space<hbm>> -> memref<80x128xi32, #tpu.memory_space<hbm>>
      %dma_start3A_61 = arith.constant 0 : i32
      %dma_start3A_62 = arith.constant 0 : i32
      %dma_start3A_63 = tpu.memref_slice %arg2[%add3A, %dma_start3A_61, %dma_start3A_62] : memref<32x80x128xi32, #tpu.memory_space<hbm>> -> memref<1x80x128xi32, #tpu.memory_space<hbm>>
      %dma_start3A_64 = tpu.memref_squeeze %dma_start3A_63 : memref<1x80x128xi32, #tpu.memory_space<hbm>> -> memref<80x128xi32, #tpu.memory_space<hbm>>
      tpu.enqueue_dma source(%dma_start3A_64 : memref<80x128xi32, #tpu.memory_space<hbm>>) target(%arg5 : memref<80x128xi32, #tpu.memory_space<vmem>>) target_semaphore(%run_scoped3A : memref<!tpu.dma_semaphore, #tpu.memory_space<semaphore_mem>>)
      %dma_wait3A = arith.constant 0 : i32
      %dma_wait3A_65 = arith.constant 0 : i32
      %dma_wait3A_66 = tpu.memref_slice %arg2[%add3A, %dma_wait3A, %dma_wait3A_65] : memref<32x80x128xi32, #tpu.memory_space<hbm>> -> memref<1x80x128xi32, #tpu.memory_space<hbm>>
      %dma_wait3A_67 = tpu.memref_squeeze %dma_wait3A_66 : memref<1x80x128xi32, #tpu.memory_space<hbm>> -> memref<80x128xi32, #tpu.memory_space<hbm>>
      %dma_wait3A_68 = arith.constant 0 : i32
      %dma_wait3A_69 = arith.constant 0 : i32
      %dma_wait3A_70 = tpu.memref_slice %arg2[%add3A, %dma_wait3A_68, %dma_wait3A_69] : memref<32x80x128xi32, #tpu.memory_space<hbm>> -> memref<1x80x128xi32, #tpu.memory_space<hbm>>
      %dma_wait3A_71 = tpu.memref_squeeze %dma_wait3A_70 : memref<1x80x128xi32, #tpu.memory_space<hbm>> -> memref<80x128xi32, #tpu.memory_space<hbm>>
      tpu.wait_dma2 semaphore(%run_scoped3A : memref<!tpu.dma_semaphore, #tpu.memory_space<semaphore_mem>>) src(%dma_wait3A_71 : memref<80x128xi32, #tpu.memory_space<hbm>>) dst(%arg5 : memref<80x128xi32, #tpu.memory_space<vmem>>)
      tpu.yield
    }) : () -> ()
    %broadcast_in_dim3A = arith.constant 1.000000e+00 : f32
    %broadcast_in_dim3A_1 = vector.broadcast %broadcast_in_dim3A : f32 to vector<16xf32>
    %swap3A = arith.constant 0 : index
    %swap3A_2 = tpu.vector_load %arg6[%swap3A] {strides = array<i32>} : memref<128xf32, #tpu.memory_space<vmem>>, vector<16xf32>,
    %swap3A_3 = vector.shape_cast %swap3A_2 : vector<16xf32> to vector<16xf32>
    %swap3A_4 = vector.shape_cast %broadcast_in_dim3A_1 : vector<16xf32> to vector<16xf32>
    tpu.vector_store %arg6[%swap3A], %swap3A_4 {strides = array<i32>} : memref<128xf32, #tpu.memory_space<vmem>>, vector<16xf32>,
    %broadcast_in_dim3A_5 = arith.constant 1.000000e+00 : f32
    %broadcast_in_dim3A_6 = vector.broadcast %broadcast_in_dim3A_5 : f32 to vector<16xf32>
    %swap3A_7 = arith.constant 16 : index
    %swap3A_8 = tpu.vector_load %arg6[%swap3A_7] {strides = array<i32>} : memref<128xf32, #tpu.memory_space<vmem>>, vector<16xf32>,
    %swap3A_9 = vector.shape_cast %swap3A_8 : vector<16xf32> to vector<16xf32>
    %swap3A_10 = vector.shape_cast %broadcast_in_dim3A_6 : vector<16xf32> to vector<16xf32>
    tpu.vector_store %arg6[%swap3A_7], %swap3A_10 {strides = array<i32>} : memref<128xf32, #tpu.memory_space<vmem>>, vector<16xf32>,
    %broadcast_in_dim3A_11 = arith.constant 1.000000e+00 : f32
    %broadcast_in_dim3A_12 = vector.broadcast %broadcast_in_dim3A_11 : f32 to vector<16xf32>
    %swap3A_13 = arith.constant 32 : index
    %swap3A_14 = tpu.vector_load %arg6[%swap3A_13] {strides = array<i32>} : memref<128xf32, #tpu.memory_space<vmem>>, vector<16xf32>,
    %swap3A_15 = vector.shape_cast %swap3A_14 : vector<16xf32> to vector<16xf32>
    %swap3A_16 = vector.shape_cast %broadcast_in_dim3A_12 : vector<16xf32> to vector<16xf32>
    tpu.vector_store %arg6[%swap3A_13], %swap3A_16 {strides = array<i32>} : memref<128xf32, #tpu.memory_space<vmem>>, vector<16xf32>,
    %broadcast_in_dim3A_17 = arith.constant 1.000000e+00 : f32
    %broadcast_in_dim3A_18 = vector.broadcast %broadcast_in_dim3A_17 : f32 to vector<16xf32>
    %swap3A_19 = arith.constant 48 : index
    %swap3A_20 = tpu.vector_load %arg6[%swap3A_19] {strides = array<i32>} : memref<128xf32, #tpu.memory_space<vmem>>, vector<16xf32>,
    %swap3A_21 = vector.shape_cast %swap3A_20 : vector<16xf32> to vector<16xf32>
    %swap3A_22 = vector.shape_cast %broadcast_in_dim3A_18 : vector<16xf32> to vector<16xf32>
    tpu.vector_store %arg6[%swap3A_19], %swap3A_22 {strides = array<i32>} : memref<128xf32, #tpu.memory_space<vmem>>, vector<16xf32>,
    %broadcast_in_dim3A_23 = arith.constant 1.000000e+00 : f32
    %broadcast_in_dim3A_24 = vector.broadcast %broadcast_in_dim3A_23 : f32 to vector<16xf32>
    %swap3A_25 = arith.constant 64 : index
    %swap3A_26 = tpu.vector_load %arg6[%swap3A_25] {strides = array<i32>} : memref<128xf32, #tpu.memory_space<vmem>>, vector<16xf32>,
    %swap3A_27 = vector.shape_cast %swap3A_26 : vector<16xf32> to vector<16xf32>
    %swap3A_28 = vector.shape_cast %broadcast_in_dim3A_24 : vector<16xf32> to vector<16xf32>
    tpu.vector_store %arg6[%swap3A_25], %swap3A_28 {strides = array<i32>} : memref<128xf32, #tpu.memory_space<vmem>>, vector<16xf32>,
    %broadcast_in_dim3A_29 = arith.constant 1.000000e+00 : f32
    %broadcast_in_dim3A_30 = vector.broadcast %broadcast_in_dim3A_29 : f32 to vector<16xf32>
    %swap3A_31 = arith.constant 80 : index
    %swap3A_32 = tpu.vector_load %arg6[%swap3A_31] {strides = array<i32>} : memref<128xf32, #tpu.memory_space<vmem>>, vector<16xf32>,
    %swap3A_33 = vector.shape_cast %swap3A_32 : vector<16xf32> to vector<16xf32>
    %swap3A_34 = vector.shape_cast %broadcast_in_dim3A_30 : vector<16xf32> to vector<16xf32>
    tpu.vector_store %arg6[%swap3A_31], %swap3A_34 {strides = array<i32>} : memref<128xf32, #tpu.memory_space<vmem>>, vector<16xf32>,
    %broadcast_in_dim3A_35 = arith.constant 1.000000e+00 : f32
    %broadcast_in_dim3A_36 = vector.broadcast %broadcast_in_dim3A_35 : f32 to vector<16xf32>
    %swap3A_37 = arith.constant 96 : index
    %swap3A_38 = tpu.vector_load %arg6[%swap3A_37] {strides = array<i32>} : memref<128xf32, #tpu.memory_space<vmem>>, vector<16xf32>,
    %swap3A_39 = vector.shape_cast %swap3A_38 : vector<16xf32> to vector<16xf32>
    %swap3A_40 = vector.shape_cast %broadcast_in_dim3A_36 : vector<16xf32> to vector<16xf32>
    tpu.vector_store %arg6[%swap3A_37], %swap3A_40 {strides = array<i32>} : memref<128xf32, #tpu.memory_space<vmem>>, vector<16xf32>,
    %broadcast_in_dim3A_41 = arith.constant 1.000000e+00 : f32
    %broadcast_in_dim3A_42 = vector.broadcast %broadcast_in_dim3A_41 : f32 to vector<16xf32>
    %swap3A_43 = arith.constant 112 : index
    %swap3A_44 = tpu.vector_load %arg6[%swap3A_43] {strides = array<i32>} : memref<128xf32, #tpu.memory_space<vmem>>, vector<16xf32>,
    %swap3A_45 = vector.shape_cast %swap3A_44 : vector<16xf32> to vector<16xf32>
    %swap3A_46 = vector.shape_cast %broadcast_in_dim3A_42 : vector<16xf32> to vector<16xf32>
    tpu.vector_store %arg6[%swap3A_43], %swap3A_46 {strides = array<i32>} : memref<128xf32, #tpu.memory_space<vmem>>, vector<16xf32>,
    %mul3A_47 = arith.constant 640 : i32
    %mul3A_48 = arith.muli %arg1, %mul3A_47 : i32
    "tpu.region"() ({
      %run_scoped3A = tpu.sem_alloc : memref<!tpu.dma_semaphore, #tpu.memory_space<semaphore_mem>>
      %dma_start3A = tpu.memref_slice %arg7[%mul3A_48] : memref<10240xf32, #tpu.memory_space<vmem_shared>> -> memref<640xf32, #tpu.memory_space<vmem_shared>>
      tpu.enqueue_dma source(%arg3 : memref<640xf32, #tpu.memory_space<hbm>>) target(%dma_start3A : memref<640xf32, #tpu.memory_space<vmem_shared>>) target_semaphore(%run_scoped3A : memref<!tpu.dma_semaphore, #tpu.memory_space<semaphore_mem>>)
      %dma_wait3A = tpu.memref_slice %arg7[%mul3A_48] : memref<10240xf32, #tpu.memory_space<vmem_shared>> -> memref<640xf32, #tpu.memory_space<vmem_shared>>
      tpu.wait_dma2 semaphore(%run_scoped3A : memref<!tpu.dma_semaphore, #tpu.memory_space<semaphore_mem>>) src(%arg3 : memref<640xf32, #tpu.memory_space<hbm>>) dst(%dma_wait3A : memref<640xf32, #tpu.memory_space<vmem_shared>>)
      tpu.yield
    }) : () -> ()
    %barrier3A = arith.constant 0 : index
    tpu.barrier barrier_id(%barrier3A)
    %scan3A = arith.constant 0 : i32
    %scan3A_49 = arith.constant 80 : i32
    %scan3A_50 = arith.addi %scan3A, %scan3A_49 : i32
    %scan3A_51 = arith.constant 1 : i32
    scf.for %scan3A_58 = %scan3A to %scan3A_50 step %scan3A_51  : i32 {
      %mul3A_59 = arith.constant 1 : i32
      %mul3A_60 = arith.muli %scan3A_58, %mul3A_59 : i32
      %add3A_61 = arith.constant 0 : i32
      %add3A_62 = arith.addi %add3A_61, %mul3A_60 : i32
      "tpu.region"() ({
        %run_scoped3A = tpu.sem_alloc : memref<!tpu.dma_semaphore, #tpu.memory_space<semaphore_mem>>
        %dma_start3A = arith.constant 0 : i32
        %dma_start3A_63 = tpu.memref_slice %arg5[%add3A_62, %dma_start3A] : memref<80x128xi32, #tpu.memory_space<vmem>> -> memref<1x128xi32, #tpu.memory_space<vmem>>
        %dma_start3A_64 = tpu.memref_squeeze %dma_start3A_63 : memref<1x128xi32, #tpu.memory_space<vmem>> -> memref<128xi32, #tpu.memory_space<vmem>>
        %dma_start3A_65 = arith.constant 0 : i32
        %dma_start3A_66 = tpu.memref_slice %arg7[%dma_start3A_65] : memref<10240xf32, #tpu.memory_space<vmem_shared>> -> memref<10240xf32, #tpu.memory_space<vmem_shared>>
        tpu.enqueue_indirect_dma source(%arg6 : memref<128xf32, #tpu.memory_space<vmem>>) target(%dma_start3A_66 : memref<10240xf32, #tpu.memory_space<vmem_shared>>) offsets(%dma_start3A_64 : memref<128xi32, #tpu.memory_space<vmem>>) semaphore(%run_scoped3A : memref<!tpu.dma_semaphore, #tpu.memory_space<semaphore_mem>>) {add = true}
        %dma_wait3A = arith.constant 0 : i32
        %dma_wait3A_67 = tpu.memref_slice %arg5[%add3A_62, %dma_wait3A] : memref<80x128xi32, #tpu.memory_space<vmem>> -> memref<1x128xi32, #tpu.memory_space<vmem>>
        %dma_wait3A_68 = tpu.memref_squeeze %dma_wait3A_67 : memref<1x128xi32, #tpu.memory_space<vmem>> -> memref<128xi32, #tpu.memory_space<vmem>>
        %dma_wait3A_69 = arith.constant 0 : i32
        %dma_wait3A_70 = tpu.memref_slice %arg7[%dma_wait3A_69] : memref<10240xf32, #tpu.memory_space<vmem_shared>> -> memref<10240xf32, #tpu.memory_space<vmem_shared>>
        tpu.wait_indirect_dma semaphore(%run_scoped3A : memref<!tpu.dma_semaphore, #tpu.memory_space<semaphore_mem>>) src(%arg6 : memref<128xf32, #tpu.memory_space<vmem>>) dst(%dma_wait3A_70 : memref<10240xf32, #tpu.memory_space<vmem_shared>>)
        tpu.yield
      }) : () -> ()
    }
    %scan3A_52 = arith.constant 80 : i32
    %barrier3A_53 = arith.constant 0 : index
    tpu.barrier barrier_id(%barrier3A_53)
    %mul3A_54 = arith.constant 640 : i32
    %mul3A_55 = arith.muli %arg1, %mul3A_54 : i32
    %mul3A_56 = arith.constant 640 : i32
    %mul3A_57 = arith.muli %arg1, %mul3A_56 : i32
    "tpu.region"() ({
      %run_scoped3A = tpu.sem_alloc : memref<!tpu.dma_semaphore, #tpu.memory_space<semaphore_mem>>
      %dma_start3A = tpu.memref_slice %arg4[%arg0, %mul3A_57] : memref<2x10240xf32, #tpu.memory_space<hbm>> -> memref<1x640xf32, #tpu.memory_space<hbm>>
      %dma_start3A_58 = tpu.memref_squeeze %dma_start3A : memref<1x640xf32, #tpu.memory_space<hbm>> -> memref<640xf32, #tpu.memory_space<hbm>>
      %dma_start3A_59 = tpu.memref_slice %arg7[%mul3A_55] : memref<10240xf32, #tpu.memory_space<vmem_shared>> -> memref<640xf32, #tpu.memory_space<vmem_shared>>
      tpu.enqueue_dma source(%dma_start3A_59 : memref<640xf32, #tpu.memory_space<vmem_shared>>) target(%dma_start3A_58 : memref<640xf32, #tpu.memory_space<hbm>>) target_semaphore(%run_scoped3A : memref<!tpu.dma_semaphore, #tpu.memory_space<semaphore_mem>>)
      %dma_wait3A = tpu.memref_slice %arg4[%arg0, %mul3A_57] : memref<2x10240xf32, #tpu.memory_space<hbm>> -> memref<1x640xf32, #tpu.memory_space<hbm>>
      %dma_wait3A_60 = tpu.memref_squeeze %dma_wait3A : memref<1x640xf32, #tpu.memory_space<hbm>> -> memref<640xf32, #tpu.memory_space<hbm>>
      %dma_wait3A_61 = tpu.memref_slice %arg7[%mul3A_55] : memref<10240xf32, #tpu.memory_space<vmem_shared>> -> memref<640xf32, #tpu.memory_space<vmem_shared>>
      tpu.wait_dma2 semaphore(%run_scoped3A : memref<!tpu.dma_semaphore, #tpu.memory_space<semaphore_mem>>) src(%dma_wait3A_61 : memref<640xf32, #tpu.memory_space<vmem_shared>>) dst(%dma_wait3A_60 : memref<640xf32, #tpu.memory_space<hbm>>)
      tpu.yield
    }) : () -> ()
    return
  }
}

#map = affine_map<(d0, d1) -> (0, 0)>
#map1 = affine_map<(d0, d1) -> (0, 0, 0)>
module attributes {stable_mosaic.version = 14 : i64} {
  func.func @_agg_kernel(%arg0: i32, %arg1: i32, %arg2: memref<10128x128xf32, #tpu.memory_space<hbm>>, %arg3: memref<32x80x128xi32, #tpu.memory_space<hbm>>, %arg4: memref<32x80x128xi32, #tpu.memory_space<hbm>>, %arg5: memref<128x128xf32, #tpu.memory_space<hbm>>, %arg6: memref<2x10112x128xf32, #tpu.memory_space<hbm>>, %arg7: memref<80x128xi32, #tpu.memory_space<vmem>>, %arg8: memref<40x128xi32, #tpu.memory_space<vmem>>, %arg9: memref<2x128x128xf32, #tpu.memory_space<vmem>>, %arg10: memref<10112x128xf32, #tpu.memory_space<vmem_shared>>, %arg11: memref<!tpu.dma_semaphore, #tpu.memory_space<semaphore_mem>>, %arg12: memref<!tpu.dma_semaphore, #tpu.memory_space<semaphore_mem>>, %arg13: memref<!tpu.dma_semaphore, #tpu.memory_space<semaphore_mem>>, %arg14: memref<!tpu.dma_semaphore, #tpu.memory_space<semaphore_mem>>) attributes {dimension_semantics = [#tpu.dimension_semantics<core_parallel>, #tpu.dimension_semantics<subcore_parallel>], iteration_bounds = array<i64: 2, 16>, scalar_prefetch = 0 : i64, scratch_operands = 8 : i64, tpu.core_type = #tpu.core_type<sc_vector_subcore>, window_params = [{transform_indices = #map}, {transform_indices = #map1}, {transform_indices = #map1}, {transform_indices = #map}, {transform_indices = #map1}]} {
    %mul3A = arith.constant 2 : i32
    %mul3A_0 = arith.muli %arg1, %mul3A : i32
    %add3A = arith.addi %mul3A_0, %arg0 : i32
    %run_scoped3A = arith.constant 0 : i32
    "tpu.region"() ({
      %run_scoped3A_251 = tpu.sem_alloc : memref<!tpu.dma_semaphore, #tpu.memory_space<semaphore_mem>>
      %dma_start3A_252 = arith.constant 0 : i32
      %dma_start3A_253 = arith.constant 0 : i32
      %dma_start3A_254 = tpu.memref_slice %arg9[%run_scoped3A, %dma_start3A_252, %dma_start3A_253] : memref<2x128x128xf32, #tpu.memory_space<vmem>> -> memref<1x128x128xf32, #tpu.memory_space<vmem>>
      %dma_start3A_255 = tpu.memref_squeeze %dma_start3A_254 : memref<1x128x128xf32, #tpu.memory_space<vmem>> -> memref<128x128xf32, #tpu.memory_space<vmem>>
      %dma_start3A_256 = arith.constant 0 : i32
      %dma_start3A_257 = arith.constant 0 : i32
      %dma_start3A_258 = tpu.memref_slice %arg9[%run_scoped3A, %dma_start3A_256, %dma_start3A_257] : memref<2x128x128xf32, #tpu.memory_space<vmem>> -> memref<1x128x128xf32, #tpu.memory_space<vmem>>
      %dma_start3A_259 = tpu.memref_squeeze %dma_start3A_258 : memref<1x128x128xf32, #tpu.memory_space<vmem>> -> memref<128x128xf32, #tpu.memory_space<vmem>>
      tpu.enqueue_dma source(%arg5 : memref<128x128xf32, #tpu.memory_space<hbm>>) target(%dma_start3A_259 : memref<128x128xf32, #tpu.memory_space<vmem>>) target_semaphore(%run_scoped3A_251 : memref<!tpu.dma_semaphore, #tpu.memory_space<semaphore_mem>>)
      %dma_wait3A_260 = arith.constant 0 : i32
      %dma_wait3A_261 = arith.constant 0 : i32
      %dma_wait3A_262 = tpu.memref_slice %arg9[%run_scoped3A, %dma_wait3A_260, %dma_wait3A_261] : memref<2x128x128xf32, #tpu.memory_space<vmem>> -> memref<1x128x128xf32, #tpu.memory_space<vmem>>
      %dma_wait3A_263 = tpu.memref_squeeze %dma_wait3A_262 : memref<1x128x128xf32, #tpu.memory_space<vmem>> -> memref<128x128xf32, #tpu.memory_space<vmem>>
      %dma_wait3A_264 = arith.constant 0 : i32
      %dma_wait3A_265 = arith.constant 0 : i32
      %dma_wait3A_266 = tpu.memref_slice %arg9[%run_scoped3A, %dma_wait3A_264, %dma_wait3A_265] : memref<2x128x128xf32, #tpu.memory_space<vmem>> -> memref<1x128x128xf32, #tpu.memory_space<vmem>>
      %dma_wait3A_267 = tpu.memref_squeeze %dma_wait3A_266 : memref<1x128x128xf32, #tpu.memory_space<vmem>> -> memref<128x128xf32, #tpu.memory_space<vmem>>
      tpu.wait_dma2 semaphore(%run_scoped3A_251 : memref<!tpu.dma_semaphore, #tpu.memory_space<semaphore_mem>>) src(%arg5 : memref<128x128xf32, #tpu.memory_space<hbm>>) dst(%dma_wait3A_267 : memref<128x128xf32, #tpu.memory_space<vmem>>)
      tpu.yield
    }) : () -> ()
    %mul3A_1 = arith.constant 632 : i32
    %mul3A_2 = arith.muli %arg1, %mul3A_1 : i32
    %add3A_3 = arith.constant 0 : i32
    %add3A_4 = arith.addi %mul3A_2, %add3A_3 : i32
    %dma_start3A = arith.constant 0 : i32
    %dma_start3A_5 = arith.constant 0 : i32
    %dma_start3A_6 = arith.constant 0 : i32
    %dma_start3A_7 = tpu.memref_slice %arg9[%dma_start3A, %dma_start3A_5, %dma_start3A_6] : memref<2x128x128xf32, #tpu.memory_space<vmem>> -> memref<1x128x128xf32, #tpu.memory_space<vmem>>
    %dma_start3A_8 = tpu.memref_squeeze %dma_start3A_7 : memref<1x128x128xf32, #tpu.memory_space<vmem>> -> memref<128x128xf32, #tpu.memory_space<vmem>>
    %dma_start3A_9 = arith.constant 0 : i32
    %dma_start3A_10 = tpu.memref_slice %arg10[%add3A_4, %dma_start3A_9] : memref<10112x128xf32, #tpu.memory_space<vmem_shared>> -> memref<128x128xf32, #tpu.memory_space<vmem_shared>>
    %dma_start3A_11 = arith.constant 0 : i32
    %dma_start3A_12 = tpu.memref_slice %arg10[%add3A_4, %dma_start3A_11] : memref<10112x128xf32, #tpu.memory_space<vmem_shared>> -> memref<128x128xf32, #tpu.memory_space<vmem_shared>>
    %dma_start3A_13 = arith.constant 0 : i32
    %dma_start3A_14 = arith.constant 0 : i32
    %dma_start3A_15 = tpu.memref_slice %arg9[%dma_start3A, %dma_start3A_13, %dma_start3A_14] : memref<2x128x128xf32, #tpu.memory_space<vmem>> -> memref<1x128x128xf32, #tpu.memory_space<vmem>>
    %dma_start3A_16 = tpu.memref_squeeze %dma_start3A_15 : memref<1x128x128xf32, #tpu.memory_space<vmem>> -> memref<128x128xf32, #tpu.memory_space<vmem>>
    tpu.enqueue_dma source(%dma_start3A_16 : memref<128x128xf32, #tpu.memory_space<vmem>>) target(%dma_start3A_12 : memref<128x128xf32, #tpu.memory_space<vmem_shared>>) target_semaphore(%arg11 : memref<!tpu.dma_semaphore, #tpu.memory_space<semaphore_mem>>)
    %mul3A_17 = arith.constant 632 : i32
    %mul3A_18 = arith.muli %arg1, %mul3A_17 : i32
    %add3A_19 = arith.constant 128 : i32
    %add3A_20 = arith.addi %mul3A_18, %add3A_19 : i32
    %dma_start3A_21 = arith.constant 0 : i32
    %dma_start3A_22 = arith.constant 0 : i32
    %dma_start3A_23 = arith.constant 0 : i32
    %dma_start3A_24 = tpu.memref_slice %arg9[%dma_start3A_21, %dma_start3A_22, %dma_start3A_23] : memref<2x128x128xf32, #tpu.memory_space<vmem>> -> memref<1x128x128xf32, #tpu.memory_space<vmem>>
    %dma_start3A_25 = tpu.memref_squeeze %dma_start3A_24 : memref<1x128x128xf32, #tpu.memory_space<vmem>> -> memref<128x128xf32, #tpu.memory_space<vmem>>
    %dma_start3A_26 = arith.constant 0 : i32
    %dma_start3A_27 = tpu.memref_slice %arg10[%add3A_20, %dma_start3A_26] : memref<10112x128xf32, #tpu.memory_space<vmem_shared>> -> memref<128x128xf32, #tpu.memory_space<vmem_shared>>
    %dma_start3A_28 = arith.constant 0 : i32
    %dma_start3A_29 = tpu.memref_slice %arg10[%add3A_20, %dma_start3A_28] : memref<10112x128xf32, #tpu.memory_space<vmem_shared>> -> memref<128x128xf32, #tpu.memory_space<vmem_shared>>
    %dma_start3A_30 = arith.constant 0 : i32
    %dma_start3A_31 = arith.constant 0 : i32
    %dma_start3A_32 = tpu.memref_slice %arg9[%dma_start3A_21, %dma_start3A_30, %dma_start3A_31] : memref<2x128x128xf32, #tpu.memory_space<vmem>> -> memref<1x128x128xf32, #tpu.memory_space<vmem>>
    %dma_start3A_33 = tpu.memref_squeeze %dma_start3A_32 : memref<1x128x128xf32, #tpu.memory_space<vmem>> -> memref<128x128xf32, #tpu.memory_space<vmem>>
    tpu.enqueue_dma source(%dma_start3A_33 : memref<128x128xf32, #tpu.memory_space<vmem>>) target(%dma_start3A_29 : memref<128x128xf32, #tpu.memory_space<vmem_shared>>) target_semaphore(%arg11 : memref<!tpu.dma_semaphore, #tpu.memory_space<semaphore_mem>>)
    %mul3A_34 = arith.constant 632 : i32
    %mul3A_35 = arith.muli %arg1, %mul3A_34 : i32
    %add3A_36 = arith.constant 256 : i32
    %add3A_37 = arith.addi %mul3A_35, %add3A_36 : i32
    %dma_start3A_38 = arith.constant 0 : i32
    %dma_start3A_39 = arith.constant 0 : i32
    %dma_start3A_40 = arith.constant 0 : i32
    %dma_start3A_41 = tpu.memref_slice %arg9[%dma_start3A_38, %dma_start3A_39, %dma_start3A_40] : memref<2x128x128xf32, #tpu.memory_space<vmem>> -> memref<1x128x128xf32, #tpu.memory_space<vmem>>
    %dma_start3A_42 = tpu.memref_squeeze %dma_start3A_41 : memref<1x128x128xf32, #tpu.memory_space<vmem>> -> memref<128x128xf32, #tpu.memory_space<vmem>>
    %dma_start3A_43 = arith.constant 0 : i32
    %dma_start3A_44 = tpu.memref_slice %arg10[%add3A_37, %dma_start3A_43] : memref<10112x128xf32, #tpu.memory_space<vmem_shared>> -> memref<128x128xf32, #tpu.memory_space<vmem_shared>>
    %dma_start3A_45 = arith.constant 0 : i32
    %dma_start3A_46 = tpu.memref_slice %arg10[%add3A_37, %dma_start3A_45] : memref<10112x128xf32, #tpu.memory_space<vmem_shared>> -> memref<128x128xf32, #tpu.memory_space<vmem_shared>>
    %dma_start3A_47 = arith.constant 0 : i32
    %dma_start3A_48 = arith.constant 0 : i32
    %dma_start3A_49 = tpu.memref_slice %arg9[%dma_start3A_38, %dma_start3A_47, %dma_start3A_48] : memref<2x128x128xf32, #tpu.memory_space<vmem>> -> memref<1x128x128xf32, #tpu.memory_space<vmem>>
    %dma_start3A_50 = tpu.memref_squeeze %dma_start3A_49 : memref<1x128x128xf32, #tpu.memory_space<vmem>> -> memref<128x128xf32, #tpu.memory_space<vmem>>
    tpu.enqueue_dma source(%dma_start3A_50 : memref<128x128xf32, #tpu.memory_space<vmem>>) target(%dma_start3A_46 : memref<128x128xf32, #tpu.memory_space<vmem_shared>>) target_semaphore(%arg11 : memref<!tpu.dma_semaphore, #tpu.memory_space<semaphore_mem>>)
    %mul3A_51 = arith.constant 632 : i32
    %mul3A_52 = arith.muli %arg1, %mul3A_51 : i32
    %add3A_53 = arith.constant 384 : i32
    %add3A_54 = arith.addi %mul3A_52, %add3A_53 : i32
    %dma_start3A_55 = arith.constant 0 : i32
    %dma_start3A_56 = arith.constant 0 : i32
    %dma_start3A_57 = arith.constant 0 : i32
    %dma_start3A_58 = tpu.memref_slice %arg9[%dma_start3A_55, %dma_start3A_56, %dma_start3A_57] : memref<2x128x128xf32, #tpu.memory_space<vmem>> -> memref<1x128x128xf32, #tpu.memory_space<vmem>>
    %dma_start3A_59 = tpu.memref_squeeze %dma_start3A_58 : memref<1x128x128xf32, #tpu.memory_space<vmem>> -> memref<128x128xf32, #tpu.memory_space<vmem>>
    %dma_start3A_60 = arith.constant 0 : i32
    %dma_start3A_61 = tpu.memref_slice %arg10[%add3A_54, %dma_start3A_60] : memref<10112x128xf32, #tpu.memory_space<vmem_shared>> -> memref<128x128xf32, #tpu.memory_space<vmem_shared>>
    %dma_start3A_62 = arith.constant 0 : i32
    %dma_start3A_63 = tpu.memref_slice %arg10[%add3A_54, %dma_start3A_62] : memref<10112x128xf32, #tpu.memory_space<vmem_shared>> -> memref<128x128xf32, #tpu.memory_space<vmem_shared>>
    %dma_start3A_64 = arith.constant 0 : i32
    %dma_start3A_65 = arith.constant 0 : i32
    %dma_start3A_66 = tpu.memref_slice %arg9[%dma_start3A_55, %dma_start3A_64, %dma_start3A_65] : memref<2x128x128xf32, #tpu.memory_space<vmem>> -> memref<1x128x128xf32, #tpu.memory_space<vmem>>
    %dma_start3A_67 = tpu.memref_squeeze %dma_start3A_66 : memref<1x128x128xf32, #tpu.memory_space<vmem>> -> memref<128x128xf32, #tpu.memory_space<vmem>>
    tpu.enqueue_dma source(%dma_start3A_67 : memref<128x128xf32, #tpu.memory_space<vmem>>) target(%dma_start3A_63 : memref<128x128xf32, #tpu.memory_space<vmem_shared>>) target_semaphore(%arg11 : memref<!tpu.dma_semaphore, #tpu.memory_space<semaphore_mem>>)
    %mul3A_68 = arith.constant 632 : i32
    %mul3A_69 = arith.muli %arg1, %mul3A_68 : i32
    %add3A_70 = arith.constant 512 : i32
    %add3A_71 = arith.addi %mul3A_69, %add3A_70 : i32
    "tpu.region"() ({
      %run_scoped3A_251 = tpu.sem_alloc : memref<!tpu.dma_semaphore, #tpu.memory_space<semaphore_mem>>
      %dma_start3A_252 = arith.constant 0 : i32
      %dma_start3A_253 = tpu.memref_slice %arg10[%add3A_71, %dma_start3A_252] : memref<10112x128xf32, #tpu.memory_space<vmem_shared>> -> memref<120x128xf32, #tpu.memory_space<vmem_shared>>
      %dma_start3A_254 = arith.constant 0 : i32
      %dma_start3A_255 = arith.constant 0 : i32
      %dma_start3A_256 = tpu.memref_slice %arg5[%dma_start3A_254, %dma_start3A_255] : memref<128x128xf32, #tpu.memory_space<hbm>> -> memref<120x128xf32, #tpu.memory_space<hbm>>
      tpu.enqueue_dma source(%dma_start3A_256 : memref<120x128xf32, #tpu.memory_space<hbm>>) target(%dma_start3A_253 : memref<120x128xf32, #tpu.memory_space<vmem_shared>>) target_semaphore(%run_scoped3A_251 : memref<!tpu.dma_semaphore, #tpu.memory_space<semaphore_mem>>)
      %dma_wait3A_257 = arith.constant 0 : i32
      %dma_wait3A_258 = tpu.memref_slice %arg10[%add3A_71, %dma_wait3A_257] : memref<10112x128xf32, #tpu.memory_space<vmem_shared>> -> memref<120x128xf32, #tpu.memory_space<vmem_shared>>
      %dma_wait3A_259 = arith.constant 0 : i32
      %dma_wait3A_260 = arith.constant 0 : i32
      %dma_wait3A_261 = tpu.memref_slice %arg5[%dma_wait3A_259, %dma_wait3A_260] : memref<128x128xf32, #tpu.memory_space<hbm>> -> memref<120x128xf32, #tpu.memory_space<hbm>>
      tpu.wait_dma2 semaphore(%run_scoped3A_251 : memref<!tpu.dma_semaphore, #tpu.memory_space<semaphore_mem>>) src(%dma_wait3A_261 : memref<120x128xf32, #tpu.memory_space<hbm>>) dst(%dma_wait3A_258 : memref<120x128xf32, #tpu.memory_space<vmem_shared>>)
      tpu.yield
    }) : () -> ()
    %mul3A_72 = arith.constant 632 : i32
    %mul3A_73 = arith.muli %arg1, %mul3A_72 : i32
    %add3A_74 = arith.constant 0 : i32
    %add3A_75 = arith.addi %mul3A_73, %add3A_74 : i32
    %dma_wait3A = arith.constant 0 : i32
    %dma_wait3A_76 = arith.constant 0 : i32
    %dma_wait3A_77 = arith.constant 0 : i32
    %dma_wait3A_78 = tpu.memref_slice %arg9[%dma_wait3A, %dma_wait3A_76, %dma_wait3A_77] : memref<2x128x128xf32, #tpu.memory_space<vmem>> -> memref<1x128x128xf32, #tpu.memory_space<vmem>>
    %dma_wait3A_79 = tpu.memref_squeeze %dma_wait3A_78 : memref<1x128x128xf32, #tpu.memory_space<vmem>> -> memref<128x128xf32, #tpu.memory_space<vmem>>
    %dma_wait3A_80 = arith.constant 0 : i32
    %dma_wait3A_81 = tpu.memref_slice %arg10[%add3A_75, %dma_wait3A_80] : memref<10112x128xf32, #tpu.memory_space<vmem_shared>> -> memref<128x128xf32, #tpu.memory_space<vmem_shared>>
    %dma_wait3A_82 = arith.constant 0 : i32
    %dma_wait3A_83 = tpu.memref_slice %arg10[%add3A_75, %dma_wait3A_82] : memref<10112x128xf32, #tpu.memory_space<vmem_shared>> -> memref<128x128xf32, #tpu.memory_space<vmem_shared>>
    %dma_wait3A_84 = arith.constant 0 : i32
    %dma_wait3A_85 = arith.constant 0 : i32
    %dma_wait3A_86 = tpu.memref_slice %arg9[%dma_wait3A, %dma_wait3A_84, %dma_wait3A_85] : memref<2x128x128xf32, #tpu.memory_space<vmem>> -> memref<1x128x128xf32, #tpu.memory_space<vmem>>
    %dma_wait3A_87 = tpu.memref_squeeze %dma_wait3A_86 : memref<1x128x128xf32, #tpu.memory_space<vmem>> -> memref<128x128xf32, #tpu.memory_space<vmem>>
    tpu.wait_dma2 semaphore(%arg11 : memref<!tpu.dma_semaphore, #tpu.memory_space<semaphore_mem>>) src(%dma_wait3A_87 : memref<128x128xf32, #tpu.memory_space<vmem>>) dst(%dma_wait3A_83 : memref<128x128xf32, #tpu.memory_space<vmem_shared>>)
    %mul3A_88 = arith.constant 632 : i32
    %mul3A_89 = arith.muli %arg1, %mul3A_88 : i32
    %add3A_90 = arith.constant 128 : i32
    %add3A_91 = arith.addi %mul3A_89, %add3A_90 : i32
    %dma_wait3A_92 = arith.constant 0 : i32
    %dma_wait3A_93 = arith.constant 0 : i32
    %dma_wait3A_94 = arith.constant 0 : i32
    %dma_wait3A_95 = tpu.memref_slice %arg9[%dma_wait3A_92, %dma_wait3A_93, %dma_wait3A_94] : memref<2x128x128xf32, #tpu.memory_space<vmem>> -> memref<1x128x128xf32, #tpu.memory_space<vmem>>
    %dma_wait3A_96 = tpu.memref_squeeze %dma_wait3A_95 : memref<1x128x128xf32, #tpu.memory_space<vmem>> -> memref<128x128xf32, #tpu.memory_space<vmem>>
    %dma_wait3A_97 = arith.constant 0 : i32
    %dma_wait3A_98 = tpu.memref_slice %arg10[%add3A_91, %dma_wait3A_97] : memref<10112x128xf32, #tpu.memory_space<vmem_shared>> -> memref<128x128xf32, #tpu.memory_space<vmem_shared>>
    %dma_wait3A_99 = arith.constant 0 : i32
    %dma_wait3A_100 = tpu.memref_slice %arg10[%add3A_91, %dma_wait3A_99] : memref<10112x128xf32, #tpu.memory_space<vmem_shared>> -> memref<128x128xf32, #tpu.memory_space<vmem_shared>>
    %dma_wait3A_101 = arith.constant 0 : i32
    %dma_wait3A_102 = arith.constant 0 : i32
    %dma_wait3A_103 = tpu.memref_slice %arg9[%dma_wait3A_92, %dma_wait3A_101, %dma_wait3A_102] : memref<2x128x128xf32, #tpu.memory_space<vmem>> -> memref<1x128x128xf32, #tpu.memory_space<vmem>>
    %dma_wait3A_104 = tpu.memref_squeeze %dma_wait3A_103 : memref<1x128x128xf32, #tpu.memory_space<vmem>> -> memref<128x128xf32, #tpu.memory_space<vmem>>
    tpu.wait_dma2 semaphore(%arg11 : memref<!tpu.dma_semaphore, #tpu.memory_space<semaphore_mem>>) src(%dma_wait3A_104 : memref<128x128xf32, #tpu.memory_space<vmem>>) dst(%dma_wait3A_100 : memref<128x128xf32, #tpu.memory_space<vmem_shared>>)
    %mul3A_105 = arith.constant 632 : i32
    %mul3A_106 = arith.muli %arg1, %mul3A_105 : i32
    %add3A_107 = arith.constant 256 : i32
    %add3A_108 = arith.addi %mul3A_106, %add3A_107 : i32
    %dma_wait3A_109 = arith.constant 0 : i32
    %dma_wait3A_110 = arith.constant 0 : i32
    %dma_wait3A_111 = arith.constant 0 : i32
    %dma_wait3A_112 = tpu.memref_slice %arg9[%dma_wait3A_109, %dma_wait3A_110, %dma_wait3A_111] : memref<2x128x128xf32, #tpu.memory_space<vmem>> -> memref<1x128x128xf32, #tpu.memory_space<vmem>>
    %dma_wait3A_113 = tpu.memref_squeeze %dma_wait3A_112 : memref<1x128x128xf32, #tpu.memory_space<vmem>> -> memref<128x128xf32, #tpu.memory_space<vmem>>
    %dma_wait3A_114 = arith.constant 0 : i32
    %dma_wait3A_115 = tpu.memref_slice %arg10[%add3A_108, %dma_wait3A_114] : memref<10112x128xf32, #tpu.memory_space<vmem_shared>> -> memref<128x128xf32, #tpu.memory_space<vmem_shared>>
    %dma_wait3A_116 = arith.constant 0 : i32
    %dma_wait3A_117 = tpu.memref_slice %arg10[%add3A_108, %dma_wait3A_116] : memref<10112x128xf32, #tpu.memory_space<vmem_shared>> -> memref<128x128xf32, #tpu.memory_space<vmem_shared>>
    %dma_wait3A_118 = arith.constant 0 : i32
    %dma_wait3A_119 = arith.constant 0 : i32
    %dma_wait3A_120 = tpu.memref_slice %arg9[%dma_wait3A_109, %dma_wait3A_118, %dma_wait3A_119] : memref<2x128x128xf32, #tpu.memory_space<vmem>> -> memref<1x128x128xf32, #tpu.memory_space<vmem>>
    %dma_wait3A_121 = tpu.memref_squeeze %dma_wait3A_120 : memref<1x128x128xf32, #tpu.memory_space<vmem>> -> memref<128x128xf32, #tpu.memory_space<vmem>>
    tpu.wait_dma2 semaphore(%arg11 : memref<!tpu.dma_semaphore, #tpu.memory_space<semaphore_mem>>) src(%dma_wait3A_121 : memref<128x128xf32, #tpu.memory_space<vmem>>) dst(%dma_wait3A_117 : memref<128x128xf32, #tpu.memory_space<vmem_shared>>)
    %mul3A_122 = arith.constant 632 : i32
    %mul3A_123 = arith.muli %arg1, %mul3A_122 : i32
    %add3A_124 = arith.constant 384 : i32
    %add3A_125 = arith.addi %mul3A_123, %add3A_124 : i32
    %dma_wait3A_126 = arith.constant 0 : i32
    %dma_wait3A_127 = arith.constant 0 : i32
    %dma_wait3A_128 = arith.constant 0 : i32
    %dma_wait3A_129 = tpu.memref_slice %arg9[%dma_wait3A_126, %dma_wait3A_127, %dma_wait3A_128] : memref<2x128x128xf32, #tpu.memory_space<vmem>> -> memref<1x128x128xf32, #tpu.memory_space<vmem>>
    %dma_wait3A_130 = tpu.memref_squeeze %dma_wait3A_129 : memref<1x128x128xf32, #tpu.memory_space<vmem>> -> memref<128x128xf32, #tpu.memory_space<vmem>>
    %dma_wait3A_131 = arith.constant 0 : i32
    %dma_wait3A_132 = tpu.memref_slice %arg10[%add3A_125, %dma_wait3A_131] : memref<10112x128xf32, #tpu.memory_space<vmem_shared>> -> memref<128x128xf32, #tpu.memory_space<vmem_shared>>
    %dma_wait3A_133 = arith.constant 0 : i32
    %dma_wait3A_134 = tpu.memref_slice %arg10[%add3A_125, %dma_wait3A_133] : memref<10112x128xf32, #tpu.memory_space<vmem_shared>> -> memref<128x128xf32, #tpu.memory_space<vmem_shared>>
    %dma_wait3A_135 = arith.constant 0 : i32
    %dma_wait3A_136 = arith.constant 0 : i32
    %dma_wait3A_137 = tpu.memref_slice %arg9[%dma_wait3A_126, %dma_wait3A_135, %dma_wait3A_136] : memref<2x128x128xf32, #tpu.memory_space<vmem>> -> memref<1x128x128xf32, #tpu.memory_space<vmem>>
    %dma_wait3A_138 = tpu.memref_squeeze %dma_wait3A_137 : memref<1x128x128xf32, #tpu.memory_space<vmem>> -> memref<128x128xf32, #tpu.memory_space<vmem>>
    tpu.wait_dma2 semaphore(%arg11 : memref<!tpu.dma_semaphore, #tpu.memory_space<semaphore_mem>>) src(%dma_wait3A_138 : memref<128x128xf32, #tpu.memory_space<vmem>>) dst(%dma_wait3A_134 : memref<128x128xf32, #tpu.memory_space<vmem_shared>>)
    %barrier3A = arith.constant 0 : index
    tpu.barrier barrier_id(%barrier3A)
    "tpu.region"() ({
      %run_scoped3A_251 = tpu.sem_alloc : memref<!tpu.dma_semaphore, #tpu.memory_space<semaphore_mem>>
      %dma_start3A_252 = arith.constant 0 : i32
      %dma_start3A_253 = arith.constant 0 : i32
      %dma_start3A_254 = tpu.memref_slice %arg3[%add3A, %dma_start3A_252, %dma_start3A_253] : memref<32x80x128xi32, #tpu.memory_space<hbm>> -> memref<1x80x128xi32, #tpu.memory_space<hbm>>
      %dma_start3A_255 = tpu.memref_squeeze %dma_start3A_254 : memref<1x80x128xi32, #tpu.memory_space<hbm>> -> memref<80x128xi32, #tpu.memory_space<hbm>>
      %dma_start3A_256 = arith.constant 0 : i32
      %dma_start3A_257 = arith.constant 0 : i32
      %dma_start3A_258 = tpu.memref_slice %arg3[%add3A, %dma_start3A_256, %dma_start3A_257] : memref<32x80x128xi32, #tpu.memory_space<hbm>> -> memref<1x80x128xi32, #tpu.memory_space<hbm>>
      %dma_start3A_259 = tpu.memref_squeeze %dma_start3A_258 : memref<1x80x128xi32, #tpu.memory_space<hbm>> -> memref<80x128xi32, #tpu.memory_space<hbm>>
      tpu.enqueue_dma source(%dma_start3A_259 : memref<80x128xi32, #tpu.memory_space<hbm>>) target(%arg7 : memref<80x128xi32, #tpu.memory_space<vmem>>) target_semaphore(%run_scoped3A_251 : memref<!tpu.dma_semaphore, #tpu.memory_space<semaphore_mem>>)
      %dma_wait3A_260 = arith.constant 0 : i32
      %dma_wait3A_261 = arith.constant 0 : i32
      %dma_wait3A_262 = tpu.memref_slice %arg3[%add3A, %dma_wait3A_260, %dma_wait3A_261] : memref<32x80x128xi32, #tpu.memory_space<hbm>> -> memref<1x80x128xi32, #tpu.memory_space<hbm>>
      %dma_wait3A_263 = tpu.memref_squeeze %dma_wait3A_262 : memref<1x80x128xi32, #tpu.memory_space<hbm>> -> memref<80x128xi32, #tpu.memory_space<hbm>>
      %dma_wait3A_264 = arith.constant 0 : i32
      %dma_wait3A_265 = arith.constant 0 : i32
      %dma_wait3A_266 = tpu.memref_slice %arg3[%add3A, %dma_wait3A_264, %dma_wait3A_265] : memref<32x80x128xi32, #tpu.memory_space<hbm>> -> memref<1x80x128xi32, #tpu.memory_space<hbm>>
      %dma_wait3A_267 = tpu.memref_squeeze %dma_wait3A_266 : memref<1x80x128xi32, #tpu.memory_space<hbm>> -> memref<80x128xi32, #tpu.memory_space<hbm>>
      tpu.wait_dma2 semaphore(%run_scoped3A_251 : memref<!tpu.dma_semaphore, #tpu.memory_space<semaphore_mem>>) src(%dma_wait3A_267 : memref<80x128xi32, #tpu.memory_space<hbm>>) dst(%arg7 : memref<80x128xi32, #tpu.memory_space<vmem>>)
      tpu.yield
    }) : () -> ()
    "tpu.region"() ({
      %run_scoped3A_251 = tpu.sem_alloc : memref<!tpu.dma_semaphore, #tpu.memory_space<semaphore_mem>>
      %dma_start3A_252 = arith.constant 0 : i32
      %dma_start3A_253 = arith.constant 0 : i32
      %dma_start3A_254 = tpu.memref_slice %arg4[%add3A, %dma_start3A_252, %dma_start3A_253] : memref<32x80x128xi32, #tpu.memory_space<hbm>> -> memref<1x40x128xi32, #tpu.memory_space<hbm>>
      %dma_start3A_255 = tpu.memref_squeeze %dma_start3A_254 : memref<1x40x128xi32, #tpu.memory_space<hbm>> -> memref<40x128xi32, #tpu.memory_space<hbm>>
      %dma_start3A_256 = arith.constant 0 : i32
      %dma_start3A_257 = arith.constant 0 : i32
      %dma_start3A_258 = tpu.memref_slice %arg4[%add3A, %dma_start3A_256, %dma_start3A_257] : memref<32x80x128xi32, #tpu.memory_space<hbm>> -> memref<1x40x128xi32, #tpu.memory_space<hbm>>
      %dma_start3A_259 = tpu.memref_squeeze %dma_start3A_258 : memref<1x40x128xi32, #tpu.memory_space<hbm>> -> memref<40x128xi32, #tpu.memory_space<hbm>>
      tpu.enqueue_dma source(%dma_start3A_259 : memref<40x128xi32, #tpu.memory_space<hbm>>) target(%arg8 : memref<40x128xi32, #tpu.memory_space<vmem>>) target_semaphore(%run_scoped3A_251 : memref<!tpu.dma_semaphore, #tpu.memory_space<semaphore_mem>>)
      %dma_wait3A_260 = arith.constant 0 : i32
      %dma_wait3A_261 = arith.constant 0 : i32
      %dma_wait3A_262 = tpu.memref_slice %arg4[%add3A, %dma_wait3A_260, %dma_wait3A_261] : memref<32x80x128xi32, #tpu.memory_space<hbm>> -> memref<1x40x128xi32, #tpu.memory_space<hbm>>
      %dma_wait3A_263 = tpu.memref_squeeze %dma_wait3A_262 : memref<1x40x128xi32, #tpu.memory_space<hbm>> -> memref<40x128xi32, #tpu.memory_space<hbm>>
      %dma_wait3A_264 = arith.constant 0 : i32
      %dma_wait3A_265 = arith.constant 0 : i32
      %dma_wait3A_266 = tpu.memref_slice %arg4[%add3A, %dma_wait3A_264, %dma_wait3A_265] : memref<32x80x128xi32, #tpu.memory_space<hbm>> -> memref<1x40x128xi32, #tpu.memory_space<hbm>>
      %dma_wait3A_267 = tpu.memref_squeeze %dma_wait3A_266 : memref<1x40x128xi32, #tpu.memory_space<hbm>> -> memref<40x128xi32, #tpu.memory_space<hbm>>
      tpu.wait_dma2 semaphore(%run_scoped3A_251 : memref<!tpu.dma_semaphore, #tpu.memory_space<semaphore_mem>>) src(%dma_wait3A_267 : memref<40x128xi32, #tpu.memory_space<hbm>>) dst(%arg8 : memref<40x128xi32, #tpu.memory_space<vmem>>)
      tpu.yield
    }) : () -> ()
    %dma_start3A_139 = arith.constant 0 : i32
    %dma_start3A_140 = arith.constant 0 : i32
    %dma_start3A_141 = arith.constant 0 : i32
    %dma_start3A_142 = arith.constant 0 : i32
    %dma_start3A_143 = tpu.memref_slice %arg9[%dma_start3A_140, %dma_start3A_141, %dma_start3A_142] : memref<2x128x128xf32, #tpu.memory_space<vmem>> -> memref<1x128x128xf32, #tpu.memory_space<vmem>>
    %dma_start3A_144 = tpu.memref_squeeze %dma_start3A_143 : memref<1x128x128xf32, #tpu.memory_space<vmem>> -> memref<128x128xf32, #tpu.memory_space<vmem>>
    %dma_start3A_145 = arith.constant 0 : i32
    %dma_start3A_146 = tpu.memref_slice %arg7[%dma_start3A_139, %dma_start3A_145] : memref<80x128xi32, #tpu.memory_space<vmem>> -> memref<1x128xi32, #tpu.memory_space<vmem>>
    %dma_start3A_147 = tpu.memref_squeeze %dma_start3A_146 : memref<1x128xi32, #tpu.memory_space<vmem>> -> memref<128xi32, #tpu.memory_space<vmem>>
    %dma_start3A_148 = arith.constant 0 : i32
    %dma_start3A_149 = arith.constant 0 : i32
    %dma_start3A_150 = tpu.memref_slice %arg2[%dma_start3A_148, %dma_start3A_149] : memref<10128x128xf32, #tpu.memory_space<hbm>> -> memref<10128x128xf32, #tpu.memory_space<hbm>>
    tpu.enqueue_indirect_dma source(%dma_start3A_150 : memref<10128x128xf32, #tpu.memory_space<hbm>>) target(%dma_start3A_144 : memref<128x128xf32, #tpu.memory_space<vmem>>) offsets(%dma_start3A_147 : memref<128xi32, #tpu.memory_space<vmem>>) semaphore(%arg11 : memref<!tpu.dma_semaphore, #tpu.memory_space<semaphore_mem>>)
    %dma_start3A_151 = arith.constant 1 : i32
    %dma_start3A_152 = arith.constant 1 : i32
    %dma_start3A_153 = arith.constant 0 : i32
    %dma_start3A_154 = arith.constant 0 : i32
    %dma_start3A_155 = tpu.memref_slice %arg9[%dma_start3A_152, %dma_start3A_153, %dma_start3A_154] : memref<2x128x128xf32, #tpu.memory_space<vmem>> -> memref<1x128x128xf32, #tpu.memory_space<vmem>>
    %dma_start3A_156 = tpu.memref_squeeze %dma_start3A_155 : memref<1x128x128xf32, #tpu.memory_space<vmem>> -> memref<128x128xf32, #tpu.memory_space<vmem>>
    %dma_start3A_157 = arith.constant 0 : i32
    %dma_start3A_158 = tpu.memref_slice %arg7[%dma_start3A_151, %dma_start3A_157] : memref<80x128xi32, #tpu.memory_space<vmem>> -> memref<1x128xi32, #tpu.memory_space<vmem>>
    %dma_start3A_159 = tpu.memref_squeeze %dma_start3A_158 : memref<1x128xi32, #tpu.memory_space<vmem>> -> memref<128xi32, #tpu.memory_space<vmem>>
    %dma_start3A_160 = arith.constant 0 : i32
    %dma_start3A_161 = arith.constant 0 : i32
    %dma_start3A_162 = tpu.memref_slice %arg2[%dma_start3A_160, %dma_start3A_161] : memref<10128x128xf32, #tpu.memory_space<hbm>> -> memref<10128x128xf32, #tpu.memory_space<hbm>>
    tpu.enqueue_indirect_dma source(%dma_start3A_162 : memref<10128x128xf32, #tpu.memory_space<hbm>>) target(%dma_start3A_156 : memref<128x128xf32, #tpu.memory_space<vmem>>) offsets(%dma_start3A_159 : memref<128xi32, #tpu.memory_space<vmem>>) semaphore(%arg12 : memref<!tpu.dma_semaphore, #tpu.memory_space<semaphore_mem>>)
    %scan3A = arith.constant 0 : i32
    %scan3A_163 = arith.constant 39 : i32
    %scan3A_164 = arith.addi %scan3A, %scan3A_163 : i32
    %scan3A_165 = arith.constant 1 : i32
    scf.for %scan3A_251 = %scan3A to %scan3A_164 step %scan3A_165  : i32 {
      %mul3A_252 = arith.constant 1 : i32
      %mul3A_253 = arith.muli %scan3A_251, %mul3A_252 : i32
      %add3A_254 = arith.constant 0 : i32
      %add3A_255 = arith.addi %add3A_254, %mul3A_253 : i32
      %eq3A = arith.constant 20 : i32
      %eq3A_256 = arith.cmpi eq, %add3A_255, %eq3A : i32
      %convert_element_type3A = arith.extui %eq3A_256 : i1 to i32
      %cond3A = arith.constant 0 : i32
      %cond3A_257 = arith.cmpi ne, %convert_element_type3A, %cond3A : i32
      scf.if %cond3A_257 {
        "tpu.region"() ({
          %run_scoped3A_362 = tpu.sem_alloc : memref<!tpu.dma_semaphore, #tpu.memory_space<semaphore_mem>>
          %dma_start3A_363 = arith.constant 40 : i32
          %dma_start3A_364 = arith.constant 0 : i32
          %dma_start3A_365 = tpu.memref_slice %arg4[%add3A, %dma_start3A_363, %dma_start3A_364] : memref<32x80x128xi32, #tpu.memory_space<hbm>> -> memref<1x40x128xi32, #tpu.memory_space<hbm>>
          %dma_start3A_366 = tpu.memref_squeeze %dma_start3A_365 : memref<1x40x128xi32, #tpu.memory_space<hbm>> -> memref<40x128xi32, #tpu.memory_space<hbm>>
          %dma_start3A_367 = arith.constant 40 : i32
          %dma_start3A_368 = arith.constant 0 : i32
          %dma_start3A_369 = tpu.memref_slice %arg4[%add3A, %dma_start3A_367, %dma_start3A_368] : memref<32x80x128xi32, #tpu.memory_space<hbm>> -> memref<1x40x128xi32, #tpu.memory_space<hbm>>
          %dma_start3A_370 = tpu.memref_squeeze %dma_start3A_369 : memref<1x40x128xi32, #tpu.memory_space<hbm>> -> memref<40x128xi32, #tpu.memory_space<hbm>>
          tpu.enqueue_dma source(%dma_start3A_370 : memref<40x128xi32, #tpu.memory_space<hbm>>) target(%arg8 : memref<40x128xi32, #tpu.memory_space<vmem>>) target_semaphore(%run_scoped3A_362 : memref<!tpu.dma_semaphore, #tpu.memory_space<semaphore_mem>>)
          %dma_wait3A_371 = arith.constant 40 : i32
          %dma_wait3A_372 = arith.constant 0 : i32
          %dma_wait3A_373 = tpu.memref_slice %arg4[%add3A, %dma_wait3A_371, %dma_wait3A_372] : memref<32x80x128xi32, #tpu.memory_space<hbm>> -> memref<1x40x128xi32, #tpu.memory_space<hbm>>
          %dma_wait3A_374 = tpu.memref_squeeze %dma_wait3A_373 : memref<1x40x128xi32, #tpu.memory_space<hbm>> -> memref<40x128xi32, #tpu.memory_space<hbm>>
          %dma_wait3A_375 = arith.constant 40 : i32
          %dma_wait3A_376 = arith.constant 0 : i32
          %dma_wait3A_377 = tpu.memref_slice %arg4[%add3A, %dma_wait3A_375, %dma_wait3A_376] : memref<32x80x128xi32, #tpu.memory_space<hbm>> -> memref<1x40x128xi32, #tpu.memory_space<hbm>>
          %dma_wait3A_378 = tpu.memref_squeeze %dma_wait3A_377 : memref<1x40x128xi32, #tpu.memory_space<hbm>> -> memref<40x128xi32, #tpu.memory_space<hbm>>
          tpu.wait_dma2 semaphore(%run_scoped3A_362 : memref<!tpu.dma_semaphore, #tpu.memory_space<semaphore_mem>>) src(%dma_wait3A_378 : memref<40x128xi32, #tpu.memory_space<hbm>>) dst(%arg8 : memref<40x128xi32, #tpu.memory_space<vmem>>)
          tpu.yield
        }) : () -> ()
      } else {
      }
      %mul3A_258 = arith.constant 2 : i32
      %mul3A_259 = arith.muli %add3A_255, %mul3A_258 : i32
      %add3A_260 = arith.constant 0 : i32
      %add3A_261 = arith.addi %mul3A_259, %add3A_260 : i32
      %rem3A_262 = arith.constant 40 : i32
      %rem3A_263 = arith.remsi %add3A_261, %rem3A_262 : i32
      %dma_wait3A_264 = arith.constant 0 : i32
      %dma_wait3A_265 = arith.constant 0 : i32
      %dma_wait3A_266 = arith.constant 0 : i32
      %dma_wait3A_267 = tpu.memref_slice %arg9[%dma_wait3A_264, %dma_wait3A_265, %dma_wait3A_266] : memref<2x128x128xf32, #tpu.memory_space<vmem>> -> memref<1x128x128xf32, #tpu.memory_space<vmem>>
      %dma_wait3A_268 = tpu.memref_squeeze %dma_wait3A_267 : memref<1x128x128xf32, #tpu.memory_space<vmem>> -> memref<128x128xf32, #tpu.memory_space<vmem>>
      %dma_wait3A_269 = arith.constant 0 : i32
      %dma_wait3A_270 = tpu.memref_slice %arg7[%add3A_261, %dma_wait3A_269] : memref<80x128xi32, #tpu.memory_space<vmem>> -> memref<1x128xi32, #tpu.memory_space<vmem>>
      %dma_wait3A_271 = tpu.memref_squeeze %dma_wait3A_270 : memref<1x128xi32, #tpu.memory_space<vmem>> -> memref<128xi32, #tpu.memory_space<vmem>>
      %dma_wait3A_272 = arith.constant 0 : i32
      %dma_wait3A_273 = arith.constant 0 : i32
      %dma_wait3A_274 = tpu.memref_slice %arg2[%dma_wait3A_272, %dma_wait3A_273] : memref<10128x128xf32, #tpu.memory_space<hbm>> -> memref<10128x128xf32, #tpu.memory_space<hbm>>
      tpu.wait_indirect_dma semaphore(%arg11 : memref<!tpu.dma_semaphore, #tpu.memory_space<semaphore_mem>>) src(%dma_wait3A_274 : memref<10128x128xf32, #tpu.memory_space<hbm>>) dst(%dma_wait3A_268 : memref<128x128xf32, #tpu.memory_space<vmem>>)
      %dma_start3A_275 = arith.constant 0 : i32
      %dma_start3A_276 = arith.constant 0 : i32
      %dma_start3A_277 = arith.constant 0 : i32
      %dma_start3A_278 = tpu.memref_slice %arg9[%dma_start3A_275, %dma_start3A_276, %dma_start3A_277] : memref<2x128x128xf32, #tpu.memory_space<vmem>> -> memref<1x128x128xf32, #tpu.memory_space<vmem>>
      %dma_start3A_279 = tpu.memref_squeeze %dma_start3A_278 : memref<1x128x128xf32, #tpu.memory_space<vmem>> -> memref<128x128xf32, #tpu.memory_space<vmem>>
      %dma_start3A_280 = arith.constant 0 : i32
      %dma_start3A_281 = tpu.memref_slice %arg8[%rem3A_263, %dma_start3A_280] : memref<40x128xi32, #tpu.memory_space<vmem>> -> memref<1x128xi32, #tpu.memory_space<vmem>>
      %dma_start3A_282 = tpu.memref_squeeze %dma_start3A_281 : memref<1x128xi32, #tpu.memory_space<vmem>> -> memref<128xi32, #tpu.memory_space<vmem>>
      %dma_start3A_283 = arith.constant 0 : i32
      %dma_start3A_284 = arith.constant 0 : i32
      %dma_start3A_285 = tpu.memref_slice %arg10[%dma_start3A_283, %dma_start3A_284] : memref<10112x128xf32, #tpu.memory_space<vmem_shared>> -> memref<10112x128xf32, #tpu.memory_space<vmem_shared>>
      tpu.enqueue_indirect_dma source(%dma_start3A_279 : memref<128x128xf32, #tpu.memory_space<vmem>>) target(%dma_start3A_285 : memref<10112x128xf32, #tpu.memory_space<vmem_shared>>) offsets(%dma_start3A_282 : memref<128xi32, #tpu.memory_space<vmem>>) semaphore(%arg13 : memref<!tpu.dma_semaphore, #tpu.memory_space<semaphore_mem>>) {add = true}
      %dma_wait3A_286 = arith.constant 0 : i32
      %dma_wait3A_287 = arith.constant 0 : i32
      %dma_wait3A_288 = arith.constant 0 : i32
      %dma_wait3A_289 = tpu.memref_slice %arg9[%dma_wait3A_286, %dma_wait3A_287, %dma_wait3A_288] : memref<2x128x128xf32, #tpu.memory_space<vmem>> -> memref<1x128x128xf32, #tpu.memory_space<vmem>>
      %dma_wait3A_290 = tpu.memref_squeeze %dma_wait3A_289 : memref<1x128x128xf32, #tpu.memory_space<vmem>> -> memref<128x128xf32, #tpu.memory_space<vmem>>
      %dma_wait3A_291 = arith.constant 0 : i32
      %dma_wait3A_292 = tpu.memref_slice %arg8[%rem3A_263, %dma_wait3A_291] : memref<40x128xi32, #tpu.memory_space<vmem>> -> memref<1x128xi32, #tpu.memory_space<vmem>>
      %dma_wait3A_293 = tpu.memref_squeeze %dma_wait3A_292 : memref<1x128xi32, #tpu.memory_space<vmem>> -> memref<128xi32, #tpu.memory_space<vmem>>
      %dma_wait3A_294 = arith.constant 0 : i32
      %dma_wait3A_295 = arith.constant 0 : i32
      %dma_wait3A_296 = tpu.memref_slice %arg10[%dma_wait3A_294, %dma_wait3A_295] : memref<10112x128xf32, #tpu.memory_space<vmem_shared>> -> memref<10112x128xf32, #tpu.memory_space<vmem_shared>>
      tpu.wait_indirect_dma semaphore(%arg13 : memref<!tpu.dma_semaphore, #tpu.memory_space<semaphore_mem>>) src(%dma_wait3A_290 : memref<128x128xf32, #tpu.memory_space<vmem>>) dst(%dma_wait3A_296 : memref<10112x128xf32, #tpu.memory_space<vmem_shared>>)
      %add3A_297 = arith.constant 2 : i32
      %add3A_298 = arith.addi %add3A_261, %add3A_297 : i32
      %dma_start3A_299 = arith.constant 0 : i32
      %dma_start3A_300 = arith.constant 0 : i32
      %dma_start3A_301 = arith.constant 0 : i32
      %dma_start3A_302 = tpu.memref_slice %arg9[%dma_start3A_299, %dma_start3A_300, %dma_start3A_301] : memref<2x128x128xf32, #tpu.memory_space<vmem>> -> memref<1x128x128xf32, #tpu.memory_space<vmem>>
      %dma_start3A_303 = tpu.memref_squeeze %dma_start3A_302 : memref<1x128x128xf32, #tpu.memory_space<vmem>> -> memref<128x128xf32, #tpu.memory_space<vmem>>
      %dma_start3A_304 = arith.constant 0 : i32
      %dma_start3A_305 = tpu.memref_slice %arg7[%add3A_298, %dma_start3A_304] : memref<80x128xi32, #tpu.memory_space<vmem>> -> memref<1x128xi32, #tpu.memory_space<vmem>>
      %dma_start3A_306 = tpu.memref_squeeze %dma_start3A_305 : memref<1x128xi32, #tpu.memory_space<vmem>> -> memref<128xi32, #tpu.memory_space<vmem>>
      %dma_start3A_307 = arith.constant 0 : i32
      %dma_start3A_308 = arith.constant 0 : i32
      %dma_start3A_309 = tpu.memref_slice %arg2[%dma_start3A_307, %dma_start3A_308] : memref<10128x128xf32, #tpu.memory_space<hbm>> -> memref<10128x128xf32, #tpu.memory_space<hbm>>
      tpu.enqueue_indirect_dma source(%dma_start3A_309 : memref<10128x128xf32, #tpu.memory_space<hbm>>) target(%dma_start3A_303 : memref<128x128xf32, #tpu.memory_space<vmem>>) offsets(%dma_start3A_306 : memref<128xi32, #tpu.memory_space<vmem>>) semaphore(%arg11 : memref<!tpu.dma_semaphore, #tpu.memory_space<semaphore_mem>>)
      %mul3A_310 = arith.constant 2 : i32
      %mul3A_311 = arith.muli %add3A_255, %mul3A_310 : i32
      %add3A_312 = arith.constant 1 : i32
      %add3A_313 = arith.addi %mul3A_311, %add3A_312 : i32
      %rem3A_314 = arith.constant 40 : i32
      %rem3A_315 = arith.remsi %add3A_313, %rem3A_314 : i32
      %dma_wait3A_316 = arith.constant 1 : i32
      %dma_wait3A_317 = arith.constant 0 : i32
      %dma_wait3A_318 = arith.constant 0 : i32
      %dma_wait3A_319 = tpu.memref_slice %arg9[%dma_wait3A_316, %dma_wait3A_317, %dma_wait3A_318] : memref<2x128x128xf32, #tpu.memory_space<vmem>> -> memref<1x128x128xf32, #tpu.memory_space<vmem>>
      %dma_wait3A_320 = tpu.memref_squeeze %dma_wait3A_319 : memref<1x128x128xf32, #tpu.memory_space<vmem>> -> memref<128x128xf32, #tpu.memory_space<vmem>>
      %dma_wait3A_321 = arith.constant 0 : i32
      %dma_wait3A_322 = tpu.memref_slice %arg7[%add3A_313, %dma_wait3A_321] : memref<80x128xi32, #tpu.memory_space<vmem>> -> memref<1x128xi32, #tpu.memory_space<vmem>>
      %dma_wait3A_323 = tpu.memref_squeeze %dma_wait3A_322 : memref<1x128xi32, #tpu.memory_space<vmem>> -> memref<128xi32, #tpu.memory_space<vmem>>
      %dma_wait3A_324 = arith.constant 0 : i32
      %dma_wait3A_325 = arith.constant 0 : i32
      %dma_wait3A_326 = tpu.memref_slice %arg2[%dma_wait3A_324, %dma_wait3A_325] : memref<10128x128xf32, #tpu.memory_space<hbm>> -> memref<10128x128xf32, #tpu.memory_space<hbm>>
      tpu.wait_indirect_dma semaphore(%arg12 : memref<!tpu.dma_semaphore, #tpu.memory_space<semaphore_mem>>) src(%dma_wait3A_326 : memref<10128x128xf32, #tpu.memory_space<hbm>>) dst(%dma_wait3A_320 : memref<128x128xf32, #tpu.memory_space<vmem>>)
      %dma_start3A_327 = arith.constant 1 : i32
      %dma_start3A_328 = arith.constant 0 : i32
      %dma_start3A_329 = arith.constant 0 : i32
      %dma_start3A_330 = tpu.memref_slice %arg9[%dma_start3A_327, %dma_start3A_328, %dma_start3A_329] : memref<2x128x128xf32, #tpu.memory_space<vmem>> -> memref<1x128x128xf32, #tpu.memory_space<vmem>>
      %dma_start3A_331 = tpu.memref_squeeze %dma_start3A_330 : memref<1x128x128xf32, #tpu.memory_space<vmem>> -> memref<128x128xf32, #tpu.memory_space<vmem>>
      %dma_start3A_332 = arith.constant 0 : i32
      %dma_start3A_333 = tpu.memref_slice %arg8[%rem3A_315, %dma_start3A_332] : memref<40x128xi32, #tpu.memory_space<vmem>> -> memref<1x128xi32, #tpu.memory_space<vmem>>
      %dma_start3A_334 = tpu.memref_squeeze %dma_start3A_333 : memref<1x128xi32, #tpu.memory_space<vmem>> -> memref<128xi32, #tpu.memory_space<vmem>>
      %dma_start3A_335 = arith.constant 0 : i32
      %dma_start3A_336 = arith.constant 0 : i32
      %dma_start3A_337 = tpu.memref_slice %arg10[%dma_start3A_335, %dma_start3A_336] : memref<10112x128xf32, #tpu.memory_space<vmem_shared>> -> memref<10112x128xf32, #tpu.memory_space<vmem_shared>>
      tpu.enqueue_indirect_dma source(%dma_start3A_331 : memref<128x128xf32, #tpu.memory_space<vmem>>) target(%dma_start3A_337 : memref<10112x128xf32, #tpu.memory_space<vmem_shared>>) offsets(%dma_start3A_334 : memref<128xi32, #tpu.memory_space<vmem>>) semaphore(%arg14 : memref<!tpu.dma_semaphore, #tpu.memory_space<semaphore_mem>>) {add = true}
      %dma_wait3A_338 = arith.constant 1 : i32
      %dma_wait3A_339 = arith.constant 0 : i32
      %dma_wait3A_340 = arith.constant 0 : i32
      %dma_wait3A_341 = tpu.memref_slice %arg9[%dma_wait3A_338, %dma_wait3A_339, %dma_wait3A_340] : memref<2x128x128xf32, #tpu.memory_space<vmem>> -> memref<1x128x128xf32, #tpu.memory_space<vmem>>
      %dma_wait3A_342 = tpu.memref_squeeze %dma_wait3A_341 : memref<1x128x128xf32, #tpu.memory_space<vmem>> -> memref<128x128xf32, #tpu.memory_space<vmem>>
      %dma_wait3A_343 = arith.constant 0 : i32
      %dma_wait3A_344 = tpu.memref_slice %arg8[%rem3A_315, %dma_wait3A_343] : memref<40x128xi32, #tpu.memory_space<vmem>> -> memref<1x128xi32, #tpu.memory_space<vmem>>
      %dma_wait3A_345 = tpu.memref_squeeze %dma_wait3A_344 : memref<1x128xi32, #tpu.memory_space<vmem>> -> memref<128xi32, #tpu.memory_space<vmem>>
      %dma_wait3A_346 = arith.constant 0 : i32
      %dma_wait3A_347 = arith.constant 0 : i32
      %dma_wait3A_348 = tpu.memref_slice %arg10[%dma_wait3A_346, %dma_wait3A_347] : memref<10112x128xf32, #tpu.memory_space<vmem_shared>> -> memref<10112x128xf32, #tpu.memory_space<vmem_shared>>
      tpu.wait_indirect_dma semaphore(%arg14 : memref<!tpu.dma_semaphore, #tpu.memory_space<semaphore_mem>>) src(%dma_wait3A_342 : memref<128x128xf32, #tpu.memory_space<vmem>>) dst(%dma_wait3A_348 : memref<10112x128xf32, #tpu.memory_space<vmem_shared>>)
      %add3A_349 = arith.constant 2 : i32
      %add3A_350 = arith.addi %add3A_313, %add3A_349 : i32
      %dma_start3A_351 = arith.constant 1 : i32
      %dma_start3A_352 = arith.constant 0 : i32
      %dma_start3A_353 = arith.constant 0 : i32
      %dma_start3A_354 = tpu.memref_slice %arg9[%dma_start3A_351, %dma_start3A_352, %dma_start3A_353] : memref<2x128x128xf32, #tpu.memory_space<vmem>> -> memref<1x128x128xf32, #tpu.memory_space<vmem>>
      %dma_start3A_355 = tpu.memref_squeeze %dma_start3A_354 : memref<1x128x128xf32, #tpu.memory_space<vmem>> -> memref<128x128xf32, #tpu.memory_space<vmem>>
      %dma_start3A_356 = arith.constant 0 : i32
      %dma_start3A_357 = tpu.memref_slice %arg7[%add3A_350, %dma_start3A_356] : memref<80x128xi32, #tpu.memory_space<vmem>> -> memref<1x128xi32, #tpu.memory_space<vmem>>
      %dma_start3A_358 = tpu.memref_squeeze %dma_start3A_357 : memref<1x128xi32, #tpu.memory_space<vmem>> -> memref<128xi32, #tpu.memory_space<vmem>>
      %dma_start3A_359 = arith.constant 0 : i32
      %dma_start3A_360 = arith.constant 0 : i32
      %dma_start3A_361 = tpu.memref_slice %arg2[%dma_start3A_359, %dma_start3A_360] : memref<10128x128xf32, #tpu.memory_space<hbm>> -> memref<10128x128xf32, #tpu.memory_space<hbm>>
      tpu.enqueue_indirect_dma source(%dma_start3A_361 : memref<10128x128xf32, #tpu.memory_space<hbm>>) target(%dma_start3A_355 : memref<128x128xf32, #tpu.memory_space<vmem>>) offsets(%dma_start3A_358 : memref<128xi32, #tpu.memory_space<vmem>>) semaphore(%arg12 : memref<!tpu.dma_semaphore, #tpu.memory_space<semaphore_mem>>)
    }
    %scan3A_166 = arith.constant 39 : i32
    %dma_wait3A_167 = arith.constant 78 : i32
    %dma_wait3A_168 = arith.constant 0 : i32
    %dma_wait3A_169 = arith.constant 0 : i32
    %dma_wait3A_170 = arith.constant 0 : i32
    %dma_wait3A_171 = tpu.memref_slice %arg9[%dma_wait3A_168, %dma_wait3A_169, %dma_wait3A_170] : memref<2x128x128xf32, #tpu.memory_space<vmem>> -> memref<1x128x128xf32, #tpu.memory_space<vmem>>
    %dma_wait3A_172 = tpu.memref_squeeze %dma_wait3A_171 : memref<1x128x128xf32, #tpu.memory_space<vmem>> -> memref<128x128xf32, #tpu.memory_space<vmem>>
    %dma_wait3A_173 = arith.constant 0 : i32
    %dma_wait3A_174 = tpu.memref_slice %arg7[%dma_wait3A_167, %dma_wait3A_173] : memref<80x128xi32, #tpu.memory_space<vmem>> -> memref<1x128xi32, #tpu.memory_space<vmem>>
    %dma_wait3A_175 = tpu.memref_squeeze %dma_wait3A_174 : memref<1x128xi32, #tpu.memory_space<vmem>> -> memref<128xi32, #tpu.memory_space<vmem>>
    %dma_wait3A_176 = arith.constant 0 : i32
    %dma_wait3A_177 = arith.constant 0 : i32
    %dma_wait3A_178 = tpu.memref_slice %arg2[%dma_wait3A_176, %dma_wait3A_177] : memref<10128x128xf32, #tpu.memory_space<hbm>> -> memref<10128x128xf32, #tpu.memory_space<hbm>>
    tpu.wait_indirect_dma semaphore(%arg11 : memref<!tpu.dma_semaphore, #tpu.memory_space<semaphore_mem>>) src(%dma_wait3A_178 : memref<10128x128xf32, #tpu.memory_space<hbm>>) dst(%dma_wait3A_172 : memref<128x128xf32, #tpu.memory_space<vmem>>)
    %rem3A = arith.constant 78 : i32
    %rem3A_179 = arith.constant 40 : i32
    %rem3A_180 = arith.remsi %rem3A, %rem3A_179 : i32
    %dma_start3A_181 = arith.constant 0 : i32
    %dma_start3A_182 = arith.constant 0 : i32
    %dma_start3A_183 = arith.constant 0 : i32
    %dma_start3A_184 = tpu.memref_slice %arg9[%dma_start3A_181, %dma_start3A_182, %dma_start3A_183] : memref<2x128x128xf32, #tpu.memory_space<vmem>> -> memref<1x128x128xf32, #tpu.memory_space<vmem>>
    %dma_start3A_185 = tpu.memref_squeeze %dma_start3A_184 : memref<1x128x128xf32, #tpu.memory_space<vmem>> -> memref<128x128xf32, #tpu.memory_space<vmem>>
    %dma_start3A_186 = arith.constant 0 : i32
    %dma_start3A_187 = tpu.memref_slice %arg8[%rem3A_180, %dma_start3A_186] : memref<40x128xi32, #tpu.memory_space<vmem>> -> memref<1x128xi32, #tpu.memory_space<vmem>>
    %dma_start3A_188 = tpu.memref_squeeze %dma_start3A_187 : memref<1x128xi32, #tpu.memory_space<vmem>> -> memref<128xi32, #tpu.memory_space<vmem>>
    %dma_start3A_189 = arith.constant 0 : i32
    %dma_start3A_190 = arith.constant 0 : i32
    %dma_start3A_191 = tpu.memref_slice %arg10[%dma_start3A_189, %dma_start3A_190] : memref<10112x128xf32, #tpu.memory_space<vmem_shared>> -> memref<10112x128xf32, #tpu.memory_space<vmem_shared>>
    tpu.enqueue_indirect_dma source(%dma_start3A_185 : memref<128x128xf32, #tpu.memory_space<vmem>>) target(%dma_start3A_191 : memref<10112x128xf32, #tpu.memory_space<vmem_shared>>) offsets(%dma_start3A_188 : memref<128xi32, #tpu.memory_space<vmem>>) semaphore(%arg13 : memref<!tpu.dma_semaphore, #tpu.memory_space<semaphore_mem>>) {add = true}
    %rem3A_192 = arith.constant 78 : i32
    %rem3A_193 = arith.constant 40 : i32
    %rem3A_194 = arith.remsi %rem3A_192, %rem3A_193 : i32
    %dma_wait3A_195 = arith.constant 0 : i32
    %dma_wait3A_196 = arith.constant 0 : i32
    %dma_wait3A_197 = arith.constant 0 : i32
    %dma_wait3A_198 = tpu.memref_slice %arg9[%dma_wait3A_195, %dma_wait3A_196, %dma_wait3A_197] : memref<2x128x128xf32, #tpu.memory_space<vmem>> -> memref<1x128x128xf32, #tpu.memory_space<vmem>>
    %dma_wait3A_199 = tpu.memref_squeeze %dma_wait3A_198 : memref<1x128x128xf32, #tpu.memory_space<vmem>> -> memref<128x128xf32, #tpu.memory_space<vmem>>
    %dma_wait3A_200 = arith.constant 0 : i32
    %dma_wait3A_201 = tpu.memref_slice %arg8[%rem3A_194, %dma_wait3A_200] : memref<40x128xi32, #tpu.memory_space<vmem>> -> memref<1x128xi32, #tpu.memory_space<vmem>>
    %dma_wait3A_202 = tpu.memref_squeeze %dma_wait3A_201 : memref<1x128xi32, #tpu.memory_space<vmem>> -> memref<128xi32, #tpu.memory_space<vmem>>
    %dma_wait3A_203 = arith.constant 0 : i32
    %dma_wait3A_204 = arith.constant 0 : i32
    %dma_wait3A_205 = tpu.memref_slice %arg10[%dma_wait3A_203, %dma_wait3A_204] : memref<10112x128xf32, #tpu.memory_space<vmem_shared>> -> memref<10112x128xf32, #tpu.memory_space<vmem_shared>>
    tpu.wait_indirect_dma semaphore(%arg13 : memref<!tpu.dma_semaphore, #tpu.memory_space<semaphore_mem>>) src(%dma_wait3A_199 : memref<128x128xf32, #tpu.memory_space<vmem>>) dst(%dma_wait3A_205 : memref<10112x128xf32, #tpu.memory_space<vmem_shared>>)
    %dma_wait3A_206 = arith.constant 79 : i32
    %dma_wait3A_207 = arith.constant 1 : i32
    %dma_wait3A_208 = arith.constant 0 : i32
    %dma_wait3A_209 = arith.constant 0 : i32
    %dma_wait3A_210 = tpu.memref_slice %arg9[%dma_wait3A_207, %dma_wait3A_208, %dma_wait3A_209] : memref<2x128x128xf32, #tpu.memory_space<vmem>> -> memref<1x128x128xf32, #tpu.memory_space<vmem>>
    %dma_wait3A_211 = tpu.memref_squeeze %dma_wait3A_210 : memref<1x128x128xf32, #tpu.memory_space<vmem>> -> memref<128x128xf32, #tpu.memory_space<vmem>>
    %dma_wait3A_212 = arith.constant 0 : i32
    %dma_wait3A_213 = tpu.memref_slice %arg7[%dma_wait3A_206, %dma_wait3A_212] : memref<80x128xi32, #tpu.memory_space<vmem>> -> memref<1x128xi32, #tpu.memory_space<vmem>>
    %dma_wait3A_214 = tpu.memref_squeeze %dma_wait3A_213 : memref<1x128xi32, #tpu.memory_space<vmem>> -> memref<128xi32, #tpu.memory_space<vmem>>
    %dma_wait3A_215 = arith.constant 0 : i32
    %dma_wait3A_216 = arith.constant 0 : i32
    %dma_wait3A_217 = tpu.memref_slice %arg2[%dma_wait3A_215, %dma_wait3A_216] : memref<10128x128xf32, #tpu.memory_space<hbm>> -> memref<10128x128xf32, #tpu.memory_space<hbm>>
    tpu.wait_indirect_dma semaphore(%arg12 : memref<!tpu.dma_semaphore, #tpu.memory_space<semaphore_mem>>) src(%dma_wait3A_217 : memref<10128x128xf32, #tpu.memory_space<hbm>>) dst(%dma_wait3A_211 : memref<128x128xf32, #tpu.memory_space<vmem>>)
    %rem3A_218 = arith.constant 79 : i32
    %rem3A_219 = arith.constant 40 : i32
    %rem3A_220 = arith.remsi %rem3A_218, %rem3A_219 : i32
    %dma_start3A_221 = arith.constant 1 : i32
    %dma_start3A_222 = arith.constant 0 : i32
    %dma_start3A_223 = arith.constant 0 : i32
    %dma_start3A_224 = tpu.memref_slice %arg9[%dma_start3A_221, %dma_start3A_222, %dma_start3A_223] : memref<2x128x128xf32, #tpu.memory_space<vmem>> -> memref<1x128x128xf32, #tpu.memory_space<vmem>>
    %dma_start3A_225 = tpu.memref_squeeze %dma_start3A_224 : memref<1x128x128xf32, #tpu.memory_space<vmem>> -> memref<128x128xf32, #tpu.memory_space<vmem>>
    %dma_start3A_226 = arith.constant 0 : i32
    %dma_start3A_227 = tpu.memref_slice %arg8[%rem3A_220, %dma_start3A_226] : memref<40x128xi32, #tpu.memory_space<vmem>> -> memref<1x128xi32, #tpu.memory_space<vmem>>
    %dma_start3A_228 = tpu.memref_squeeze %dma_start3A_227 : memref<1x128xi32, #tpu.memory_space<vmem>> -> memref<128xi32, #tpu.memory_space<vmem>>
    %dma_start3A_229 = arith.constant 0 : i32
    %dma_start3A_230 = arith.constant 0 : i32
    %dma_start3A_231 = tpu.memref_slice %arg10[%dma_start3A_229, %dma_start3A_230] : memref<10112x128xf32, #tpu.memory_space<vmem_shared>> -> memref<10112x128xf32, #tpu.memory_space<vmem_shared>>
    tpu.enqueue_indirect_dma source(%dma_start3A_225 : memref<128x128xf32, #tpu.memory_space<vmem>>) target(%dma_start3A_231 : memref<10112x128xf32, #tpu.memory_space<vmem_shared>>) offsets(%dma_start3A_228 : memref<128xi32, #tpu.memory_space<vmem>>) semaphore(%arg14 : memref<!tpu.dma_semaphore, #tpu.memory_space<semaphore_mem>>) {add = true}
    %rem3A_232 = arith.constant 79 : i32
    %rem3A_233 = arith.constant 40 : i32
    %rem3A_234 = arith.remsi %rem3A_232, %rem3A_233 : i32
    %dma_wait3A_235 = arith.constant 1 : i32
    %dma_wait3A_236 = arith.constant 0 : i32
    %dma_wait3A_237 = arith.constant 0 : i32
    %dma_wait3A_238 = tpu.memref_slice %arg9[%dma_wait3A_235, %dma_wait3A_236, %dma_wait3A_237] : memref<2x128x128xf32, #tpu.memory_space<vmem>> -> memref<1x128x128xf32, #tpu.memory_space<vmem>>
    %dma_wait3A_239 = tpu.memref_squeeze %dma_wait3A_238 : memref<1x128x128xf32, #tpu.memory_space<vmem>> -> memref<128x128xf32, #tpu.memory_space<vmem>>
    %dma_wait3A_240 = arith.constant 0 : i32
    %dma_wait3A_241 = tpu.memref_slice %arg8[%rem3A_234, %dma_wait3A_240] : memref<40x128xi32, #tpu.memory_space<vmem>> -> memref<1x128xi32, #tpu.memory_space<vmem>>
    %dma_wait3A_242 = tpu.memref_squeeze %dma_wait3A_241 : memref<1x128xi32, #tpu.memory_space<vmem>> -> memref<128xi32, #tpu.memory_space<vmem>>
    %dma_wait3A_243 = arith.constant 0 : i32
    %dma_wait3A_244 = arith.constant 0 : i32
    %dma_wait3A_245 = tpu.memref_slice %arg10[%dma_wait3A_243, %dma_wait3A_244] : memref<10112x128xf32, #tpu.memory_space<vmem_shared>> -> memref<10112x128xf32, #tpu.memory_space<vmem_shared>>
    tpu.wait_indirect_dma semaphore(%arg14 : memref<!tpu.dma_semaphore, #tpu.memory_space<semaphore_mem>>) src(%dma_wait3A_239 : memref<128x128xf32, #tpu.memory_space<vmem>>) dst(%dma_wait3A_245 : memref<10112x128xf32, #tpu.memory_space<vmem_shared>>)
    %barrier3A_246 = arith.constant 0 : index
    tpu.barrier barrier_id(%barrier3A_246)
    %mul3A_247 = arith.constant 632 : i32
    %mul3A_248 = arith.muli %arg1, %mul3A_247 : i32
    %mul3A_249 = arith.constant 632 : i32
    %mul3A_250 = arith.muli %arg1, %mul3A_249 : i32
    "tpu.region"() ({
      %run_scoped3A_251 = tpu.sem_alloc : memref<!tpu.dma_semaphore, #tpu.memory_space<semaphore_mem>>
      %dma_start3A_252 = arith.constant 0 : i32
      %dma_start3A_253 = tpu.memref_slice %arg6[%arg0, %mul3A_250, %dma_start3A_252] : memref<2x10112x128xf32, #tpu.memory_space<hbm>> -> memref<1x632x128xf32, #tpu.memory_space<hbm>>
      %dma_start3A_254 = tpu.memref_squeeze %dma_start3A_253 : memref<1x632x128xf32, #tpu.memory_space<hbm>> -> memref<632x128xf32, #tpu.memory_space<hbm>>
      %dma_start3A_255 = arith.constant 0 : i32
      %dma_start3A_256 = tpu.memref_slice %arg10[%mul3A_248, %dma_start3A_255] : memref<10112x128xf32, #tpu.memory_space<vmem_shared>> -> memref<632x128xf32, #tpu.memory_space<vmem_shared>>
      tpu.enqueue_dma source(%dma_start3A_256 : memref<632x128xf32, #tpu.memory_space<vmem_shared>>) target(%dma_start3A_254 : memref<632x128xf32, #tpu.memory_space<hbm>>) target_semaphore(%run_scoped3A_251 : memref<!tpu.dma_semaphore, #tpu.memory_space<semaphore_mem>>)
      %dma_wait3A_257 = arith.constant 0 : i32
      %dma_wait3A_258 = tpu.memref_slice %arg6[%arg0, %mul3A_250, %dma_wait3A_257] : memref<2x10112x128xf32, #tpu.memory_space<hbm>> -> memref<1x632x128xf32, #tpu.memory_space<hbm>>
      %dma_wait3A_259 = tpu.memref_squeeze %dma_wait3A_258 : memref<1x632x128xf32, #tpu.memory_space<hbm>> -> memref<632x128xf32, #tpu.memory_space<hbm>>
      %dma_wait3A_260 = arith.constant 0 : i32
      %dma_wait3A_261 = tpu.memref_slice %arg10[%mul3A_248, %dma_wait3A_260] : memref<10112x128xf32, #tpu.memory_space<vmem_shared>> -> memref<632x128xf32, #tpu.memory_space<vmem_shared>>
      tpu.wait_dma2 semaphore(%run_scoped3A_251 : memref<!tpu.dma_semaphore, #tpu.memory_space<semaphore_mem>>) src(%dma_wait3A_261 : memref<632x128xf32, #tpu.memory_space<vmem_shared>>) dst(%dma_wait3A_259 : memref<632x128xf32, #tpu.memory_space<hbm>>)
      tpu.yield
    }) : () -> ()
    return
  }
}

#map = affine_map<(d0, d1) -> (0, 0)>
#map1 = affine_map<(d0, d1) -> (0, 0, 0)>
module attributes {stable_mosaic.version = 14 : i64} {
  func.func @_agg_kernel(%arg0: i32, %arg1: i32, %arg2: memref<10128x128xf32, #tpu.memory_space<hbm>>, %arg3: memref<32x80x128xi32, #tpu.memory_space<hbm>>, %arg4: memref<32x80x128xi32, #tpu.memory_space<hbm>>, %arg5: memref<128x128xf32, #tpu.memory_space<hbm>>, %arg6: memref<2x10112x128xf32, #tpu.memory_space<hbm>>, %arg7: memref<80x128xi32, #tpu.memory_space<vmem>>, %arg8: memref<40x128xi32, #tpu.memory_space<vmem>>, %arg9: memref<2x128x128xf32, #tpu.memory_space<vmem>>, %arg10: memref<10112x128xf32, #tpu.memory_space<vmem_shared>>, %arg11: memref<!tpu.dma_semaphore, #tpu.memory_space<semaphore_mem>>, %arg12: memref<!tpu.dma_semaphore, #tpu.memory_space<semaphore_mem>>, %arg13: memref<!tpu.dma_semaphore, #tpu.memory_space<semaphore_mem>>, %arg14: memref<!tpu.dma_semaphore, #tpu.memory_space<semaphore_mem>>) attributes {dimension_semantics = [#tpu.dimension_semantics<core_parallel>, #tpu.dimension_semantics<subcore_parallel>], iteration_bounds = array<i64: 2, 16>, scalar_prefetch = 0 : i64, scratch_operands = 8 : i64, tpu.core_type = #tpu.core_type<sc_vector_subcore>, window_params = [{transform_indices = #map}, {transform_indices = #map1}, {transform_indices = #map1}, {transform_indices = #map}, {transform_indices = #map1}]} {
    %mul3A = arith.constant 2 : i32
    %mul3A_0 = arith.muli %arg1, %mul3A : i32
    %add3A = arith.addi %mul3A_0, %arg0 : i32
    %run_scoped3A = arith.constant 0 : i32
    "tpu.region"() ({
      %run_scoped3A_251 = tpu.sem_alloc : memref<!tpu.dma_semaphore, #tpu.memory_space<semaphore_mem>>
      %dma_start3A_252 = arith.constant 0 : i32
      %dma_start3A_253 = arith.constant 0 : i32
      %dma_start3A_254 = tpu.memref_slice %arg9[%run_scoped3A, %dma_start3A_252, %dma_start3A_253] : memref<2x128x128xf32, #tpu.memory_space<vmem>> -> memref<1x128x128xf32, #tpu.memory_space<vmem>>
      %dma_start3A_255 = tpu.memref_squeeze %dma_start3A_254 : memref<1x128x128xf32, #tpu.memory_space<vmem>> -> memref<128x128xf32, #tpu.memory_space<vmem>>
      %dma_start3A_256 = arith.constant 0 : i32
      %dma_start3A_257 = arith.constant 0 : i32
      %dma_start3A_258 = tpu.memref_slice %arg9[%run_scoped3A, %dma_start3A_256, %dma_start3A_257] : memref<2x128x128xf32, #tpu.memory_space<vmem>> -> memref<1x128x128xf32, #tpu.memory_space<vmem>>
      %dma_start3A_259 = tpu.memref_squeeze %dma_start3A_258 : memref<1x128x128xf32, #tpu.memory_space<vmem>> -> memref<128x128xf32, #tpu.memory_space<vmem>>
      tpu.enqueue_dma source(%arg5 : memref<128x128xf32, #tpu.memory_space<hbm>>) target(%dma_start3A_259 : memref<128x128xf32, #tpu.memory_space<vmem>>) target_semaphore(%run_scoped3A_251 : memref<!tpu.dma_semaphore, #tpu.memory_space<semaphore_mem>>)
      %dma_wait3A_260 = arith.constant 0 : i32
      %dma_wait3A_261 = arith.constant 0 : i32
      %dma_wait3A_262 = tpu.memref_slice %arg9[%run_scoped3A, %dma_wait3A_260, %dma_wait3A_261] : memref<2x128x128xf32, #tpu.memory_space<vmem>> -> memref<1x128x128xf32, #tpu.memory_space<vmem>>
      %dma_wait3A_263 = tpu.memref_squeeze %dma_wait3A_262 : memref<1x128x128xf32, #tpu.memory_space<vmem>> -> memref<128x128xf32, #tpu.memory_space<vmem>>
      %dma_wait3A_264 = arith.constant 0 : i32
      %dma_wait3A_265 = arith.constant 0 : i32
      %dma_wait3A_266 = tpu.memref_slice %arg9[%run_scoped3A, %dma_wait3A_264, %dma_wait3A_265] : memref<2x128x128xf32, #tpu.memory_space<vmem>> -> memref<1x128x128xf32, #tpu.memory_space<vmem>>
      %dma_wait3A_267 = tpu.memref_squeeze %dma_wait3A_266 : memref<1x128x128xf32, #tpu.memory_space<vmem>> -> memref<128x128xf32, #tpu.memory_space<vmem>>
      tpu.wait_dma2 semaphore(%run_scoped3A_251 : memref<!tpu.dma_semaphore, #tpu.memory_space<semaphore_mem>>) src(%arg5 : memref<128x128xf32, #tpu.memory_space<hbm>>) dst(%dma_wait3A_267 : memref<128x128xf32, #tpu.memory_space<vmem>>)
      tpu.yield
    }) : () -> ()
    %mul3A_1 = arith.constant 632 : i32
    %mul3A_2 = arith.muli %arg1, %mul3A_1 : i32
    %add3A_3 = arith.constant 0 : i32
    %add3A_4 = arith.addi %mul3A_2, %add3A_3 : i32
    %dma_start3A = arith.constant 0 : i32
    %dma_start3A_5 = arith.constant 0 : i32
    %dma_start3A_6 = arith.constant 0 : i32
    %dma_start3A_7 = tpu.memref_slice %arg9[%dma_start3A, %dma_start3A_5, %dma_start3A_6] : memref<2x128x128xf32, #tpu.memory_space<vmem>> -> memref<1x128x128xf32, #tpu.memory_space<vmem>>
    %dma_start3A_8 = tpu.memref_squeeze %dma_start3A_7 : memref<1x128x128xf32, #tpu.memory_space<vmem>> -> memref<128x128xf32, #tpu.memory_space<vmem>>
    %dma_start3A_9 = arith.constant 0 : i32
    %dma_start3A_10 = tpu.memref_slice %arg10[%add3A_4, %dma_start3A_9] : memref<10112x128xf32, #tpu.memory_space<vmem_shared>> -> memref<128x128xf32, #tpu.memory_space<vmem_shared>>
    %dma_start3A_11 = arith.constant 0 : i32
    %dma_start3A_12 = tpu.memref_slice %arg10[%add3A_4, %dma_start3A_11] : memref<10112x128xf32, #tpu.memory_space<vmem_shared>> -> memref<128x128xf32, #tpu.memory_space<vmem_shared>>
    %dma_start3A_13 = arith.constant 0 : i32
    %dma_start3A_14 = arith.constant 0 : i32
    %dma_start3A_15 = tpu.memref_slice %arg9[%dma_start3A, %dma_start3A_13, %dma_start3A_14] : memref<2x128x128xf32, #tpu.memory_space<vmem>> -> memref<1x128x128xf32, #tpu.memory_space<vmem>>
    %dma_start3A_16 = tpu.memref_squeeze %dma_start3A_15 : memref<1x128x128xf32, #tpu.memory_space<vmem>> -> memref<128x128xf32, #tpu.memory_space<vmem>>
    tpu.enqueue_dma source(%dma_start3A_16 : memref<128x128xf32, #tpu.memory_space<vmem>>) target(%dma_start3A_12 : memref<128x128xf32, #tpu.memory_space<vmem_shared>>) target_semaphore(%arg11 : memref<!tpu.dma_semaphore, #tpu.memory_space<semaphore_mem>>)
    %mul3A_17 = arith.constant 632 : i32
    %mul3A_18 = arith.muli %arg1, %mul3A_17 : i32
    %add3A_19 = arith.constant 128 : i32
    %add3A_20 = arith.addi %mul3A_18, %add3A_19 : i32
    %dma_start3A_21 = arith.constant 0 : i32
    %dma_start3A_22 = arith.constant 0 : i32
    %dma_start3A_23 = arith.constant 0 : i32
    %dma_start3A_24 = tpu.memref_slice %arg9[%dma_start3A_21, %dma_start3A_22, %dma_start3A_23] : memref<2x128x128xf32, #tpu.memory_space<vmem>> -> memref<1x128x128xf32, #tpu.memory_space<vmem>>
    %dma_start3A_25 = tpu.memref_squeeze %dma_start3A_24 : memref<1x128x128xf32, #tpu.memory_space<vmem>> -> memref<128x128xf32, #tpu.memory_space<vmem>>
    %dma_start3A_26 = arith.constant 0 : i32
    %dma_start3A_27 = tpu.memref_slice %arg10[%add3A_20, %dma_start3A_26] : memref<10112x128xf32, #tpu.memory_space<vmem_shared>> -> memref<128x128xf32, #tpu.memory_space<vmem_shared>>
    %dma_start3A_28 = arith.constant 0 : i32
    %dma_start3A_29 = tpu.memref_slice %arg10[%add3A_20, %dma_start3A_28] : memref<10112x128xf32, #tpu.memory_space<vmem_shared>> -> memref<128x128xf32, #tpu.memory_space<vmem_shared>>
    %dma_start3A_30 = arith.constant 0 : i32
    %dma_start3A_31 = arith.constant 0 : i32
    %dma_start3A_32 = tpu.memref_slice %arg9[%dma_start3A_21, %dma_start3A_30, %dma_start3A_31] : memref<2x128x128xf32, #tpu.memory_space<vmem>> -> memref<1x128x128xf32, #tpu.memory_space<vmem>>
    %dma_start3A_33 = tpu.memref_squeeze %dma_start3A_32 : memref<1x128x128xf32, #tpu.memory_space<vmem>> -> memref<128x128xf32, #tpu.memory_space<vmem>>
    tpu.enqueue_dma source(%dma_start3A_33 : memref<128x128xf32, #tpu.memory_space<vmem>>) target(%dma_start3A_29 : memref<128x128xf32, #tpu.memory_space<vmem_shared>>) target_semaphore(%arg11 : memref<!tpu.dma_semaphore, #tpu.memory_space<semaphore_mem>>)
    %mul3A_34 = arith.constant 632 : i32
    %mul3A_35 = arith.muli %arg1, %mul3A_34 : i32
    %add3A_36 = arith.constant 256 : i32
    %add3A_37 = arith.addi %mul3A_35, %add3A_36 : i32
    %dma_start3A_38 = arith.constant 0 : i32
    %dma_start3A_39 = arith.constant 0 : i32
    %dma_start3A_40 = arith.constant 0 : i32
    %dma_start3A_41 = tpu.memref_slice %arg9[%dma_start3A_38, %dma_start3A_39, %dma_start3A_40] : memref<2x128x128xf32, #tpu.memory_space<vmem>> -> memref<1x128x128xf32, #tpu.memory_space<vmem>>
    %dma_start3A_42 = tpu.memref_squeeze %dma_start3A_41 : memref<1x128x128xf32, #tpu.memory_space<vmem>> -> memref<128x128xf32, #tpu.memory_space<vmem>>
    %dma_start3A_43 = arith.constant 0 : i32
    %dma_start3A_44 = tpu.memref_slice %arg10[%add3A_37, %dma_start3A_43] : memref<10112x128xf32, #tpu.memory_space<vmem_shared>> -> memref<128x128xf32, #tpu.memory_space<vmem_shared>>
    %dma_start3A_45 = arith.constant 0 : i32
    %dma_start3A_46 = tpu.memref_slice %arg10[%add3A_37, %dma_start3A_45] : memref<10112x128xf32, #tpu.memory_space<vmem_shared>> -> memref<128x128xf32, #tpu.memory_space<vmem_shared>>
    %dma_start3A_47 = arith.constant 0 : i32
    %dma_start3A_48 = arith.constant 0 : i32
    %dma_start3A_49 = tpu.memref_slice %arg9[%dma_start3A_38, %dma_start3A_47, %dma_start3A_48] : memref<2x128x128xf32, #tpu.memory_space<vmem>> -> memref<1x128x128xf32, #tpu.memory_space<vmem>>
    %dma_start3A_50 = tpu.memref_squeeze %dma_start3A_49 : memref<1x128x128xf32, #tpu.memory_space<vmem>> -> memref<128x128xf32, #tpu.memory_space<vmem>>
    tpu.enqueue_dma source(%dma_start3A_50 : memref<128x128xf32, #tpu.memory_space<vmem>>) target(%dma_start3A_46 : memref<128x128xf32, #tpu.memory_space<vmem_shared>>) target_semaphore(%arg11 : memref<!tpu.dma_semaphore, #tpu.memory_space<semaphore_mem>>)
    %mul3A_51 = arith.constant 632 : i32
    %mul3A_52 = arith.muli %arg1, %mul3A_51 : i32
    %add3A_53 = arith.constant 384 : i32
    %add3A_54 = arith.addi %mul3A_52, %add3A_53 : i32
    %dma_start3A_55 = arith.constant 0 : i32
    %dma_start3A_56 = arith.constant 0 : i32
    %dma_start3A_57 = arith.constant 0 : i32
    %dma_start3A_58 = tpu.memref_slice %arg9[%dma_start3A_55, %dma_start3A_56, %dma_start3A_57] : memref<2x128x128xf32, #tpu.memory_space<vmem>> -> memref<1x128x128xf32, #tpu.memory_space<vmem>>
    %dma_start3A_59 = tpu.memref_squeeze %dma_start3A_58 : memref<1x128x128xf32, #tpu.memory_space<vmem>> -> memref<128x128xf32, #tpu.memory_space<vmem>>
    %dma_start3A_60 = arith.constant 0 : i32
    %dma_start3A_61 = tpu.memref_slice %arg10[%add3A_54, %dma_start3A_60] : memref<10112x128xf32, #tpu.memory_space<vmem_shared>> -> memref<128x128xf32, #tpu.memory_space<vmem_shared>>
    %dma_start3A_62 = arith.constant 0 : i32
    %dma_start3A_63 = tpu.memref_slice %arg10[%add3A_54, %dma_start3A_62] : memref<10112x128xf32, #tpu.memory_space<vmem_shared>> -> memref<128x128xf32, #tpu.memory_space<vmem_shared>>
    %dma_start3A_64 = arith.constant 0 : i32
    %dma_start3A_65 = arith.constant 0 : i32
    %dma_start3A_66 = tpu.memref_slice %arg9[%dma_start3A_55, %dma_start3A_64, %dma_start3A_65] : memref<2x128x128xf32, #tpu.memory_space<vmem>> -> memref<1x128x128xf32, #tpu.memory_space<vmem>>
    %dma_start3A_67 = tpu.memref_squeeze %dma_start3A_66 : memref<1x128x128xf32, #tpu.memory_space<vmem>> -> memref<128x128xf32, #tpu.memory_space<vmem>>
    tpu.enqueue_dma source(%dma_start3A_67 : memref<128x128xf32, #tpu.memory_space<vmem>>) target(%dma_start3A_63 : memref<128x128xf32, #tpu.memory_space<vmem_shared>>) target_semaphore(%arg11 : memref<!tpu.dma_semaphore, #tpu.memory_space<semaphore_mem>>)
    %mul3A_68 = arith.constant 632 : i32
    %mul3A_69 = arith.muli %arg1, %mul3A_68 : i32
    %add3A_70 = arith.constant 512 : i32
    %add3A_71 = arith.addi %mul3A_69, %add3A_70 : i32
    "tpu.region"() ({
      %run_scoped3A_251 = tpu.sem_alloc : memref<!tpu.dma_semaphore, #tpu.memory_space<semaphore_mem>>
      %dma_start3A_252 = arith.constant 0 : i32
      %dma_start3A_253 = tpu.memref_slice %arg10[%add3A_71, %dma_start3A_252] : memref<10112x128xf32, #tpu.memory_space<vmem_shared>> -> memref<120x128xf32, #tpu.memory_space<vmem_shared>>
      %dma_start3A_254 = arith.constant 0 : i32
      %dma_start3A_255 = arith.constant 0 : i32
      %dma_start3A_256 = tpu.memref_slice %arg5[%dma_start3A_254, %dma_start3A_255] : memref<128x128xf32, #tpu.memory_space<hbm>> -> memref<120x128xf32, #tpu.memory_space<hbm>>
      tpu.enqueue_dma source(%dma_start3A_256 : memref<120x128xf32, #tpu.memory_space<hbm>>) target(%dma_start3A_253 : memref<120x128xf32, #tpu.memory_space<vmem_shared>>) target_semaphore(%run_scoped3A_251 : memref<!tpu.dma_semaphore, #tpu.memory_space<semaphore_mem>>)
      %dma_wait3A_257 = arith.constant 0 : i32
      %dma_wait3A_258 = tpu.memref_slice %arg10[%add3A_71, %dma_wait3A_257] : memref<10112x128xf32, #tpu.memory_space<vmem_shared>> -> memref<120x128xf32, #tpu.memory_space<vmem_shared>>
      %dma_wait3A_259 = arith.constant 0 : i32
      %dma_wait3A_260 = arith.constant 0 : i32
      %dma_wait3A_261 = tpu.memref_slice %arg5[%dma_wait3A_259, %dma_wait3A_260] : memref<128x128xf32, #tpu.memory_space<hbm>> -> memref<120x128xf32, #tpu.memory_space<hbm>>
      tpu.wait_dma2 semaphore(%run_scoped3A_251 : memref<!tpu.dma_semaphore, #tpu.memory_space<semaphore_mem>>) src(%dma_wait3A_261 : memref<120x128xf32, #tpu.memory_space<hbm>>) dst(%dma_wait3A_258 : memref<120x128xf32, #tpu.memory_space<vmem_shared>>)
      tpu.yield
    }) : () -> ()
    %mul3A_72 = arith.constant 632 : i32
    %mul3A_73 = arith.muli %arg1, %mul3A_72 : i32
    %add3A_74 = arith.constant 0 : i32
    %add3A_75 = arith.addi %mul3A_73, %add3A_74 : i32
    %dma_wait3A = arith.constant 0 : i32
    %dma_wait3A_76 = arith.constant 0 : i32
    %dma_wait3A_77 = arith.constant 0 : i32
    %dma_wait3A_78 = tpu.memref_slice %arg9[%dma_wait3A, %dma_wait3A_76, %dma_wait3A_77] : memref<2x128x128xf32, #tpu.memory_space<vmem>> -> memref<1x128x128xf32, #tpu.memory_space<vmem>>
    %dma_wait3A_79 = tpu.memref_squeeze %dma_wait3A_78 : memref<1x128x128xf32, #tpu.memory_space<vmem>> -> memref<128x128xf32, #tpu.memory_space<vmem>>
    %dma_wait3A_80 = arith.constant 0 : i32
    %dma_wait3A_81 = tpu.memref_slice %arg10[%add3A_75, %dma_wait3A_80] : memref<10112x128xf32, #tpu.memory_space<vmem_shared>> -> memref<128x128xf32, #tpu.memory_space<vmem_shared>>
    %dma_wait3A_82 = arith.constant 0 : i32
    %dma_wait3A_83 = tpu.memref_slice %arg10[%add3A_75, %dma_wait3A_82] : memref<10112x128xf32, #tpu.memory_space<vmem_shared>> -> memref<128x128xf32, #tpu.memory_space<vmem_shared>>
    %dma_wait3A_84 = arith.constant 0 : i32
    %dma_wait3A_85 = arith.constant 0 : i32
    %dma_wait3A_86 = tpu.memref_slice %arg9[%dma_wait3A, %dma_wait3A_84, %dma_wait3A_85] : memref<2x128x128xf32, #tpu.memory_space<vmem>> -> memref<1x128x128xf32, #tpu.memory_space<vmem>>
    %dma_wait3A_87 = tpu.memref_squeeze %dma_wait3A_86 : memref<1x128x128xf32, #tpu.memory_space<vmem>> -> memref<128x128xf32, #tpu.memory_space<vmem>>
    tpu.wait_dma2 semaphore(%arg11 : memref<!tpu.dma_semaphore, #tpu.memory_space<semaphore_mem>>) src(%dma_wait3A_87 : memref<128x128xf32, #tpu.memory_space<vmem>>) dst(%dma_wait3A_83 : memref<128x128xf32, #tpu.memory_space<vmem_shared>>)
    %mul3A_88 = arith.constant 632 : i32
    %mul3A_89 = arith.muli %arg1, %mul3A_88 : i32
    %add3A_90 = arith.constant 128 : i32
    %add3A_91 = arith.addi %mul3A_89, %add3A_90 : i32
    %dma_wait3A_92 = arith.constant 0 : i32
    %dma_wait3A_93 = arith.constant 0 : i32
    %dma_wait3A_94 = arith.constant 0 : i32
    %dma_wait3A_95 = tpu.memref_slice %arg9[%dma_wait3A_92, %dma_wait3A_93, %dma_wait3A_94] : memref<2x128x128xf32, #tpu.memory_space<vmem>> -> memref<1x128x128xf32, #tpu.memory_space<vmem>>
    %dma_wait3A_96 = tpu.memref_squeeze %dma_wait3A_95 : memref<1x128x128xf32, #tpu.memory_space<vmem>> -> memref<128x128xf32, #tpu.memory_space<vmem>>
    %dma_wait3A_97 = arith.constant 0 : i32
    %dma_wait3A_98 = tpu.memref_slice %arg10[%add3A_91, %dma_wait3A_97] : memref<10112x128xf32, #tpu.memory_space<vmem_shared>> -> memref<128x128xf32, #tpu.memory_space<vmem_shared>>
    %dma_wait3A_99 = arith.constant 0 : i32
    %dma_wait3A_100 = tpu.memref_slice %arg10[%add3A_91, %dma_wait3A_99] : memref<10112x128xf32, #tpu.memory_space<vmem_shared>> -> memref<128x128xf32, #tpu.memory_space<vmem_shared>>
    %dma_wait3A_101 = arith.constant 0 : i32
    %dma_wait3A_102 = arith.constant 0 : i32
    %dma_wait3A_103 = tpu.memref_slice %arg9[%dma_wait3A_92, %dma_wait3A_101, %dma_wait3A_102] : memref<2x128x128xf32, #tpu.memory_space<vmem>> -> memref<1x128x128xf32, #tpu.memory_space<vmem>>
    %dma_wait3A_104 = tpu.memref_squeeze %dma_wait3A_103 : memref<1x128x128xf32, #tpu.memory_space<vmem>> -> memref<128x128xf32, #tpu.memory_space<vmem>>
    tpu.wait_dma2 semaphore(%arg11 : memref<!tpu.dma_semaphore, #tpu.memory_space<semaphore_mem>>) src(%dma_wait3A_104 : memref<128x128xf32, #tpu.memory_space<vmem>>) dst(%dma_wait3A_100 : memref<128x128xf32, #tpu.memory_space<vmem_shared>>)
    %mul3A_105 = arith.constant 632 : i32
    %mul3A_106 = arith.muli %arg1, %mul3A_105 : i32
    %add3A_107 = arith.constant 256 : i32
    %add3A_108 = arith.addi %mul3A_106, %add3A_107 : i32
    %dma_wait3A_109 = arith.constant 0 : i32
    %dma_wait3A_110 = arith.constant 0 : i32
    %dma_wait3A_111 = arith.constant 0 : i32
    %dma_wait3A_112 = tpu.memref_slice %arg9[%dma_wait3A_109, %dma_wait3A_110, %dma_wait3A_111] : memref<2x128x128xf32, #tpu.memory_space<vmem>> -> memref<1x128x128xf32, #tpu.memory_space<vmem>>
    %dma_wait3A_113 = tpu.memref_squeeze %dma_wait3A_112 : memref<1x128x128xf32, #tpu.memory_space<vmem>> -> memref<128x128xf32, #tpu.memory_space<vmem>>
    %dma_wait3A_114 = arith.constant 0 : i32
    %dma_wait3A_115 = tpu.memref_slice %arg10[%add3A_108, %dma_wait3A_114] : memref<10112x128xf32, #tpu.memory_space<vmem_shared>> -> memref<128x128xf32, #tpu.memory_space<vmem_shared>>
    %dma_wait3A_116 = arith.constant 0 : i32
    %dma_wait3A_117 = tpu.memref_slice %arg10[%add3A_108, %dma_wait3A_116] : memref<10112x128xf32, #tpu.memory_space<vmem_shared>> -> memref<128x128xf32, #tpu.memory_space<vmem_shared>>
    %dma_wait3A_118 = arith.constant 0 : i32
    %dma_wait3A_119 = arith.constant 0 : i32
    %dma_wait3A_120 = tpu.memref_slice %arg9[%dma_wait3A_109, %dma_wait3A_118, %dma_wait3A_119] : memref<2x128x128xf32, #tpu.memory_space<vmem>> -> memref<1x128x128xf32, #tpu.memory_space<vmem>>
    %dma_wait3A_121 = tpu.memref_squeeze %dma_wait3A_120 : memref<1x128x128xf32, #tpu.memory_space<vmem>> -> memref<128x128xf32, #tpu.memory_space<vmem>>
    tpu.wait_dma2 semaphore(%arg11 : memref<!tpu.dma_semaphore, #tpu.memory_space<semaphore_mem>>) src(%dma_wait3A_121 : memref<128x128xf32, #tpu.memory_space<vmem>>) dst(%dma_wait3A_117 : memref<128x128xf32, #tpu.memory_space<vmem_shared>>)
    %mul3A_122 = arith.constant 632 : i32
    %mul3A_123 = arith.muli %arg1, %mul3A_122 : i32
    %add3A_124 = arith.constant 384 : i32
    %add3A_125 = arith.addi %mul3A_123, %add3A_124 : i32
    %dma_wait3A_126 = arith.constant 0 : i32
    %dma_wait3A_127 = arith.constant 0 : i32
    %dma_wait3A_128 = arith.constant 0 : i32
    %dma_wait3A_129 = tpu.memref_slice %arg9[%dma_wait3A_126, %dma_wait3A_127, %dma_wait3A_128] : memref<2x128x128xf32, #tpu.memory_space<vmem>> -> memref<1x128x128xf32, #tpu.memory_space<vmem>>
    %dma_wait3A_130 = tpu.memref_squeeze %dma_wait3A_129 : memref<1x128x128xf32, #tpu.memory_space<vmem>> -> memref<128x128xf32, #tpu.memory_space<vmem>>
    %dma_wait3A_131 = arith.constant 0 : i32
    %dma_wait3A_132 = tpu.memref_slice %arg10[%add3A_125, %dma_wait3A_131] : memref<10112x128xf32, #tpu.memory_space<vmem_shared>> -> memref<128x128xf32, #tpu.memory_space<vmem_shared>>
    %dma_wait3A_133 = arith.constant 0 : i32
    %dma_wait3A_134 = tpu.memref_slice %arg10[%add3A_125, %dma_wait3A_133] : memref<10112x128xf32, #tpu.memory_space<vmem_shared>> -> memref<128x128xf32, #tpu.memory_space<vmem_shared>>
    %dma_wait3A_135 = arith.constant 0 : i32
    %dma_wait3A_136 = arith.constant 0 : i32
    %dma_wait3A_137 = tpu.memref_slice %arg9[%dma_wait3A_126, %dma_wait3A_135, %dma_wait3A_136] : memref<2x128x128xf32, #tpu.memory_space<vmem>> -> memref<1x128x128xf32, #tpu.memory_space<vmem>>
    %dma_wait3A_138 = tpu.memref_squeeze %dma_wait3A_137 : memref<1x128x128xf32, #tpu.memory_space<vmem>> -> memref<128x128xf32, #tpu.memory_space<vmem>>
    tpu.wait_dma2 semaphore(%arg11 : memref<!tpu.dma_semaphore, #tpu.memory_space<semaphore_mem>>) src(%dma_wait3A_138 : memref<128x128xf32, #tpu.memory_space<vmem>>) dst(%dma_wait3A_134 : memref<128x128xf32, #tpu.memory_space<vmem_shared>>)
    %barrier3A = arith.constant 0 : index
    tpu.barrier barrier_id(%barrier3A)
    "tpu.region"() ({
      %run_scoped3A_251 = tpu.sem_alloc : memref<!tpu.dma_semaphore, #tpu.memory_space<semaphore_mem>>
      %dma_start3A_252 = arith.constant 0 : i32
      %dma_start3A_253 = arith.constant 0 : i32
      %dma_start3A_254 = tpu.memref_slice %arg3[%add3A, %dma_start3A_252, %dma_start3A_253] : memref<32x80x128xi32, #tpu.memory_space<hbm>> -> memref<1x80x128xi32, #tpu.memory_space<hbm>>
      %dma_start3A_255 = tpu.memref_squeeze %dma_start3A_254 : memref<1x80x128xi32, #tpu.memory_space<hbm>> -> memref<80x128xi32, #tpu.memory_space<hbm>>
      %dma_start3A_256 = arith.constant 0 : i32
      %dma_start3A_257 = arith.constant 0 : i32
      %dma_start3A_258 = tpu.memref_slice %arg3[%add3A, %dma_start3A_256, %dma_start3A_257] : memref<32x80x128xi32, #tpu.memory_space<hbm>> -> memref<1x80x128xi32, #tpu.memory_space<hbm>>
      %dma_start3A_259 = tpu.memref_squeeze %dma_start3A_258 : memref<1x80x128xi32, #tpu.memory_space<hbm>> -> memref<80x128xi32, #tpu.memory_space<hbm>>
      tpu.enqueue_dma source(%dma_start3A_259 : memref<80x128xi32, #tpu.memory_space<hbm>>) target(%arg7 : memref<80x128xi32, #tpu.memory_space<vmem>>) target_semaphore(%run_scoped3A_251 : memref<!tpu.dma_semaphore, #tpu.memory_space<semaphore_mem>>)
      %dma_wait3A_260 = arith.constant 0 : i32
      %dma_wait3A_261 = arith.constant 0 : i32
      %dma_wait3A_262 = tpu.memref_slice %arg3[%add3A, %dma_wait3A_260, %dma_wait3A_261] : memref<32x80x128xi32, #tpu.memory_space<hbm>> -> memref<1x80x128xi32, #tpu.memory_space<hbm>>
      %dma_wait3A_263 = tpu.memref_squeeze %dma_wait3A_262 : memref<1x80x128xi32, #tpu.memory_space<hbm>> -> memref<80x128xi32, #tpu.memory_space<hbm>>
      %dma_wait3A_264 = arith.constant 0 : i32
      %dma_wait3A_265 = arith.constant 0 : i32
      %dma_wait3A_266 = tpu.memref_slice %arg3[%add3A, %dma_wait3A_264, %dma_wait3A_265] : memref<32x80x128xi32, #tpu.memory_space<hbm>> -> memref<1x80x128xi32, #tpu.memory_space<hbm>>
      %dma_wait3A_267 = tpu.memref_squeeze %dma_wait3A_266 : memref<1x80x128xi32, #tpu.memory_space<hbm>> -> memref<80x128xi32, #tpu.memory_space<hbm>>
      tpu.wait_dma2 semaphore(%run_scoped3A_251 : memref<!tpu.dma_semaphore, #tpu.memory_space<semaphore_mem>>) src(%dma_wait3A_267 : memref<80x128xi32, #tpu.memory_space<hbm>>) dst(%arg7 : memref<80x128xi32, #tpu.memory_space<vmem>>)
      tpu.yield
    }) : () -> ()
    "tpu.region"() ({
      %run_scoped3A_251 = tpu.sem_alloc : memref<!tpu.dma_semaphore, #tpu.memory_space<semaphore_mem>>
      %dma_start3A_252 = arith.constant 0 : i32
      %dma_start3A_253 = arith.constant 0 : i32
      %dma_start3A_254 = tpu.memref_slice %arg4[%add3A, %dma_start3A_252, %dma_start3A_253] : memref<32x80x128xi32, #tpu.memory_space<hbm>> -> memref<1x40x128xi32, #tpu.memory_space<hbm>>
      %dma_start3A_255 = tpu.memref_squeeze %dma_start3A_254 : memref<1x40x128xi32, #tpu.memory_space<hbm>> -> memref<40x128xi32, #tpu.memory_space<hbm>>
      %dma_start3A_256 = arith.constant 0 : i32
      %dma_start3A_257 = arith.constant 0 : i32
      %dma_start3A_258 = tpu.memref_slice %arg4[%add3A, %dma_start3A_256, %dma_start3A_257] : memref<32x80x128xi32, #tpu.memory_space<hbm>> -> memref<1x40x128xi32, #tpu.memory_space<hbm>>
      %dma_start3A_259 = tpu.memref_squeeze %dma_start3A_258 : memref<1x40x128xi32, #tpu.memory_space<hbm>> -> memref<40x128xi32, #tpu.memory_space<hbm>>
      tpu.enqueue_dma source(%dma_start3A_259 : memref<40x128xi32, #tpu.memory_space<hbm>>) target(%arg8 : memref<40x128xi32, #tpu.memory_space<vmem>>) target_semaphore(%run_scoped3A_251 : memref<!tpu.dma_semaphore, #tpu.memory_space<semaphore_mem>>)
      %dma_wait3A_260 = arith.constant 0 : i32
      %dma_wait3A_261 = arith.constant 0 : i32
      %dma_wait3A_262 = tpu.memref_slice %arg4[%add3A, %dma_wait3A_260, %dma_wait3A_261] : memref<32x80x128xi32, #tpu.memory_space<hbm>> -> memref<1x40x128xi32, #tpu.memory_space<hbm>>
      %dma_wait3A_263 = tpu.memref_squeeze %dma_wait3A_262 : memref<1x40x128xi32, #tpu.memory_space<hbm>> -> memref<40x128xi32, #tpu.memory_space<hbm>>
      %dma_wait3A_264 = arith.constant 0 : i32
      %dma_wait3A_265 = arith.constant 0 : i32
      %dma_wait3A_266 = tpu.memref_slice %arg4[%add3A, %dma_wait3A_264, %dma_wait3A_265] : memref<32x80x128xi32, #tpu.memory_space<hbm>> -> memref<1x40x128xi32, #tpu.memory_space<hbm>>
      %dma_wait3A_267 = tpu.memref_squeeze %dma_wait3A_266 : memref<1x40x128xi32, #tpu.memory_space<hbm>> -> memref<40x128xi32, #tpu.memory_space<hbm>>
      tpu.wait_dma2 semaphore(%run_scoped3A_251 : memref<!tpu.dma_semaphore, #tpu.memory_space<semaphore_mem>>) src(%dma_wait3A_267 : memref<40x128xi32, #tpu.memory_space<hbm>>) dst(%arg8 : memref<40x128xi32, #tpu.memory_space<vmem>>)
      tpu.yield
    }) : () -> ()
    %dma_start3A_139 = arith.constant 0 : i32
    %dma_start3A_140 = arith.constant 0 : i32
    %dma_start3A_141 = arith.constant 0 : i32
    %dma_start3A_142 = arith.constant 0 : i32
    %dma_start3A_143 = tpu.memref_slice %arg9[%dma_start3A_140, %dma_start3A_141, %dma_start3A_142] : memref<2x128x128xf32, #tpu.memory_space<vmem>> -> memref<1x128x128xf32, #tpu.memory_space<vmem>>
    %dma_start3A_144 = tpu.memref_squeeze %dma_start3A_143 : memref<1x128x128xf32, #tpu.memory_space<vmem>> -> memref<128x128xf32, #tpu.memory_space<vmem>>
    %dma_start3A_145 = arith.constant 0 : i32
    %dma_start3A_146 = tpu.memref_slice %arg7[%dma_start3A_139, %dma_start3A_145] : memref<80x128xi32, #tpu.memory_space<vmem>> -> memref<1x128xi32, #tpu.memory_space<vmem>>
    %dma_start3A_147 = tpu.memref_squeeze %dma_start3A_146 : memref<1x128xi32, #tpu.memory_space<vmem>> -> memref<128xi32, #tpu.memory_space<vmem>>
    %dma_start3A_148 = arith.constant 0 : i32
    %dma_start3A_149 = arith.constant 0 : i32
    %dma_start3A_150 = tpu.memref_slice %arg2[%dma_start3A_148, %dma_start3A_149] : memref<10128x128xf32, #tpu.memory_space<hbm>> -> memref<10128x128xf32, #tpu.memory_space<hbm>>
    tpu.enqueue_indirect_dma source(%dma_start3A_150 : memref<10128x128xf32, #tpu.memory_space<hbm>>) target(%dma_start3A_144 : memref<128x128xf32, #tpu.memory_space<vmem>>) offsets(%dma_start3A_147 : memref<128xi32, #tpu.memory_space<vmem>>) semaphore(%arg11 : memref<!tpu.dma_semaphore, #tpu.memory_space<semaphore_mem>>)
    %dma_start3A_151 = arith.constant 1 : i32
    %dma_start3A_152 = arith.constant 1 : i32
    %dma_start3A_153 = arith.constant 0 : i32
    %dma_start3A_154 = arith.constant 0 : i32
    %dma_start3A_155 = tpu.memref_slice %arg9[%dma_start3A_152, %dma_start3A_153, %dma_start3A_154] : memref<2x128x128xf32, #tpu.memory_space<vmem>> -> memref<1x128x128xf32, #tpu.memory_space<vmem>>
    %dma_start3A_156 = tpu.memref_squeeze %dma_start3A_155 : memref<1x128x128xf32, #tpu.memory_space<vmem>> -> memref<128x128xf32, #tpu.memory_space<vmem>>
    %dma_start3A_157 = arith.constant 0 : i32
    %dma_start3A_158 = tpu.memref_slice %arg7[%dma_start3A_151, %dma_start3A_157] : memref<80x128xi32, #tpu.memory_space<vmem>> -> memref<1x128xi32, #tpu.memory_space<vmem>>
    %dma_start3A_159 = tpu.memref_squeeze %dma_start3A_158 : memref<1x128xi32, #tpu.memory_space<vmem>> -> memref<128xi32, #tpu.memory_space<vmem>>
    %dma_start3A_160 = arith.constant 0 : i32
    %dma_start3A_161 = arith.constant 0 : i32
    %dma_start3A_162 = tpu.memref_slice %arg2[%dma_start3A_160, %dma_start3A_161] : memref<10128x128xf32, #tpu.memory_space<hbm>> -> memref<10128x128xf32, #tpu.memory_space<hbm>>
    tpu.enqueue_indirect_dma source(%dma_start3A_162 : memref<10128x128xf32, #tpu.memory_space<hbm>>) target(%dma_start3A_156 : memref<128x128xf32, #tpu.memory_space<vmem>>) offsets(%dma_start3A_159 : memref<128xi32, #tpu.memory_space<vmem>>) semaphore(%arg12 : memref<!tpu.dma_semaphore, #tpu.memory_space<semaphore_mem>>)
    %scan3A = arith.constant 0 : i32
    %scan3A_163 = arith.constant 39 : i32
    %scan3A_164 = arith.addi %scan3A, %scan3A_163 : i32
    %scan3A_165 = arith.constant 1 : i32
    scf.for %scan3A_251 = %scan3A to %scan3A_164 step %scan3A_165  : i32 {
      %mul3A_252 = arith.constant 1 : i32
      %mul3A_253 = arith.muli %scan3A_251, %mul3A_252 : i32
      %add3A_254 = arith.constant 0 : i32
      %add3A_255 = arith.addi %add3A_254, %mul3A_253 : i32
      %eq3A = arith.constant 20 : i32
      %eq3A_256 = arith.cmpi eq, %add3A_255, %eq3A : i32
      %convert_element_type3A = arith.extui %eq3A_256 : i1 to i32
      %cond3A = arith.constant 0 : i32
      %cond3A_257 = arith.cmpi ne, %convert_element_type3A, %cond3A : i32
      scf.if %cond3A_257 {
        "tpu.region"() ({
          %run_scoped3A_362 = tpu.sem_alloc : memref<!tpu.dma_semaphore, #tpu.memory_space<semaphore_mem>>
          %dma_start3A_363 = arith.constant 40 : i32
          %dma_start3A_364 = arith.constant 0 : i32
          %dma_start3A_365 = tpu.memref_slice %arg4[%add3A, %dma_start3A_363, %dma_start3A_364] : memref<32x80x128xi32, #tpu.memory_space<hbm>> -> memref<1x40x128xi32, #tpu.memory_space<hbm>>
          %dma_start3A_366 = tpu.memref_squeeze %dma_start3A_365 : memref<1x40x128xi32, #tpu.memory_space<hbm>> -> memref<40x128xi32, #tpu.memory_space<hbm>>
          %dma_start3A_367 = arith.constant 40 : i32
          %dma_start3A_368 = arith.constant 0 : i32
          %dma_start3A_369 = tpu.memref_slice %arg4[%add3A, %dma_start3A_367, %dma_start3A_368] : memref<32x80x128xi32, #tpu.memory_space<hbm>> -> memref<1x40x128xi32, #tpu.memory_space<hbm>>
          %dma_start3A_370 = tpu.memref_squeeze %dma_start3A_369 : memref<1x40x128xi32, #tpu.memory_space<hbm>> -> memref<40x128xi32, #tpu.memory_space<hbm>>
          tpu.enqueue_dma source(%dma_start3A_370 : memref<40x128xi32, #tpu.memory_space<hbm>>) target(%arg8 : memref<40x128xi32, #tpu.memory_space<vmem>>) target_semaphore(%run_scoped3A_362 : memref<!tpu.dma_semaphore, #tpu.memory_space<semaphore_mem>>)
          %dma_wait3A_371 = arith.constant 40 : i32
          %dma_wait3A_372 = arith.constant 0 : i32
          %dma_wait3A_373 = tpu.memref_slice %arg4[%add3A, %dma_wait3A_371, %dma_wait3A_372] : memref<32x80x128xi32, #tpu.memory_space<hbm>> -> memref<1x40x128xi32, #tpu.memory_space<hbm>>
          %dma_wait3A_374 = tpu.memref_squeeze %dma_wait3A_373 : memref<1x40x128xi32, #tpu.memory_space<hbm>> -> memref<40x128xi32, #tpu.memory_space<hbm>>
          %dma_wait3A_375 = arith.constant 40 : i32
          %dma_wait3A_376 = arith.constant 0 : i32
          %dma_wait3A_377 = tpu.memref_slice %arg4[%add3A, %dma_wait3A_375, %dma_wait3A_376] : memref<32x80x128xi32, #tpu.memory_space<hbm>> -> memref<1x40x128xi32, #tpu.memory_space<hbm>>
          %dma_wait3A_378 = tpu.memref_squeeze %dma_wait3A_377 : memref<1x40x128xi32, #tpu.memory_space<hbm>> -> memref<40x128xi32, #tpu.memory_space<hbm>>
          tpu.wait_dma2 semaphore(%run_scoped3A_362 : memref<!tpu.dma_semaphore, #tpu.memory_space<semaphore_mem>>) src(%dma_wait3A_378 : memref<40x128xi32, #tpu.memory_space<hbm>>) dst(%arg8 : memref<40x128xi32, #tpu.memory_space<vmem>>)
          tpu.yield
        }) : () -> ()
      } else {
      }
      %mul3A_258 = arith.constant 2 : i32
      %mul3A_259 = arith.muli %add3A_255, %mul3A_258 : i32
      %add3A_260 = arith.constant 0 : i32
      %add3A_261 = arith.addi %mul3A_259, %add3A_260 : i32
      %rem3A_262 = arith.constant 40 : i32
      %rem3A_263 = arith.remsi %add3A_261, %rem3A_262 : i32
      %dma_wait3A_264 = arith.constant 0 : i32
      %dma_wait3A_265 = arith.constant 0 : i32
      %dma_wait3A_266 = arith.constant 0 : i32
      %dma_wait3A_267 = tpu.memref_slice %arg9[%dma_wait3A_264, %dma_wait3A_265, %dma_wait3A_266] : memref<2x128x128xf32, #tpu.memory_space<vmem>> -> memref<1x128x128xf32, #tpu.memory_space<vmem>>
      %dma_wait3A_268 = tpu.memref_squeeze %dma_wait3A_267 : memref<1x128x128xf32, #tpu.memory_space<vmem>> -> memref<128x128xf32, #tpu.memory_space<vmem>>
      %dma_wait3A_269 = arith.constant 0 : i32
      %dma_wait3A_270 = tpu.memref_slice %arg7[%add3A_261, %dma_wait3A_269] : memref<80x128xi32, #tpu.memory_space<vmem>> -> memref<1x128xi32, #tpu.memory_space<vmem>>
      %dma_wait3A_271 = tpu.memref_squeeze %dma_wait3A_270 : memref<1x128xi32, #tpu.memory_space<vmem>> -> memref<128xi32, #tpu.memory_space<vmem>>
      %dma_wait3A_272 = arith.constant 0 : i32
      %dma_wait3A_273 = arith.constant 0 : i32
      %dma_wait3A_274 = tpu.memref_slice %arg2[%dma_wait3A_272, %dma_wait3A_273] : memref<10128x128xf32, #tpu.memory_space<hbm>> -> memref<10128x128xf32, #tpu.memory_space<hbm>>
      tpu.wait_indirect_dma semaphore(%arg11 : memref<!tpu.dma_semaphore, #tpu.memory_space<semaphore_mem>>) src(%dma_wait3A_274 : memref<10128x128xf32, #tpu.memory_space<hbm>>) dst(%dma_wait3A_268 : memref<128x128xf32, #tpu.memory_space<vmem>>)
      %dma_start3A_275 = arith.constant 0 : i32
      %dma_start3A_276 = arith.constant 0 : i32
      %dma_start3A_277 = arith.constant 0 : i32
      %dma_start3A_278 = tpu.memref_slice %arg9[%dma_start3A_275, %dma_start3A_276, %dma_start3A_277] : memref<2x128x128xf32, #tpu.memory_space<vmem>> -> memref<1x128x128xf32, #tpu.memory_space<vmem>>
      %dma_start3A_279 = tpu.memref_squeeze %dma_start3A_278 : memref<1x128x128xf32, #tpu.memory_space<vmem>> -> memref<128x128xf32, #tpu.memory_space<vmem>>
      %dma_start3A_280 = arith.constant 0 : i32
      %dma_start3A_281 = tpu.memref_slice %arg8[%rem3A_263, %dma_start3A_280] : memref<40x128xi32, #tpu.memory_space<vmem>> -> memref<1x128xi32, #tpu.memory_space<vmem>>
      %dma_start3A_282 = tpu.memref_squeeze %dma_start3A_281 : memref<1x128xi32, #tpu.memory_space<vmem>> -> memref<128xi32, #tpu.memory_space<vmem>>
      %dma_start3A_283 = arith.constant 0 : i32
      %dma_start3A_284 = arith.constant 0 : i32
      %dma_start3A_285 = tpu.memref_slice %arg10[%dma_start3A_283, %dma_start3A_284] : memref<10112x128xf32, #tpu.memory_space<vmem_shared>> -> memref<10112x128xf32, #tpu.memory_space<vmem_shared>>
      tpu.enqueue_indirect_dma source(%dma_start3A_279 : memref<128x128xf32, #tpu.memory_space<vmem>>) target(%dma_start3A_285 : memref<10112x128xf32, #tpu.memory_space<vmem_shared>>) offsets(%dma_start3A_282 : memref<128xi32, #tpu.memory_space<vmem>>) semaphore(%arg13 : memref<!tpu.dma_semaphore, #tpu.memory_space<semaphore_mem>>) {add = true}
      %dma_wait3A_286 = arith.constant 0 : i32
      %dma_wait3A_287 = arith.constant 0 : i32
      %dma_wait3A_288 = arith.constant 0 : i32
      %dma_wait3A_289 = tpu.memref_slice %arg9[%dma_wait3A_286, %dma_wait3A_287, %dma_wait3A_288] : memref<2x128x128xf32, #tpu.memory_space<vmem>> -> memref<1x128x128xf32, #tpu.memory_space<vmem>>
      %dma_wait3A_290 = tpu.memref_squeeze %dma_wait3A_289 : memref<1x128x128xf32, #tpu.memory_space<vmem>> -> memref<128x128xf32, #tpu.memory_space<vmem>>
      %dma_wait3A_291 = arith.constant 0 : i32
      %dma_wait3A_292 = tpu.memref_slice %arg8[%rem3A_263, %dma_wait3A_291] : memref<40x128xi32, #tpu.memory_space<vmem>> -> memref<1x128xi32, #tpu.memory_space<vmem>>
      %dma_wait3A_293 = tpu.memref_squeeze %dma_wait3A_292 : memref<1x128xi32, #tpu.memory_space<vmem>> -> memref<128xi32, #tpu.memory_space<vmem>>
      %dma_wait3A_294 = arith.constant 0 : i32
      %dma_wait3A_295 = arith.constant 0 : i32
      %dma_wait3A_296 = tpu.memref_slice %arg10[%dma_wait3A_294, %dma_wait3A_295] : memref<10112x128xf32, #tpu.memory_space<vmem_shared>> -> memref<10112x128xf32, #tpu.memory_space<vmem_shared>>
      tpu.wait_indirect_dma semaphore(%arg13 : memref<!tpu.dma_semaphore, #tpu.memory_space<semaphore_mem>>) src(%dma_wait3A_290 : memref<128x128xf32, #tpu.memory_space<vmem>>) dst(%dma_wait3A_296 : memref<10112x128xf32, #tpu.memory_space<vmem_shared>>)
      %add3A_297 = arith.constant 2 : i32
      %add3A_298 = arith.addi %add3A_261, %add3A_297 : i32
      %dma_start3A_299 = arith.constant 0 : i32
      %dma_start3A_300 = arith.constant 0 : i32
      %dma_start3A_301 = arith.constant 0 : i32
      %dma_start3A_302 = tpu.memref_slice %arg9[%dma_start3A_299, %dma_start3A_300, %dma_start3A_301] : memref<2x128x128xf32, #tpu.memory_space<vmem>> -> memref<1x128x128xf32, #tpu.memory_space<vmem>>
      %dma_start3A_303 = tpu.memref_squeeze %dma_start3A_302 : memref<1x128x128xf32, #tpu.memory_space<vmem>> -> memref<128x128xf32, #tpu.memory_space<vmem>>
      %dma_start3A_304 = arith.constant 0 : i32
      %dma_start3A_305 = tpu.memref_slice %arg7[%add3A_298, %dma_start3A_304] : memref<80x128xi32, #tpu.memory_space<vmem>> -> memref<1x128xi32, #tpu.memory_space<vmem>>
      %dma_start3A_306 = tpu.memref_squeeze %dma_start3A_305 : memref<1x128xi32, #tpu.memory_space<vmem>> -> memref<128xi32, #tpu.memory_space<vmem>>
      %dma_start3A_307 = arith.constant 0 : i32
      %dma_start3A_308 = arith.constant 0 : i32
      %dma_start3A_309 = tpu.memref_slice %arg2[%dma_start3A_307, %dma_start3A_308] : memref<10128x128xf32, #tpu.memory_space<hbm>> -> memref<10128x128xf32, #tpu.memory_space<hbm>>
      tpu.enqueue_indirect_dma source(%dma_start3A_309 : memref<10128x128xf32, #tpu.memory_space<hbm>>) target(%dma_start3A_303 : memref<128x128xf32, #tpu.memory_space<vmem>>) offsets(%dma_start3A_306 : memref<128xi32, #tpu.memory_space<vmem>>) semaphore(%arg11 : memref<!tpu.dma_semaphore, #tpu.memory_space<semaphore_mem>>)
      %mul3A_310 = arith.constant 2 : i32
      %mul3A_311 = arith.muli %add3A_255, %mul3A_310 : i32
      %add3A_312 = arith.constant 1 : i32
      %add3A_313 = arith.addi %mul3A_311, %add3A_312 : i32
      %rem3A_314 = arith.constant 40 : i32
      %rem3A_315 = arith.remsi %add3A_313, %rem3A_314 : i32
      %dma_wait3A_316 = arith.constant 1 : i32
      %dma_wait3A_317 = arith.constant 0 : i32
      %dma_wait3A_318 = arith.constant 0 : i32
      %dma_wait3A_319 = tpu.memref_slice %arg9[%dma_wait3A_316, %dma_wait3A_317, %dma_wait3A_318] : memref<2x128x128xf32, #tpu.memory_space<vmem>> -> memref<1x128x128xf32, #tpu.memory_space<vmem>>
      %dma_wait3A_320 = tpu.memref_squeeze %dma_wait3A_319 : memref<1x128x128xf32, #tpu.memory_space<vmem>> -> memref<128x128xf32, #tpu.memory_space<vmem>>
      %dma_wait3A_321 = arith.constant 0 : i32
      %dma_wait3A_322 = tpu.memref_slice %arg7[%add3A_313, %dma_wait3A_321] : memref<80x128xi32, #tpu.memory_space<vmem>> -> memref<1x128xi32, #tpu.memory_space<vmem>>
      %dma_wait3A_323 = tpu.memref_squeeze %dma_wait3A_322 : memref<1x128xi32, #tpu.memory_space<vmem>> -> memref<128xi32, #tpu.memory_space<vmem>>
      %dma_wait3A_324 = arith.constant 0 : i32
      %dma_wait3A_325 = arith.constant 0 : i32
      %dma_wait3A_326 = tpu.memref_slice %arg2[%dma_wait3A_324, %dma_wait3A_325] : memref<10128x128xf32, #tpu.memory_space<hbm>> -> memref<10128x128xf32, #tpu.memory_space<hbm>>
      tpu.wait_indirect_dma semaphore(%arg12 : memref<!tpu.dma_semaphore, #tpu.memory_space<semaphore_mem>>) src(%dma_wait3A_326 : memref<10128x128xf32, #tpu.memory_space<hbm>>) dst(%dma_wait3A_320 : memref<128x128xf32, #tpu.memory_space<vmem>>)
      %dma_start3A_327 = arith.constant 1 : i32
      %dma_start3A_328 = arith.constant 0 : i32
      %dma_start3A_329 = arith.constant 0 : i32
      %dma_start3A_330 = tpu.memref_slice %arg9[%dma_start3A_327, %dma_start3A_328, %dma_start3A_329] : memref<2x128x128xf32, #tpu.memory_space<vmem>> -> memref<1x128x128xf32, #tpu.memory_space<vmem>>
      %dma_start3A_331 = tpu.memref_squeeze %dma_start3A_330 : memref<1x128x128xf32, #tpu.memory_space<vmem>> -> memref<128x128xf32, #tpu.memory_space<vmem>>
      %dma_start3A_332 = arith.constant 0 : i32
      %dma_start3A_333 = tpu.memref_slice %arg8[%rem3A_315, %dma_start3A_332] : memref<40x128xi32, #tpu.memory_space<vmem>> -> memref<1x128xi32, #tpu.memory_space<vmem>>
      %dma_start3A_334 = tpu.memref_squeeze %dma_start3A_333 : memref<1x128xi32, #tpu.memory_space<vmem>> -> memref<128xi32, #tpu.memory_space<vmem>>
      %dma_start3A_335 = arith.constant 0 : i32
      %dma_start3A_336 = arith.constant 0 : i32
      %dma_start3A_337 = tpu.memref_slice %arg10[%dma_start3A_335, %dma_start3A_336] : memref<10112x128xf32, #tpu.memory_space<vmem_shared>> -> memref<10112x128xf32, #tpu.memory_space<vmem_shared>>
      tpu.enqueue_indirect_dma source(%dma_start3A_331 : memref<128x128xf32, #tpu.memory_space<vmem>>) target(%dma_start3A_337 : memref<10112x128xf32, #tpu.memory_space<vmem_shared>>) offsets(%dma_start3A_334 : memref<128xi32, #tpu.memory_space<vmem>>) semaphore(%arg14 : memref<!tpu.dma_semaphore, #tpu.memory_space<semaphore_mem>>) {add = true}
      %dma_wait3A_338 = arith.constant 1 : i32
      %dma_wait3A_339 = arith.constant 0 : i32
      %dma_wait3A_340 = arith.constant 0 : i32
      %dma_wait3A_341 = tpu.memref_slice %arg9[%dma_wait3A_338, %dma_wait3A_339, %dma_wait3A_340] : memref<2x128x128xf32, #tpu.memory_space<vmem>> -> memref<1x128x128xf32, #tpu.memory_space<vmem>>
      %dma_wait3A_342 = tpu.memref_squeeze %dma_wait3A_341 : memref<1x128x128xf32, #tpu.memory_space<vmem>> -> memref<128x128xf32, #tpu.memory_space<vmem>>
      %dma_wait3A_343 = arith.constant 0 : i32
      %dma_wait3A_344 = tpu.memref_slice %arg8[%rem3A_315, %dma_wait3A_343] : memref<40x128xi32, #tpu.memory_space<vmem>> -> memref<1x128xi32, #tpu.memory_space<vmem>>
      %dma_wait3A_345 = tpu.memref_squeeze %dma_wait3A_344 : memref<1x128xi32, #tpu.memory_space<vmem>> -> memref<128xi32, #tpu.memory_space<vmem>>
      %dma_wait3A_346 = arith.constant 0 : i32
      %dma_wait3A_347 = arith.constant 0 : i32
      %dma_wait3A_348 = tpu.memref_slice %arg10[%dma_wait3A_346, %dma_wait3A_347] : memref<10112x128xf32, #tpu.memory_space<vmem_shared>> -> memref<10112x128xf32, #tpu.memory_space<vmem_shared>>
      tpu.wait_indirect_dma semaphore(%arg14 : memref<!tpu.dma_semaphore, #tpu.memory_space<semaphore_mem>>) src(%dma_wait3A_342 : memref<128x128xf32, #tpu.memory_space<vmem>>) dst(%dma_wait3A_348 : memref<10112x128xf32, #tpu.memory_space<vmem_shared>>)
      %add3A_349 = arith.constant 2 : i32
      %add3A_350 = arith.addi %add3A_313, %add3A_349 : i32
      %dma_start3A_351 = arith.constant 1 : i32
      %dma_start3A_352 = arith.constant 0 : i32
      %dma_start3A_353 = arith.constant 0 : i32
      %dma_start3A_354 = tpu.memref_slice %arg9[%dma_start3A_351, %dma_start3A_352, %dma_start3A_353] : memref<2x128x128xf32, #tpu.memory_space<vmem>> -> memref<1x128x128xf32, #tpu.memory_space<vmem>>
      %dma_start3A_355 = tpu.memref_squeeze %dma_start3A_354 : memref<1x128x128xf32, #tpu.memory_space<vmem>> -> memref<128x128xf32, #tpu.memory_space<vmem>>
      %dma_start3A_356 = arith.constant 0 : i32
      %dma_start3A_357 = tpu.memref_slice %arg7[%add3A_350, %dma_start3A_356] : memref<80x128xi32, #tpu.memory_space<vmem>> -> memref<1x128xi32, #tpu.memory_space<vmem>>
      %dma_start3A_358 = tpu.memref_squeeze %dma_start3A_357 : memref<1x128xi32, #tpu.memory_space<vmem>> -> memref<128xi32, #tpu.memory_space<vmem>>
      %dma_start3A_359 = arith.constant 0 : i32
      %dma_start3A_360 = arith.constant 0 : i32
      %dma_start3A_361 = tpu.memref_slice %arg2[%dma_start3A_359, %dma_start3A_360] : memref<10128x128xf32, #tpu.memory_space<hbm>> -> memref<10128x128xf32, #tpu.memory_space<hbm>>
      tpu.enqueue_indirect_dma source(%dma_start3A_361 : memref<10128x128xf32, #tpu.memory_space<hbm>>) target(%dma_start3A_355 : memref<128x128xf32, #tpu.memory_space<vmem>>) offsets(%dma_start3A_358 : memref<128xi32, #tpu.memory_space<vmem>>) semaphore(%arg12 : memref<!tpu.dma_semaphore, #tpu.memory_space<semaphore_mem>>)
    }
    %scan3A_166 = arith.constant 39 : i32
    %dma_wait3A_167 = arith.constant 78 : i32
    %dma_wait3A_168 = arith.constant 0 : i32
    %dma_wait3A_169 = arith.constant 0 : i32
    %dma_wait3A_170 = arith.constant 0 : i32
    %dma_wait3A_171 = tpu.memref_slice %arg9[%dma_wait3A_168, %dma_wait3A_169, %dma_wait3A_170] : memref<2x128x128xf32, #tpu.memory_space<vmem>> -> memref<1x128x128xf32, #tpu.memory_space<vmem>>
    %dma_wait3A_172 = tpu.memref_squeeze %dma_wait3A_171 : memref<1x128x128xf32, #tpu.memory_space<vmem>> -> memref<128x128xf32, #tpu.memory_space<vmem>>
    %dma_wait3A_173 = arith.constant 0 : i32
    %dma_wait3A_174 = tpu.memref_slice %arg7[%dma_wait3A_167, %dma_wait3A_173] : memref<80x128xi32, #tpu.memory_space<vmem>> -> memref<1x128xi32, #tpu.memory_space<vmem>>
    %dma_wait3A_175 = tpu.memref_squeeze %dma_wait3A_174 : memref<1x128xi32, #tpu.memory_space<vmem>> -> memref<128xi32, #tpu.memory_space<vmem>>
    %dma_wait3A_176 = arith.constant 0 : i32
    %dma_wait3A_177 = arith.constant 0 : i32
    %dma_wait3A_178 = tpu.memref_slice %arg2[%dma_wait3A_176, %dma_wait3A_177] : memref<10128x128xf32, #tpu.memory_space<hbm>> -> memref<10128x128xf32, #tpu.memory_space<hbm>>
    tpu.wait_indirect_dma semaphore(%arg11 : memref<!tpu.dma_semaphore, #tpu.memory_space<semaphore_mem>>) src(%dma_wait3A_178 : memref<10128x128xf32, #tpu.memory_space<hbm>>) dst(%dma_wait3A_172 : memref<128x128xf32, #tpu.memory_space<vmem>>)
    %rem3A = arith.constant 78 : i32
    %rem3A_179 = arith.constant 40 : i32
    %rem3A_180 = arith.remsi %rem3A, %rem3A_179 : i32
    %dma_start3A_181 = arith.constant 0 : i32
    %dma_start3A_182 = arith.constant 0 : i32
    %dma_start3A_183 = arith.constant 0 : i32
    %dma_start3A_184 = tpu.memref_slice %arg9[%dma_start3A_181, %dma_start3A_182, %dma_start3A_183] : memref<2x128x128xf32, #tpu.memory_space<vmem>> -> memref<1x128x128xf32, #tpu.memory_space<vmem>>
    %dma_start3A_185 = tpu.memref_squeeze %dma_start3A_184 : memref<1x128x128xf32, #tpu.memory_space<vmem>> -> memref<128x128xf32, #tpu.memory_space<vmem>>
    %dma_start3A_186 = arith.constant 0 : i32
    %dma_start3A_187 = tpu.memref_slice %arg8[%rem3A_180, %dma_start3A_186] : memref<40x128xi32, #tpu.memory_space<vmem>> -> memref<1x128xi32, #tpu.memory_space<vmem>>
    %dma_start3A_188 = tpu.memref_squeeze %dma_start3A_187 : memref<1x128xi32, #tpu.memory_space<vmem>> -> memref<128xi32, #tpu.memory_space<vmem>>
    %dma_start3A_189 = arith.constant 0 : i32
    %dma_start3A_190 = arith.constant 0 : i32
    %dma_start3A_191 = tpu.memref_slice %arg10[%dma_start3A_189, %dma_start3A_190] : memref<10112x128xf32, #tpu.memory_space<vmem_shared>> -> memref<10112x128xf32, #tpu.memory_space<vmem_shared>>
    tpu.enqueue_indirect_dma source(%dma_start3A_185 : memref<128x128xf32, #tpu.memory_space<vmem>>) target(%dma_start3A_191 : memref<10112x128xf32, #tpu.memory_space<vmem_shared>>) offsets(%dma_start3A_188 : memref<128xi32, #tpu.memory_space<vmem>>) semaphore(%arg13 : memref<!tpu.dma_semaphore, #tpu.memory_space<semaphore_mem>>) {add = true}
    %rem3A_192 = arith.constant 78 : i32
    %rem3A_193 = arith.constant 40 : i32
    %rem3A_194 = arith.remsi %rem3A_192, %rem3A_193 : i32
    %dma_wait3A_195 = arith.constant 0 : i32
    %dma_wait3A_196 = arith.constant 0 : i32
    %dma_wait3A_197 = arith.constant 0 : i32
    %dma_wait3A_198 = tpu.memref_slice %arg9[%dma_wait3A_195, %dma_wait3A_196, %dma_wait3A_197] : memref<2x128x128xf32, #tpu.memory_space<vmem>> -> memref<1x128x128xf32, #tpu.memory_space<vmem>>
    %dma_wait3A_199 = tpu.memref_squeeze %dma_wait3A_198 : memref<1x128x128xf32, #tpu.memory_space<vmem>> -> memref<128x128xf32, #tpu.memory_space<vmem>>
    %dma_wait3A_200 = arith.constant 0 : i32
    %dma_wait3A_201 = tpu.memref_slice %arg8[%rem3A_194, %dma_wait3A_200] : memref<40x128xi32, #tpu.memory_space<vmem>> -> memref<1x128xi32, #tpu.memory_space<vmem>>
    %dma_wait3A_202 = tpu.memref_squeeze %dma_wait3A_201 : memref<1x128xi32, #tpu.memory_space<vmem>> -> memref<128xi32, #tpu.memory_space<vmem>>
    %dma_wait3A_203 = arith.constant 0 : i32
    %dma_wait3A_204 = arith.constant 0 : i32
    %dma_wait3A_205 = tpu.memref_slice %arg10[%dma_wait3A_203, %dma_wait3A_204] : memref<10112x128xf32, #tpu.memory_space<vmem_shared>> -> memref<10112x128xf32, #tpu.memory_space<vmem_shared>>
    tpu.wait_indirect_dma semaphore(%arg13 : memref<!tpu.dma_semaphore, #tpu.memory_space<semaphore_mem>>) src(%dma_wait3A_199 : memref<128x128xf32, #tpu.memory_space<vmem>>) dst(%dma_wait3A_205 : memref<10112x128xf32, #tpu.memory_space<vmem_shared>>)
    %dma_wait3A_206 = arith.constant 79 : i32
    %dma_wait3A_207 = arith.constant 1 : i32
    %dma_wait3A_208 = arith.constant 0 : i32
    %dma_wait3A_209 = arith.constant 0 : i32
    %dma_wait3A_210 = tpu.memref_slice %arg9[%dma_wait3A_207, %dma_wait3A_208, %dma_wait3A_209] : memref<2x128x128xf32, #tpu.memory_space<vmem>> -> memref<1x128x128xf32, #tpu.memory_space<vmem>>
    %dma_wait3A_211 = tpu.memref_squeeze %dma_wait3A_210 : memref<1x128x128xf32, #tpu.memory_space<vmem>> -> memref<128x128xf32, #tpu.memory_space<vmem>>
    %dma_wait3A_212 = arith.constant 0 : i32
    %dma_wait3A_213 = tpu.memref_slice %arg7[%dma_wait3A_206, %dma_wait3A_212] : memref<80x128xi32, #tpu.memory_space<vmem>> -> memref<1x128xi32, #tpu.memory_space<vmem>>
    %dma_wait3A_214 = tpu.memref_squeeze %dma_wait3A_213 : memref<1x128xi32, #tpu.memory_space<vmem>> -> memref<128xi32, #tpu.memory_space<vmem>>
    %dma_wait3A_215 = arith.constant 0 : i32
    %dma_wait3A_216 = arith.constant 0 : i32
    %dma_wait3A_217 = tpu.memref_slice %arg2[%dma_wait3A_215, %dma_wait3A_216] : memref<10128x128xf32, #tpu.memory_space<hbm>> -> memref<10128x128xf32, #tpu.memory_space<hbm>>
    tpu.wait_indirect_dma semaphore(%arg12 : memref<!tpu.dma_semaphore, #tpu.memory_space<semaphore_mem>>) src(%dma_wait3A_217 : memref<10128x128xf32, #tpu.memory_space<hbm>>) dst(%dma_wait3A_211 : memref<128x128xf32, #tpu.memory_space<vmem>>)
    %rem3A_218 = arith.constant 79 : i32
    %rem3A_219 = arith.constant 40 : i32
    %rem3A_220 = arith.remsi %rem3A_218, %rem3A_219 : i32
    %dma_start3A_221 = arith.constant 1 : i32
    %dma_start3A_222 = arith.constant 0 : i32
    %dma_start3A_223 = arith.constant 0 : i32
    %dma_start3A_224 = tpu.memref_slice %arg9[%dma_start3A_221, %dma_start3A_222, %dma_start3A_223] : memref<2x128x128xf32, #tpu.memory_space<vmem>> -> memref<1x128x128xf32, #tpu.memory_space<vmem>>
    %dma_start3A_225 = tpu.memref_squeeze %dma_start3A_224 : memref<1x128x128xf32, #tpu.memory_space<vmem>> -> memref<128x128xf32, #tpu.memory_space<vmem>>
    %dma_start3A_226 = arith.constant 0 : i32
    %dma_start3A_227 = tpu.memref_slice %arg8[%rem3A_220, %dma_start3A_226] : memref<40x128xi32, #tpu.memory_space<vmem>> -> memref<1x128xi32, #tpu.memory_space<vmem>>
    %dma_start3A_228 = tpu.memref_squeeze %dma_start3A_227 : memref<1x128xi32, #tpu.memory_space<vmem>> -> memref<128xi32, #tpu.memory_space<vmem>>
    %dma_start3A_229 = arith.constant 0 : i32
    %dma_start3A_230 = arith.constant 0 : i32
    %dma_start3A_231 = tpu.memref_slice %arg10[%dma_start3A_229, %dma_start3A_230] : memref<10112x128xf32, #tpu.memory_space<vmem_shared>> -> memref<10112x128xf32, #tpu.memory_space<vmem_shared>>
    tpu.enqueue_indirect_dma source(%dma_start3A_225 : memref<128x128xf32, #tpu.memory_space<vmem>>) target(%dma_start3A_231 : memref<10112x128xf32, #tpu.memory_space<vmem_shared>>) offsets(%dma_start3A_228 : memref<128xi32, #tpu.memory_space<vmem>>) semaphore(%arg14 : memref<!tpu.dma_semaphore, #tpu.memory_space<semaphore_mem>>) {add = true}
    %rem3A_232 = arith.constant 79 : i32
    %rem3A_233 = arith.constant 40 : i32
    %rem3A_234 = arith.remsi %rem3A_232, %rem3A_233 : i32
    %dma_wait3A_235 = arith.constant 1 : i32
    %dma_wait3A_236 = arith.constant 0 : i32
    %dma_wait3A_237 = arith.constant 0 : i32
    %dma_wait3A_238 = tpu.memref_slice %arg9[%dma_wait3A_235, %dma_wait3A_236, %dma_wait3A_237] : memref<2x128x128xf32, #tpu.memory_space<vmem>> -> memref<1x128x128xf32, #tpu.memory_space<vmem>>
    %dma_wait3A_239 = tpu.memref_squeeze %dma_wait3A_238 : memref<1x128x128xf32, #tpu.memory_space<vmem>> -> memref<128x128xf32, #tpu.memory_space<vmem>>
    %dma_wait3A_240 = arith.constant 0 : i32
    %dma_wait3A_241 = tpu.memref_slice %arg8[%rem3A_234, %dma_wait3A_240] : memref<40x128xi32, #tpu.memory_space<vmem>> -> memref<1x128xi32, #tpu.memory_space<vmem>>
    %dma_wait3A_242 = tpu.memref_squeeze %dma_wait3A_241 : memref<1x128xi32, #tpu.memory_space<vmem>> -> memref<128xi32, #tpu.memory_space<vmem>>
    %dma_wait3A_243 = arith.constant 0 : i32
    %dma_wait3A_244 = arith.constant 0 : i32
    %dma_wait3A_245 = tpu.memref_slice %arg10[%dma_wait3A_243, %dma_wait3A_244] : memref<10112x128xf32, #tpu.memory_space<vmem_shared>> -> memref<10112x128xf32, #tpu.memory_space<vmem_shared>>
    tpu.wait_indirect_dma semaphore(%arg14 : memref<!tpu.dma_semaphore, #tpu.memory_space<semaphore_mem>>) src(%dma_wait3A_239 : memref<128x128xf32, #tpu.memory_space<vmem>>) dst(%dma_wait3A_245 : memref<10112x128xf32, #tpu.memory_space<vmem_shared>>)
    %barrier3A_246 = arith.constant 0 : index
    tpu.barrier barrier_id(%barrier3A_246)
    %mul3A_247 = arith.constant 632 : i32
    %mul3A_248 = arith.muli %arg1, %mul3A_247 : i32
    %mul3A_249 = arith.constant 632 : i32
    %mul3A_250 = arith.muli %arg1, %mul3A_249 : i32
    "tpu.region"() ({
      %run_scoped3A_251 = tpu.sem_alloc : memref<!tpu.dma_semaphore, #tpu.memory_space<semaphore_mem>>
      %dma_start3A_252 = arith.constant 0 : i32
      %dma_start3A_253 = tpu.memref_slice %arg6[%arg0, %mul3A_250, %dma_start3A_252] : memref<2x10112x128xf32, #tpu.memory_space<hbm>> -> memref<1x632x128xf32, #tpu.memory_space<hbm>>
      %dma_start3A_254 = tpu.memref_squeeze %dma_start3A_253 : memref<1x632x128xf32, #tpu.memory_space<hbm>> -> memref<632x128xf32, #tpu.memory_space<hbm>>
      %dma_start3A_255 = arith.constant 0 : i32
      %dma_start3A_256 = tpu.memref_slice %arg10[%mul3A_248, %dma_start3A_255] : memref<10112x128xf32, #tpu.memory_space<vmem_shared>> -> memref<632x128xf32, #tpu.memory_space<vmem_shared>>
      tpu.enqueue_dma source(%dma_start3A_256 : memref<632x128xf32, #tpu.memory_space<vmem_shared>>) target(%dma_start3A_254 : memref<632x128xf32, #tpu.memory_space<hbm>>) target_semaphore(%run_scoped3A_251 : memref<!tpu.dma_semaphore, #tpu.memory_space<semaphore_mem>>)
      %dma_wait3A_257 = arith.constant 0 : i32
      %dma_wait3A_258 = tpu.memref_slice %arg6[%arg0, %mul3A_250, %dma_wait3A_257] : memref<2x10112x128xf32, #tpu.memory_space<hbm>> -> memref<1x632x128xf32, #tpu.memory_space<hbm>>
      %dma_wait3A_259 = tpu.memref_squeeze %dma_wait3A_258 : memref<1x632x128xf32, #tpu.memory_space<hbm>> -> memref<632x128xf32, #tpu.memory_space<hbm>>
      %dma_wait3A_260 = arith.constant 0 : i32
      %dma_wait3A_261 = tpu.memref_slice %arg10[%mul3A_248, %dma_wait3A_260] : memref<10112x128xf32, #tpu.memory_space<vmem_shared>> -> memref<632x128xf32, #tpu.memory_space<vmem_shared>>
      tpu.wait_dma2 semaphore(%run_scoped3A_251 : memref<!tpu.dma_semaphore, #tpu.memory_space<semaphore_mem>>) src(%dma_wait3A_261 : memref<632x128xf32, #tpu.memory_space<vmem_shared>>) dst(%dma_wait3A_259 : memref<632x128xf32, #tpu.memory_space<hbm>>)
      tpu.yield
    }) : () -> ()
    return
  }
}

module attributes {stable_mosaic.version = 14 : i64} {
  func.func @_tc1_body(%arg0: memref<10000x128xf32, #tpu.memory_space<vmem>>, %arg1: memref<2x10240xf32, #tpu.memory_space<vmem>>, %arg2: memref<10128x128xf32, #tpu.memory_space<vmem>>, %arg3: memref<10000x1xf32, #tpu.memory_space<vmem>>) attributes {dimension_semantics = [], scalar_prefetch = 0 : i64, scratch_operands = 0 : i64, tpu.core_type = #tpu.core_type<tc>} {
    %get3A = arith.constant 0 : index
    %get3A_0 = arith.constant 0 : index
    %get3A_1 = vector.load %arg1[%get3A, %get3A_0] : memref<2x10240xf32, #tpu.memory_space<vmem>>, vector<1x10000xf32>
    %get3A_2 = vector.shape_cast %get3A_1 : vector<1x10000xf32> to vector<10000xf32>
    %get3A_3 = arith.constant 1 : index
    %get3A_4 = arith.constant 0 : index
    %get3A_5 = vector.load %arg1[%get3A_3, %get3A_4] : memref<2x10240xf32, #tpu.memory_space<vmem>>, vector<1x10000xf32>
    %get3A_6 = vector.shape_cast %get3A_5 : vector<1x10000xf32> to vector<10000xf32>
    %add3A = arith.addf %get3A_2, %get3A_6 : vector<10000xf32>
    %add3A_7 = arith.constant 1.000000e+00 : f32
    %add3A_8 = vector.broadcast %add3A_7 : f32 to vector<10000xf32>
    %add3A_9 = arith.addf %add3A, %add3A_8 : vector<10000xf32>
    %rsqrt3A = math.rsqrt %add3A_9 : vector<10000xf32>
    %broadcast_in_dim3A = vector.shape_cast %rsqrt3A : vector<10000xf32> to vector<10000x1xf32>
    %get3A_10 = arith.constant 0 : index
    %get3A_11 = arith.constant 0 : index
    %get3A_12 = vector.load %arg0[%get3A_10, %get3A_11] : memref<10000x128xf32, #tpu.memory_space<vmem>>, vector<10000x128xf32>
    %mul3A = vector.broadcast %broadcast_in_dim3A : vector<10000x1xf32> to vector<10000x128xf32>
    %mul3A_13 = arith.mulf %get3A_12, %mul3A : vector<10000x128xf32>
    %swap3A = arith.constant 0 : index
    %swap3A_14 = arith.constant 0 : index
    %swap3A_15 = vector.load %arg2[%swap3A, %swap3A_14] : memref<10128x128xf32, #tpu.memory_space<vmem>>, vector<10000x128xf32>
    tpu.vector_store %arg2[%swap3A, %swap3A_14], %mul3A_13 {strides = array<i32>} : memref<10128x128xf32, #tpu.memory_space<vmem>>, vector<10000x128xf32>,
    %broadcast_in_dim3A_16 = arith.constant 0.000000e+00 : f32
    %broadcast_in_dim3A_17 = vector.broadcast %broadcast_in_dim3A_16 : f32 to vector<128x128xf32>
    %swap3A_18 = arith.constant 10000 : index
    %swap3A_19 = arith.constant 0 : index
    %swap3A_20 = vector.load %arg2[%swap3A_18, %swap3A_19] : memref<10128x128xf32, #tpu.memory_space<vmem>>, vector<128x128xf32>
    tpu.vector_store %arg2[%swap3A_18, %swap3A_19], %broadcast_in_dim3A_17 {strides = array<i32>} : memref<10128x128xf32, #tpu.memory_space<vmem>>, vector<128x128xf32>,
    %swap3A_21 = arith.constant 0 : index
    %swap3A_22 = arith.constant 0 : index
    %swap3A_23 = vector.load %arg3[%swap3A_21, %swap3A_22] : memref<10000x1xf32, #tpu.memory_space<vmem>>, vector<10000x1xf32>
    tpu.vector_store %arg3[%swap3A_21, %swap3A_22], %broadcast_in_dim3A {strides = array<i32>} : memref<10000x1xf32, #tpu.memory_space<vmem>>, vector<10000x1xf32>,
    return
  }
}

module attributes {stable_mosaic.version = 14 : i64} {
  func.func @_tc0_body(%arg0: memref<10000x128xf32, #tpu.memory_space<vmem>>, %arg1: memref<128x128xf32, #tpu.memory_space<vmem>>, %arg2: memref<10000x128xf32, #tpu.memory_space<vmem>>) attributes {dimension_semantics = [], scalar_prefetch = 0 : i64, scratch_operands = 0 : i64, tpu.core_type = #tpu.core_type<tc>} {
    %get3A = arith.constant 0 : index
    %get3A_0 = arith.constant 0 : index
    %get3A_1 = vector.load %arg0[%get3A, %get3A_0] : memref<10000x128xf32, #tpu.memory_space<vmem>>, vector<10000x128xf32>
    %get3A_2 = arith.constant 0 : index
    %get3A_3 = arith.constant 0 : index
    %get3A_4 = vector.load %arg1[%get3A_2, %get3A_3] : memref<128x128xf32, #tpu.memory_space<vmem>>, vector<128x128xf32>
    %dot_general3A = arith.constant dense<0.000000e+00> : vector<10000x128xf32>
    %dot_general3A_5 = tpu.matmul %get3A_1, %get3A_4, %dot_general3A {dimension_numbers = #tpu.dot_dimension_numbers<[1], [0], [0], [1], [0, 0, 1, 1], [], []>, transpose_lhs_hint = false} : vector<10000x128xf32>, vector<128x128xf32>, vector<10000x128xf32> -> vector<10000x128xf32>
    %swap3A = arith.constant 0 : index
    %swap3A_6 = arith.constant 0 : index
    %swap3A_7 = vector.load %arg2[%swap3A, %swap3A_6] : memref<10000x128xf32, #tpu.memory_space<vmem>>, vector<10000x128xf32>
    tpu.vector_store %arg2[%swap3A, %swap3A_6], %dot_general3A_5 {strides = array<i32>} : memref<10000x128xf32, #tpu.memory_space<vmem>>, vector<10000x128xf32>,
    return
  }
}

module attributes {stable_mosaic.version = 14 : i64} {
  func.func @_tc2_body(%arg0: memref<2x10112x128xf32, #tpu.memory_space<vmem>>, %arg1: memref<10128x128xf32, #tpu.memory_space<vmem>>, %arg2: memref<10000x1xf32, #tpu.memory_space<vmem>>, %arg3: memref<1x128xf32, #tpu.memory_space<vmem>>, %arg4: memref<1x128xf32, #tpu.memory_space<vmem>>, %arg5: memref<1x128xf32, #tpu.memory_space<vmem>>, %arg6: memref<128x128xf32, #tpu.memory_space<vmem>>, %arg7: memref<10128x128xf32, #tpu.memory_space<vmem>>) attributes {dimension_semantics = [], scalar_prefetch = 0 : i64, scratch_operands = 0 : i64, tpu.core_type = #tpu.core_type<tc>} {
    %get3A = arith.constant 0 : index
    %get3A_0 = arith.constant 0 : index
    %get3A_1 = arith.constant 0 : index
    %get3A_2 = vector.load %arg0[%get3A, %get3A_0, %get3A_1] : memref<2x10112x128xf32, #tpu.memory_space<vmem>>, vector<1x10000x128xf32>
    %get3A_3 = vector.shape_cast %get3A_2 : vector<1x10000x128xf32> to vector<10000x128xf32>
    %get3A_4 = arith.constant 1 : index
    %get3A_5 = arith.constant 0 : index
    %get3A_6 = arith.constant 0 : index
    %get3A_7 = vector.load %arg0[%get3A_4, %get3A_5, %get3A_6] : memref<2x10112x128xf32, #tpu.memory_space<vmem>>, vector<1x10000x128xf32>
    %get3A_8 = vector.shape_cast %get3A_7 : vector<1x10000x128xf32> to vector<10000x128xf32>
    %add3A = arith.addf %get3A_3, %get3A_8 : vector<10000x128xf32>
    %get3A_9 = arith.constant 0 : index
    %get3A_10 = arith.constant 0 : index
    %get3A_11 = vector.load %arg1[%get3A_9, %get3A_10] : memref<10128x128xf32, #tpu.memory_space<vmem>>, vector<10000x128xf32>
    %add3A_12 = arith.addf %add3A, %get3A_11 : vector<10000x128xf32>
    %get3A_13 = arith.constant 0 : index
    %get3A_14 = arith.constant 0 : index
    %get3A_15 = vector.load %arg2[%get3A_13, %get3A_14] : memref<10000x1xf32, #tpu.memory_space<vmem>>, vector<10000x1xf32>
    %mul3A = vector.broadcast %get3A_15 : vector<10000x1xf32> to vector<10000x128xf32>
    %mul3A_16 = arith.mulf %add3A_12, %mul3A : vector<10000x128xf32>
    %get3A_17 = arith.constant 0 : index
    %get3A_18 = arith.constant 0 : index
    %get3A_19 = vector.load %arg3[%get3A_17, %get3A_18] : memref<1x128xf32, #tpu.memory_space<vmem>>, vector<1x128xf32>
    %add3A_20 = vector.broadcast %get3A_19 : vector<1x128xf32> to vector<10000x128xf32>
    %add3A_21 = arith.addf %mul3A_16, %add3A_20 : vector<10000x128xf32>
    %max3A = arith.constant 0.000000e+00 : f32
    %max3A_22 = vector.broadcast %max3A : f32 to vector<10000x128xf32>
    %max3A_23 = arith.maximumf %add3A_21, %max3A_22 : vector<10000x128xf32>
    %reduce_sum3A = arith.constant dense<0.000000e+00> : vector<128xf32>
    %reduce_sum3A_24 = vector.multi_reduction <add>, %max3A_23, %reduce_sum3A [0] : vector<10000x128xf32> to vector<128xf32>
    %broadcast_in_dim3A = vector.shape_cast %reduce_sum3A_24 : vector<128xf32> to vector<1x128xf32>
    %div3A = arith.constant 1.000000e+04 : f32
    %div3A_25 = vector.broadcast %div3A : f32 to vector<1x128xf32>
    %div3A_26 = arith.divf %broadcast_in_dim3A, %div3A_25 : vector<1x128xf32>
    %sub3A = vector.broadcast %div3A_26 : vector<1x128xf32> to vector<10000x128xf32>
    %sub3A_27 = arith.subf %max3A_23, %sub3A : vector<10000x128xf32>
    %square3A = arith.mulf %sub3A_27, %sub3A_27 : vector<10000x128xf32>
    %reduce_sum3A_28 = arith.constant dense<0.000000e+00> : vector<128xf32>
    %reduce_sum3A_29 = vector.multi_reduction <add>, %square3A, %reduce_sum3A_28 [0] : vector<10000x128xf32> to vector<128xf32>
    %broadcast_in_dim3A_30 = vector.shape_cast %reduce_sum3A_29 : vector<128xf32> to vector<1x128xf32>
    %div3A_31 = arith.constant 1.000000e+04 : f32
    %div3A_32 = vector.broadcast %div3A_31 : f32 to vector<1x128xf32>
    %div3A_33 = arith.divf %broadcast_in_dim3A_30, %div3A_32 : vector<1x128xf32>
    %sub3A_34 = vector.broadcast %div3A_26 : vector<1x128xf32> to vector<10000x128xf32>
    %sub3A_35 = arith.subf %max3A_23, %sub3A_34 : vector<10000x128xf32>
    %add3A_36 = arith.constant 9.99999974E-6 : f32
    %add3A_37 = vector.broadcast %add3A_36 : f32 to vector<1x128xf32>
    %add3A_38 = arith.addf %div3A_33, %add3A_37 : vector<1x128xf32>
    %rsqrt3A = math.rsqrt %add3A_38 : vector<1x128xf32>
    %mul3A_39 = vector.broadcast %rsqrt3A : vector<1x128xf32> to vector<10000x128xf32>
    %mul3A_40 = arith.mulf %sub3A_35, %mul3A_39 : vector<10000x128xf32>
    %get3A_41 = arith.constant 0 : index
    %get3A_42 = arith.constant 0 : index
    %get3A_43 = vector.load %arg4[%get3A_41, %get3A_42] : memref<1x128xf32, #tpu.memory_space<vmem>>, vector<1x128xf32>
    %mul3A_44 = vector.broadcast %get3A_43 : vector<1x128xf32> to vector<10000x128xf32>
    %mul3A_45 = arith.mulf %mul3A_40, %mul3A_44 : vector<10000x128xf32>
    %get3A_46 = arith.constant 0 : index
    %get3A_47 = arith.constant 0 : index
    %get3A_48 = vector.load %arg5[%get3A_46, %get3A_47] : memref<1x128xf32, #tpu.memory_space<vmem>>, vector<1x128xf32>
    %add3A_49 = vector.broadcast %get3A_48 : vector<1x128xf32> to vector<10000x128xf32>
    %add3A_50 = arith.addf %mul3A_45, %add3A_49 : vector<10000x128xf32>
    %get3A_51 = arith.constant 0 : index
    %get3A_52 = arith.constant 0 : index
    %get3A_53 = vector.load %arg6[%get3A_51, %get3A_52] : memref<128x128xf32, #tpu.memory_space<vmem>>, vector<128x128xf32>
    %dot_general3A = arith.constant dense<0.000000e+00> : vector<10000x128xf32>
    %dot_general3A_54 = tpu.matmul %add3A_50, %get3A_53, %dot_general3A {dimension_numbers = #tpu.dot_dimension_numbers<[1], [0], [0], [1], [0, 0, 1, 1], [], []>, transpose_lhs_hint = false} : vector<10000x128xf32>, vector<128x128xf32>, vector<10000x128xf32> -> vector<10000x128xf32>
    %get3A_55 = arith.constant 0 : index
    %get3A_56 = arith.constant 0 : index
    %get3A_57 = vector.load %arg2[%get3A_55, %get3A_56] : memref<10000x1xf32, #tpu.memory_space<vmem>>, vector<10000x1xf32>
    %mul3A_58 = vector.broadcast %get3A_57 : vector<10000x1xf32> to vector<10000x128xf32>
    %mul3A_59 = arith.mulf %dot_general3A_54, %mul3A_58 : vector<10000x128xf32>
    %swap3A = arith.constant 0 : index
    %swap3A_60 = arith.constant 0 : index
    %swap3A_61 = vector.load %arg7[%swap3A, %swap3A_60] : memref<10128x128xf32, #tpu.memory_space<vmem>>, vector<10000x128xf32>
    tpu.vector_store %arg7[%swap3A, %swap3A_60], %mul3A_59 {strides = array<i32>} : memref<10128x128xf32, #tpu.memory_space<vmem>>, vector<10000x128xf32>,
    %broadcast_in_dim3A_62 = arith.constant 0.000000e+00 : f32
    %broadcast_in_dim3A_63 = vector.broadcast %broadcast_in_dim3A_62 : f32 to vector<128x128xf32>
    %swap3A_64 = arith.constant 10000 : index
    %swap3A_65 = arith.constant 0 : index
    %swap3A_66 = vector.load %arg7[%swap3A_64, %swap3A_65] : memref<10128x128xf32, #tpu.memory_space<vmem>>, vector<128x128xf32>
    tpu.vector_store %arg7[%swap3A_64, %swap3A_65], %broadcast_in_dim3A_63 {strides = array<i32>} : memref<10128x128xf32, #tpu.memory_space<vmem>>, vector<128x128xf32>,
    return
  }
}

module attributes {stable_mosaic.version = 14 : i64} {
  func.func @_tc3_body(%arg0: memref<2x10112x128xf32, #tpu.memory_space<vmem>>, %arg1: memref<10128x128xf32, #tpu.memory_space<vmem>>, %arg2: memref<10000x1xf32, #tpu.memory_space<vmem>>, %arg3: memref<1x128xf32, #tpu.memory_space<vmem>>, %arg4: memref<1x128xf32, #tpu.memory_space<vmem>>, %arg5: memref<1x128xf32, #tpu.memory_space<vmem>>, %arg6: memref<128x1xf32, #tpu.memory_space<vmem>>, %arg7: memref<1x1xf32, #tpu.memory_space<vmem>>, %arg8: memref<10000x1xf32, #tpu.memory_space<vmem>>) attributes {dimension_semantics = [], scalar_prefetch = 0 : i64, scratch_operands = 0 : i64, tpu.core_type = #tpu.core_type<tc>} {
    %get3A = arith.constant 0 : index
    %get3A_0 = arith.constant 0 : index
    %get3A_1 = arith.constant 0 : index
    %get3A_2 = vector.load %arg0[%get3A, %get3A_0, %get3A_1] : memref<2x10112x128xf32, #tpu.memory_space<vmem>>, vector<1x10000x128xf32>
    %get3A_3 = vector.shape_cast %get3A_2 : vector<1x10000x128xf32> to vector<10000x128xf32>
    %get3A_4 = arith.constant 1 : index
    %get3A_5 = arith.constant 0 : index
    %get3A_6 = arith.constant 0 : index
    %get3A_7 = vector.load %arg0[%get3A_4, %get3A_5, %get3A_6] : memref<2x10112x128xf32, #tpu.memory_space<vmem>>, vector<1x10000x128xf32>
    %get3A_8 = vector.shape_cast %get3A_7 : vector<1x10000x128xf32> to vector<10000x128xf32>
    %add3A = arith.addf %get3A_3, %get3A_8 : vector<10000x128xf32>
    %get3A_9 = arith.constant 0 : index
    %get3A_10 = arith.constant 0 : index
    %get3A_11 = vector.load %arg1[%get3A_9, %get3A_10] : memref<10128x128xf32, #tpu.memory_space<vmem>>, vector<10000x128xf32>
    %add3A_12 = arith.addf %add3A, %get3A_11 : vector<10000x128xf32>
    %get3A_13 = arith.constant 0 : index
    %get3A_14 = arith.constant 0 : index
    %get3A_15 = vector.load %arg2[%get3A_13, %get3A_14] : memref<10000x1xf32, #tpu.memory_space<vmem>>, vector<10000x1xf32>
    %mul3A = vector.broadcast %get3A_15 : vector<10000x1xf32> to vector<10000x128xf32>
    %mul3A_16 = arith.mulf %add3A_12, %mul3A : vector<10000x128xf32>
    %get3A_17 = arith.constant 0 : index
    %get3A_18 = arith.constant 0 : index
    %get3A_19 = vector.load %arg3[%get3A_17, %get3A_18] : memref<1x128xf32, #tpu.memory_space<vmem>>, vector<1x128xf32>
    %add3A_20 = vector.broadcast %get3A_19 : vector<1x128xf32> to vector<10000x128xf32>
    %add3A_21 = arith.addf %mul3A_16, %add3A_20 : vector<10000x128xf32>
    %max3A = arith.constant 0.000000e+00 : f32
    %max3A_22 = vector.broadcast %max3A : f32 to vector<10000x128xf32>
    %max3A_23 = arith.maximumf %add3A_21, %max3A_22 : vector<10000x128xf32>
    %reduce_sum3A = arith.constant dense<0.000000e+00> : vector<128xf32>
    %reduce_sum3A_24 = vector.multi_reduction <add>, %max3A_23, %reduce_sum3A [0] : vector<10000x128xf32> to vector<128xf32>
    %broadcast_in_dim3A = vector.shape_cast %reduce_sum3A_24 : vector<128xf32> to vector<1x128xf32>
    %div3A = arith.constant 1.000000e+04 : f32
    %div3A_25 = vector.broadcast %div3A : f32 to vector<1x128xf32>
    %div3A_26 = arith.divf %broadcast_in_dim3A, %div3A_25 : vector<1x128xf32>
    %sub3A = vector.broadcast %div3A_26 : vector<1x128xf32> to vector<10000x128xf32>
    %sub3A_27 = arith.subf %max3A_23, %sub3A : vector<10000x128xf32>
    %square3A = arith.mulf %sub3A_27, %sub3A_27 : vector<10000x128xf32>
    %reduce_sum3A_28 = arith.constant dense<0.000000e+00> : vector<128xf32>
    %reduce_sum3A_29 = vector.multi_reduction <add>, %square3A, %reduce_sum3A_28 [0] : vector<10000x128xf32> to vector<128xf32>
    %broadcast_in_dim3A_30 = vector.shape_cast %reduce_sum3A_29 : vector<128xf32> to vector<1x128xf32>
    %div3A_31 = arith.constant 1.000000e+04 : f32
    %div3A_32 = vector.broadcast %div3A_31 : f32 to vector<1x128xf32>
    %div3A_33 = arith.divf %broadcast_in_dim3A_30, %div3A_32 : vector<1x128xf32>
    %sub3A_34 = vector.broadcast %div3A_26 : vector<1x128xf32> to vector<10000x128xf32>
    %sub3A_35 = arith.subf %max3A_23, %sub3A_34 : vector<10000x128xf32>
    %add3A_36 = arith.constant 9.99999974E-6 : f32
    %add3A_37 = vector.broadcast %add3A_36 : f32 to vector<1x128xf32>
    %add3A_38 = arith.addf %div3A_33, %add3A_37 : vector<1x128xf32>
    %rsqrt3A = math.rsqrt %add3A_38 : vector<1x128xf32>
    %mul3A_39 = vector.broadcast %rsqrt3A : vector<1x128xf32> to vector<10000x128xf32>
    %mul3A_40 = arith.mulf %sub3A_35, %mul3A_39 : vector<10000x128xf32>
    %get3A_41 = arith.constant 0 : index
    %get3A_42 = arith.constant 0 : index
    %get3A_43 = vector.load %arg4[%get3A_41, %get3A_42] : memref<1x128xf32, #tpu.memory_space<vmem>>, vector<1x128xf32>
    %mul3A_44 = vector.broadcast %get3A_43 : vector<1x128xf32> to vector<10000x128xf32>
    %mul3A_45 = arith.mulf %mul3A_40, %mul3A_44 : vector<10000x128xf32>
    %get3A_46 = arith.constant 0 : index
    %get3A_47 = arith.constant 0 : index
    %get3A_48 = vector.load %arg5[%get3A_46, %get3A_47] : memref<1x128xf32, #tpu.memory_space<vmem>>, vector<1x128xf32>
    %add3A_49 = vector.broadcast %get3A_48 : vector<1x128xf32> to vector<10000x128xf32>
    %add3A_50 = arith.addf %mul3A_45, %add3A_49 : vector<10000x128xf32>
    %get3A_51 = arith.constant 0 : index
    %get3A_52 = arith.constant 0 : index
    %get3A_53 = vector.load %arg6[%get3A_51, %get3A_52] : memref<128x1xf32, #tpu.memory_space<vmem>>, vector<128x1xf32>
    %dot_general3A = arith.constant dense<0.000000e+00> : vector<10000x1xf32>
    %dot_general3A_54 = tpu.matmul %add3A_50, %get3A_53, %dot_general3A {dimension_numbers = #tpu.dot_dimension_numbers<[1], [0], [0], [1], [0, 0, 1, 1], [], []>, transpose_lhs_hint = false} : vector<10000x128xf32>, vector<128x1xf32>, vector<10000x1xf32> -> vector<10000x1xf32>
    %get3A_55 = arith.constant 0 : index
    %get3A_56 = arith.constant 0 : index
    %get3A_57 = vector.load %arg7[%get3A_55, %get3A_56] : memref<1x1xf32, #tpu.memory_space<vmem>>, vector<1x1xf32>
    %add3A_58 = vector.broadcast %get3A_57 : vector<1x1xf32> to vector<10000x1xf32>
    %add3A_59 = arith.addf %dot_general3A_54, %add3A_58 : vector<10000x1xf32>
    %swap3A = arith.constant 0 : index
    %swap3A_60 = arith.constant 0 : index
    %swap3A_61 = vector.load %arg8[%swap3A, %swap3A_60] : memref<10000x1xf32, #tpu.memory_space<vmem>>, vector<10000x1xf32>
    tpu.vector_store %arg8[%swap3A, %swap3A_60], %add3A_59 {strides = array<i32>} : memref<10000x1xf32, #tpu.memory_space<vmem>>, vector<10000x1xf32>,
    return
  }
}

</mosaic_0001>

<sc_bundles>
// kernel: kernel.12.cloned.1.call-start
scs
__scs_entry_jumppad:
0x0: {  	(pc) =	sbr.rel $0x88, $3  }
0x1: {  	(tag) =	ssettag $0x0;
	lr =	simm.s32 $0x1  }
0x2: {  	[smem:$0x3F95] =	sst lr;
	_ =	strace $0xD0000000  }
0x3: {  	_ = 	snop  }
0x4: {  	_ = 	snop  }
0x5: {  	_ = 	snop  }
0x6: {  	_ = 	snop  }
0x7: {  	_ = 	snop  }
__scs_overlays_trampoline_lowered:
0x8: {  	[smem:$0x3FA4] =	sst s0  }
0x9: {  	[smem:$0x3FA5] =	sst s1  }
0xa: {  	[smem:$0x3FA6] =	sst s2  }
0xb: {  	[smem:$0x3FA7] =	sst s3  }
0xc: {  	[smem:$0x3FA8] =	sst s4  }
0xd: {  	[smem:$0x3FA9] =	sst s5  }
0xe: {  	[smem:$0x3FAA] =	sst s6  }
0xf: {  	[smem:$0x3FAB] =	sst s7  }
0x10: {  	[smem:$0x3FAC] =	sst s8  }
0x11: {  	[smem:$0x3FAD] =	sst s9;
	s0 =	simm.s32 @!p0 $0x0  }
0x12: {  	s1 =	sld [smem:$0x3F93];
	s0 =	simm.s32 @p0 $0x1  }
0x13: {  	[smem:$0x3FAE] =	sst s0;
	s0 =	simm.s32 @!p1 $0x0  }
0x14: {  	s2 =	sld [smem:$0x3F92];
	s0 =	simm.s32 @p1 $0x1  }
0x15: {  	[smem:$0x3FAF] =	sst s0;
	s0 =	simm.s32 @!p2 $0x0  }
0x16: {  	s3 =	sld [smem:$0x3FDB];
	s0 =	simm.s32 @p2 $0x1  }
0x17: {  	s4 =	simm.s32 $0x1BF5;
	[smem:$0x3FB1] =	sst s0  }
0x18: {  	s0 =	sld [smem:$0x3F94];
	_ =	swait.ge [sflag:s4], $0x0  }
0x19: {  	s7 =	sld [smem:$0x3F95]  }
0x1a: {  	s8 =	sadd.s32 $0xFFFFE003, lr  }
0x1b: {  	s9 =	sadd.s32 $0xFFFFFEF7, lr;
	s5 =	simm.s32 $0xFFFFFFFF;
	p2 =	slt.u32 s8, $0xFFFFF086  }
0x1c: {  	p1 =	slt.u32 s9, $0xF7A;
	s5 =	simm.s32 @!p2 $0x0  }
0x1d: {  	s5 =	simm.s32 @p1 $0x1;
	p0 =	seq.s32 s7, s2  }
0x1e: {  	s7 =	smul.u32 @!p0 $0xF7A, s2;
	p2 =	seq.s32 @!p0 s5, $0x0  }
0x1f: {  	s9 =	smul.u32 $0xF7A, s1;
	s8 =	simm.s32 @!p0 $0x1BF5;
	p2 =	por !p2, p0  }
0x20: {  	[sflag:s8] =	ssyncset.s32 @!p0 $0xFFFFF086;
	s6 =	sadd.s32 @!p0 s3, s7;
	s7 =	simm.s32 @!p0 $0x108  }
0x21: {  	s3 =	sadd.s32 s3, s9;
	s6 =	sadd.s32 @!p0 $0x88, s6;
	s7 =	simm.s32 @p2 $0x1082  }
0x22: {  	[simem:s7], [sflag:s8] =	dma.local @!p0 [hbm:s6], $0xF7A  }
0x23: {  	s9 =	sor.u32 $0xD0000000, s2;
	s6 =	simm.s32 $0x108;
	_ =	swait.ge @!p0 [sflag:s8], $0x0  }
0x24: {  	s3 =	sadd.s32 $0x88, s3;
	s6 =	simm.s32 @!p1 $0x1082;
	[sflag:s4] =	ssyncset.s32 $0xFFFFF086  }
0x25: {  	[simem:s6], [sflag:s4] =	dma.local [hbm:s3], $0xF7A  }
0x26: {  	[smem:$0x3F95] =	sst s1;
	(tag) =	ssettag s2;
	_ =	strace s9  }
0x27: {  	s1 =	sld [smem:$0x3FA5]  }
0x28: {  	s2 =	sld [smem:$0x3FA6]  }
0x29: {  	s4 =	sld [smem:$0x3FA8]  }
0x2a: {  	p0 =	seq.s32 s5, $0x0;
	s5 =	sld [smem:$0x3FA9]  }
0x2b: {  	s6 =	sld [smem:$0x3FAA]  }
0x2c: {  	s7 =	sld [smem:$0x3FAB]  }
0x2d: {  	s3 =	simm.s32 $0x108;
	s8 =	sld [smem:$0x3FAC]  }
0x2e: {  	s3 =	simm.s32 @!p0 $0x1082;
	s9 =	sld [smem:$0x3FAD]  }
0x2f: {  	lr =	sadd.s32 s0, s3;
	s0 =	sld [smem:$0x3FA4]  }
0x30: {  	s3 =	sld [smem:$0x3FA7]  }
0x31: {  	[smem:$0x3FB0] =	sst s10  }
0x32: {  	s10 =	sld [smem:$0x3FAE];
	_ =	sdelay $0x3  }
0x33: {  	p0 =	seq.s32 s10, $0x1;
	s10 =	sld [smem:$0x3FB0];
	_ =	sdelay $0x3  }
0x34: {  	[smem:$0x3FB0] =	sst s10  }
0x35: {  	s10 =	sld [smem:$0x3FAF];
	_ =	sdelay $0x3  }
0x36: {  	p1 =	seq.s32 s10, $0x1;
	s10 =	sld [smem:$0x3FB0];
	_ =	sdelay $0x3  }
0x37: {  	[smem:$0x3FB0] =	sst s10  }
0x38: {  	s10 =	sld [smem:$0x3FB1]  }
0x39: {  	_ = 	snop;
	(pc) =	sbr.ind lr, $3  }
0x3a: {  	_ = 	snop  }
0x3b: {  	_ = 	snop  }
0x3c: {  	p2 =	seq.s32 s10, $0x1;
	s10 =	sld [smem:$0x3FB0]  }
0x3d: {  	_ =	shalt  }
0x3e: {  	_ =	shalt  }
0x3f: {  	_ =	shalt  }
0x40: {  	_ =	shalt  }
0x41: {  	_ =	shalt  }
0x42: {  	_ =	shalt  }
0x43: {  	_ =	shalt  }
0x44: {  	_ =	shalt  }
0x45: {  	_ =	shalt  }
0x46: {  	_ =	shalt  }
0x47: {  	_ =	shalt  }
0x48: {  	_ =	shalt  }
0x49: {  	_ =	shalt  }
0x4a: {  	_ =	shalt  }
0x4b: {  	_ =	shalt  }
0x4c: {  	_ =	shalt  }
0x4d: {  	_ =	shalt  }
0x4e: {  	_ =	shalt  }
0x4f: {  	_ =	shalt  }
0x50: {  	_ =	shalt  }
0x51: {  	_ =	shalt  }
0x52: {  	_ =	shalt  }
0x53: {  	_ =	shalt  }
0x54: {  	_ =	shalt  }
0x55: {  	_ =	shalt  }
0x56: {  	_ =	shalt  }
0x57: {  	_ =	shalt  }
0x58: {  	_ =	shalt  }
0x59: {  	_ =	shalt  }
0x5a: {  	_ =	shalt  }
0x5b: {  	_ =	shalt  }
0x5c: {  	_ =	shalt  }
0x5d: {  	_ =	shalt  }
0x5e: {  	_ =	shalt  }
0x5f: {  	_ =	shalt  }
0x60: {  	_ =	shalt  }
0x61: {  	_ =	shalt  }
0x62: {  	_ =	shalt  }
0x63: {  	_ =	shalt  }
0x64: {  	_ =	shalt  }
0x65: {  	_ =	shalt  }
0x66: {  	_ =	shalt  }
0x67: {  	_ =	shalt  }
0x68: {  	_ =	shalt  }
0x69: {  	_ =	shalt  }
0x6a: {  	_ =	shalt  }
0x6b: {  	_ =	shalt  }
0x6c: {  	_ =	shalt  }
0x6d: {  	_ =	shalt  }
0x6e: {  	_ =	shalt  }
0x6f: {  	_ =	shalt  }
0x70: {  	_ =	shalt  }
0x71: {  	_ =	shalt  }
0x72: {  	_ =	shalt  }
0x73: {  	_ =	shalt  }
0x74: {  	_ =	shalt  }
0x75: {  	_ =	shalt  }
0x76: {  	_ =	shalt  }
0x77: {  	_ =	shalt  }
0x78: {  	_ =	shalt  }
0x79: {  	_ =	shalt  }
0x7a: {  	_ =	shalt  }
0x7b: {  	_ =	shalt  }
0x7c: {  	_ =	shalt  }
0x7d: {  	_ =	shalt  }
0x7e: {  	_ =	shalt  }
0x7f: {  	_ =	shalt  }
0x80: {  	_ =	shalt  }
0x81: {  	_ =	shalt  }
0x82: {  	_ =	shalt  }
0x83: {  	_ =	shalt  }
0x84: {  	_ =	shalt  }
0x85: {  	_ =	shalt  }
0x86: {  	_ =	shalt  }
0x87: {  	_ =	shalt  }
.Lfunc_end0:
.L_simem_size_0:
called_computation.1_lowered:
.L_overlay_start_0:
0x88: {  	s2 =	sld [smem:$0x3FD9]  }
0x89: {  	s3 =	sld [smem:$0x3FFE];
	_ =	sdelay $0x1  }
0x8a: {  	s1 =	srdreg.scid  }
0x8b: {  	s0 =	sand.u32 $0x1, s1  }
0x8c: {  	s16 =	sshll.u32 s0, $0xA;
	s2 =	sadd.s32 s3, s2  }
0x8d: {  	s2 =	sadd.s32 s2, s16  }
0x8e: {  	[smem:$0x3FBC] =	sst s2  }
0x8f: {  	_ = 	snop  }
0x90: {  	(tm) =	ssettm $0x1  }
0x91: {  	s17 =	sld [smem:$0x3FFB];
	_ =	sdelay $0x3  }
0x92: {  	_ =	strace s17  }
0x93: {  	s2 =	sld [smem:$0x3FFC];
	_ =	sdelay $0x3  }
0x94: {  	_ =	strace s2  }
0x95: {  	s2 =	sld [smem:$0x3FFD];
	_ =	sdelay $0x3  }
0x96: {  	_ =	strace s2  }
0x97: {  	_ =	strace $0x8FFFFFFF  }
0x98: {  	s18 =	sld [smem:$0x3FDB];
	_ =	sdelay $0x1  }
0x99: {  	s19 =	simm.s32 $_scs_section_size  }
0x9a: {  	s4 =	simm.s32 $_size__tile_overlayer_lowered;
	s5 =	simm.s32 $_tile_overlayer_lowered  }
0x9b: {  	s22 =	simm.s32 $0x1BFF;
	s21 =	sshll.u32 s5, $0x1;
	s2 =	sadd.s32 s19, s18  }
0x9c: {  	s6 =	simm.s32 $0x0;
	s20 =	sshll.u32 s4, $0x1;
	s4 =	sadd.s32 s21, s2  }
0x9d: {  	[timem:s6], [sflag:s22] =	dma.local [hbm:s4], s20  }
0x9e: {  	_ =	swait.ge [sflag:s22], s20  }
0x9f: {  	s3 =	ssub.s32 $0x0, s20;
	[sflag:s22] =	ssyncset.done $0x0  }
0xa0: {  	[sflag:s22] =	ssyncadd.s32 s3;
	_ =	sdelay $0x1  }
0xa1: {  	s23 =	simm.s32 $0x1B8B  }
0xa2: {  	_ =	swait.ge [sflag:s23], $0x1  }
0xa3: {  	[sflag:s23] =	ssyncset.done $0x0  }
0xa4: {  	s25 =	simm.s32 $0x1B8E;
	s24 =	sld [smem:$0x3FFE];
	[sflag:s23] =	ssyncadd.s32 $0xFFFFFFFF  }
0xa5: {  	s26 =	simm.s32 $execute0_lowered;
	[smem:$0x3FD2] =	sst s25  }
0xa6: {  	s4 =	sshll.u32 s26, $0x1;
	_ =	strace $0x80000049;
	[dreg:$0x1] =	wrdreg $0xFFFFFFFF  }
0xa7: {  	s28 =	simm.s32 $_size_execute0_lowered;
	s2 =	sadd.s32 s2, s4;
	[dreg:$0x0] =	wrdreg $0x0  }
0xa8: {  	s4 =	sshll.u32 s28, $0x1;
	[dreg:$0x2] =	wrdreg s2  }
0xa9: {  	[dreg:$0x3] =	wrdreg s4  }
0xaa: {  	[dreg:$0x4] =	wrdreg $0xC0  }
0xab: {  	_ =	task [dreg:s6], $0x5FFFF  }
0xac: {  	[dreg:$0x1] =	wrdreg $0xFFFFFFFF  }
0xad: {  	[dreg:$0x0] =	wrdreg $0x60  }
0xae: {  	[dreg:$0x2] =	wrdreg s24  }
0xaf: {  	[dreg:$0x3] =	wrdreg $0xBC000  }
0xb0: {  	[dreg:$0x4] =	wrdreg $0x9  }
0xb1: {  	_ =	task.clear_ibuf [dreg:s6], $0x5FFFF;
	_ =	strace $0x90000049  }
0xb2: {  	s29 =	simm.s32 $0x9;
	_ =	strace $0x8000004B  }
0xb3: {  	_ =	swait.ge [sflag:s29], $0x1  }
0xb4: {  	[sflag:s29] =	ssyncadd.s32 $0xFFFFFFFF  }
0xb5: {  	_ =	strace $0x9000004B  }
0xb6: {  	_ =	sfence  }
0xb7: {  	s30 =	sld [smem:$0x0];
	_ =	sdelay $0x2  }
0xb8: {  	s31 =	sshll.u32 s1, $0xD;
	s1 =	sshrl.u32 s1, $0x2  }
0xb9: {  	s3 =	sand.u32 $0x4000, s31;
	s1 =	sadd.s32 s1, s30  }
0xba: {  	s0 =	sor.u32 s3, s0;
	s1 =	sshll.u32 s1, $0x11  }
0xbb: {  	s0 =	sor.u32 s1, s0  }
0xbc: {  	s0 =	sadd.s32 $0x8F2B, s0  }
0xbd: {  	[sflag:s0] =	ssyncadd.remote.s32 $0x1  }
0xbe: {  	_ =	sfence.sel $0xFFFF  }
0xbf: {  	[dreg:$0x0] =	wrdreg $0xFFFFFFFF;
	(pc) =	sbr.abs _section_cstart, $3  }
0xc0: {  	[dreg:$0x1] =	wrdreg $0xFFFFFFFF  }
0xc1: {  	_ =	task.clear_ibuf [dreg:s6], $0x2FFFF;
	_ =	strace $0x9FFFFFFF  }
0xc2: {  	(tm) =	ssettm $0x7FFFFFFF  }
0xc3: {  	_ =	shalt  }
tec
execute0_lowered:
.L_overlay_start_1:
0x0: {  	(tag) =	ssettag $0x1  }
0x1: {  	s0 =	srdreg.scid  }
0x2: {  	s17 =	stileid.u32;
	s1 =	rddreg [dreg:$0x0]  }
0x3: {  	s2 =	rddreg [dreg:$0x1];
	s15 =	simm.s32 $0x3C00;
	s16 =	simm.s32 $0x5  }
0x4: {  	s20 =	simm.s32 $0x80;
	s21 =	simm.s32 $0x7C00;
	s22 =	simm.s32 $0x1  }
0x5: {  	s23 =	simm.s32 $0x3;
	s24 =	simm.s32 $0x2;
	s25 =	simm.s32 $0x4  }
0x6: {  	s29 =	simm.s32 $0x0;
	s0 =	sand.u32 $0x1, s0;
	s7 =	smul.u32 $0x13C00, s17  }
0x7: {  	s3 =	sshll.u32 s17, $0x1;
	s8 =	smul.u32 $0x4F000, s17;
	s31 =	sshll.u32 s17, $0x6  }
0x8: {  	s4 =	sor.u32 s0, s3;
	s3 =	simm.s32 $0x0;
	s6 =	smul.u32 $0x13C000, s0  }
0x9: {  	s0 =	ssub.s32 $0x2, s0;
	s17 =	sor.u32 $0x1C05, s31;
	s4 =	smul.u32 $0x2800, s4  }
0xa: {  	[smem:$0x7FF] =	sst s3;
	s28 =	sshrl.u32 s0, $0x1;
	s8 =	sshrl.u32 s8, $0x2  }
0xb: {  	s6 =	sadd.s32 s7, s6;
	s0 =	ssub.s32 s0, s28;
	s5 =	sshrl.u32 s4, $0x3  }
0xc: {  	s4 =	sadd.s32 $0x21200, s1;
	s6 =	sshrl.u32 s6, $0x3;
	s12 =	sadd.s32 s5, s1  }
0xd: {  	s5 =	sadd.s32 $0x3200, s1;
	s1 =	sadd.s32 s6, s1;
	s6 =	sadd.s32 s8, s2  }
0xe: {  	_ =	strace $0x8000004A;
	s14 =	smax.u32 s0, $0x1;
	s30 =	sadd.s32 $0x4000, s6  }
0xf: {  	s8 =	sadd.s32 $0x8000, s6;
	s9 =	sadd.s32 $0xC000, s6;
	s18 =	sadd.s32 $0x10000, s6  }
0x10: {  	s10 =	sadd.s32 $0x17200, s12;
	s11 =	sadd.s32 $0xD200, s12;
	s12 =	sadd.s32 $0xD480, s12  }
0x11: {  	s13 =	sadd.s32 $0x48C00, s1;
	[dreg:$0x3] =	wrdreg s30;
	s18 =	sshrl.u32 s18, $0x3  }
.LBB2_1:
0x12: {  	[tilespmem:s15], [sflag:$0x5] =	stream.linear.gather [hbm4b:s5+s3], $0x4000, $0x38;
	[tilespmem:$0x1F800] =	vst v63  }
0x13: {  	_ =	swait.ge [sflag:s16], $0x4000  }
0x14: {  	[sflag:s16] =	ssyncset.done $0x0  }
0x15: {  	[sflag:s16] =	ssyncadd.s32 $0xFFFFC000  }
0x16: {  	[spmem:s6] =	stream.linear.scatter [tilespmem:s15], [sflag:$0x1], $0x4000, $0x38;
	[tilespmem:$0x1F800] =	vst v63  }
0x17: {  	s0 =	rddreg [dreg:$0x3]  }
0x18: {  	[spmem:s0] =	stream.linear.scatter [tilespmem:s15], [sflag:$0x1], $0x4000, $0x38;
	[tilespmem:$0x1F800] =	vst v63  }
0x19: {  	_ = 	snop  }
0x1a: {  	[spmem:s8] =	stream.linear.scatter [tilespmem:s15], [sflag:$0x1], $0x4000, $0x38;
	[tilespmem:$0x1F800] =	vst v63  }
0x1b: {  	_ = 	snop  }
0x1c: {  	[spmem:s9] =	stream.linear.scatter [tilespmem:s15], [sflag:$0x1], $0x4000, $0x38;
	[tilespmem:$0x1F800] =	vst v63  }
0x1d: {  	[spmem:s18], [sflag:s17] =	dma.local [hbm:s5], $0x780  }
0x1e: {  	_ =	swait.ge [sflag:s16], $0x780  }
0x1f: {  	[sflag:s16] =	ssyncset.done $0x0  }
0x20: {  	[sflag:s16] =	ssyncadd.s32 $0xFFFFF880  }
0x21: {  	_ =	swait.ge [sflag:s22], $0x4000  }
0x22: {  	[sflag:s22] =	ssyncset.done $0x0  }
0x23: {  	[sflag:s22] =	ssyncadd.s32 $0xFFFFC000  }
0x24: {  	_ =	swait.ge [sflag:s22], $0x4000  }
0x25: {  	[sflag:s22] =	ssyncset.done $0x0  }
0x26: {  	[sflag:s22] =	ssyncadd.s32 $0xFFFFC000  }
0x27: {  	_ =	swait.ge [sflag:s22], $0x4000  }
0x28: {  	[sflag:s22] =	ssyncset.done $0x0  }
0x29: {  	[sflag:s22] =	ssyncadd.s32 $0xFFFFC000  }
0x2a: {  	_ =	swait.ge [sflag:s22], $0x4000  }
0x2b: {  	[sflag:s22] =	ssyncset.done $0x0  }
0x2c: {  	[sflag:s22] =	ssyncadd.s32 $0xFFFFC000  }
0x2d: {  	[bflag:$0x0] =	sbarrier.arrive $0xFFFF  }
0x2e: {  	[tilespmem:s3], [sflag:$0x5] =	stream.linear.gather [hbm4b:s10+s3], $0x2800, $0x38;
	[tilespmem:$0x1F800] =	vst v63  }
0x2f: {  	_ =	swait.ge [sflag:s16], $0x2800  }
0x30: {  	[sflag:s16] =	ssyncset.done $0x0  }
0x31: {  	s26 =	simm.s32 $0x2800;
	[sflag:s16] =	ssyncadd.s32 $0xFFFFD800  }
0x32: {  	[tilespmem:s26], [sflag:$0x5] =	stream.linear.gather [hbm4b:s11+s3], $0x1400, $0x38;
	[tilespmem:$0x1F800] =	vst v63  }
0x33: {  	_ =	swait.ge [sflag:s16], $0x1400  }
0x34: {  	[sflag:s16] =	ssyncset.done $0x0  }
0x35: {  	p0 =	por $0x1, $0x1;
	[sflag:s16] =	ssyncadd.s32 $0xFFFFEC00  }
0x36: {  	[tilespmem:s15], [sflag:$0x1] =	stream.indirect.gather [hbm4b:s4+s20], $0x80, s3, s20, $0xb8;
	[tilespmem:$0x1F800] =	vst v63  }
0x37: {  	p0 =	por p0, p0  }
0x38: {  	[tilespmem:s21], [sflag:$0x2] =	stream.indirect.gather [hbm4b:s4+s20], $0x80, s20, s20, $0xb8;
	[tilespmem:$0x1F800] =	vst v63  }
0x39: {  	s1 =	simm.s32 @!p0 $0x2800;
	s19 =	simm.s32 @!p0 $0x5;
	s0 =	simm.s32 @!p0 $0x0  }
0x3a: {  	[tilespmem:s1], [sflag:$0x5] =	stream.linear.gather @!p0 [hbm4b:s12+s0], $0x1400, $0x38;
	[tilespmem:$0x1F800] =	vst v63  }
0x3b: {  	_ =	swait.ge @!p0 [sflag:s19], $0x1400  }
0x3c: {  	[sflag:s19] =	ssyncset.done @!p0 $0x0  }
0x3d: {  	s0 =	simm.s32 $0xFFFFB000;
	[sflag:s19] =	ssyncadd.s32 @!p0 $0xFFFFEC00;
	p0 =	por $0x1, $0x1  }
0x3e: {  	_ =	swait.ge [sflag:s22], $0x4000;
	s0 =	smov.u32 @p0 s3  }
0x3f: {  	[sflag:s22] =	ssyncset.done $0x0;
	s0 =	sshra.s32 s0, $0x2  }
0x40: {  	[sflag:s22] =	ssyncadd.s32 $0xFFFFC000;
	s0 =	sadd.s32 $0x2800, s0  }
0x41: {  	[spmem:s2] =	stream.indirect.scatter.add.f32 [tilespmem:s15], [sflag:$0x3], $0x80, s0, s20, $0xb8;
	[tilespmem:$0x1F800] =	vst v63  }
0x42: {  	_ =	swait.ge [sflag:s23], $0x4000  }
0x43: {  	s0 =	simm.s32 $0xFFFFFFD9;
	[sflag:s23] =	ssyncset.done $0x0  }
0x44: {  	s28 =	simm.s32 $0x100;
	s0 =	smov.u32 @p0 s22;
	[sflag:s23] =	ssyncadd.s32 $0xFFFFC000  }
0x45: {  	[tilespmem:s15], [sflag:$0x1] =	stream.indirect.gather [hbm4b:s4+s20], $0x80, s28, s20, $0xb8;
	[tilespmem:$0x1F800] =	vst v63  }
0x46: {  	s0 =	sshll.u32 s0, $0x7;
	_ =	swait.ge [sflag:s24], $0x4000  }
0x47: {  	s0 =	sand.u32 $0x3FFFFF80, s0;
	[sflag:s24] =	ssyncset.done $0x0  }
0x48: {  	s30 =	simm.s32 $0x400;
	s0 =	sadd.s32 $0x2800, s0;
	[sflag:s24] =	ssyncadd.s32 $0xFFFFC000  }
0x49: {  	[spmem:s2] =	stream.indirect.scatter.add.f32 [tilespmem:s21], [sflag:$0x4], $0x80, s0, s20, $0xb8;
	[tilespmem:$0x1F800] =	vst v63  }
0x4a: {  	p6 =	por $0x1, $0x1;
	s31 =	simm.s32 $0x3;
	_ =	swait.ge [sflag:s25], $0x4000  }
0x4b: {  	s1 =	simm.s32 $0x1;
	s19 =	simm.s32 $0x180;
	[sflag:s25] =	ssyncset.done $0x0  }
0x4c: {  	p0 =	por p6, p6;
	s0 =	simm.s32 $0x800;
	[sflag:s25] =	ssyncadd.s32 $0xFFFFC000  }
.LBB2_2:
0x4d: {  	[tilespmem:s21], [sflag:$0x2] =	stream.indirect.gather [hbm4b:s4+s20], $0x80, s19, s20, $0xb8;
	[tilespmem:$0x1F800] =	vst v63  }
0x4e: {  	s19 =	smov.u32 s0  }
0x4f: {  	s26 =	simm.s32 @!p0 $0x0;
	s28 =	simm.s32 @!p0 $0x2800;
	s7 =	simm.s32 @!p0 $0x5  }
0x50: {  	[tilespmem:s28], [sflag:$0x5] =	stream.linear.gather @!p0 [hbm4b:s12+s26], $0x1400, $0x38;
	[tilespmem:$0x1F800] =	vst v63  }
0x51: {  	s0 =	sadd.s32 $0x400, s0;
	p2 =	sne.s32 s19, $0x5000;
	_ =	swait.ge @!p0 [sflag:s7], $0x1400  }
0x52: {  	p1 =	sne.s32 s0, $0x9C00;
	s26 =	sadd.s32 $0xFFFFFFD8, s31;
	[sflag:s7] =	ssyncset.done @!p0 $0x0  }
0x53: {  	[sflag:s7] =	ssyncadd.s32 @!p0 $0xFFFFEC00;
	p0 =	slt.u32 s1, $0x14;
	s7 =	sadd.s32 $0xFFFFB000, s30  }
0x54: {  	_ =	swait.ge [sflag:s22], $0x4000;
	s7 =	smov.u32 @p0 s30;
	s26 =	smov.u32 @p0 s31  }
0x55: {  	[sflag:s22] =	ssyncset.done $0x0;
	s7 =	sshra.s32 s7, $0x2;
	s26 =	sshll.u32 s26, $0x7  }
0x56: {  	[sflag:s22] =	ssyncadd.s32 $0xFFFFC000;
	s7 =	sadd.s32 $0x2800, s7;
	s26 =	sand.u32 $0x3FFFFF80, s26  }
0x57: {  	[spmem:s2] =	stream.indirect.scatter.add.f32 [tilespmem:s15], [sflag:$0x3], $0x80, s7, s20, $0xb8;
	[tilespmem:$0x1F800] =	vst v63  }
0x58: {  	p0 =	por p2, p2;
	_ =	swait.ge [sflag:s23], $0x4000  }
0x59: {  	s7 =	sshra.s32 s30, $0x2;
	s30 =	smov.u32 s19;
	[sflag:s23] =	ssyncset.done $0x0  }
0x5a: {  	s19 =	sadd.s32 $0x100, s7;
	[sflag:s23] =	ssyncadd.s32 $0xFFFFC000  }
0x5b: {  	[tilespmem:s15], [sflag:$0x1] =	stream.indirect.gather [hbm4b:s4+s20], $0x80, s19, s20, $0xb8;
	[tilespmem:$0x1F800] =	vst v63  }
0x5c: {  	_ =	swait.ge [sflag:s24], $0x4000  }
0x5d: {  	[sflag:s24] =	ssyncset.done $0x0  }
.Ltmp0:
0x5e: {  	s19 =	sadd.s32 $0x2800, s26;
	[sflag:s24] =	ssyncadd.s32 $0xFFFFC000;
	(pc) =	sbr.rel @p1 .LBB2_2-.Ltmp0, $4  }
0x5f: {  	[spmem:s2] =	stream.indirect.scatter.add.f32 [tilespmem:s21], [sflag:$0x4], $0x80, s19, s20, $0xb8;
	[tilespmem:$0x1F800] =	vst v63  }
0x60: {  	_ =	swait.ge [sflag:s25], $0x4000  }
0x61: {  	s31 =	sadd.s32 $0x2, s31;
	[sflag:s25] =	ssyncset.done $0x0  }
0x62: {  	s1 =	sadd.s32 $0x1, s1;
	s19 =	sadd.s32 $0x180, s7;
	[sflag:s25] =	ssyncadd.s32 $0xFFFFC000  }
0x63: {  	[tilespmem:s21], [sflag:$0x2] =	stream.indirect.gather [hbm4b:s4+s20], $0x80, s19, s20, $0xb8;
	[tilespmem:$0x1F800] =	vst v63  }
0x64: {  	s0 =	simm.s32 @!p0 $0x0;
	s7 =	simm.s32 @!p0 $0x2800;
	s19 =	simm.s32 @!p0 $0x5  }
0x65: {  	[tilespmem:s7], [sflag:$0x5] =	stream.linear.gather @!p0 [hbm4b:s12+s0], $0x1400, $0x38;
	[tilespmem:$0x1F800] =	vst v63  }
0x66: {  	_ =	swait.ge @!p0 [sflag:s19], $0x1400  }
0x67: {  	[sflag:s19] =	ssyncset.done @!p0 $0x0  }
0x68: {  	s0 =	sadd.s32 $0xFFFFB000, s30;
	[sflag:s19] =	ssyncadd.s32 @!p0 $0xFFFFEC00;
	p0 =	slt.u32 s1, $0x14  }
0x69: {  	_ =	swait.ge [sflag:s22], $0x4000;
	s0 =	smov.u32 @p0 s30  }
0x6a: {  	[sflag:s22] =	ssyncset.done $0x0;
	s0 =	sshra.s32 s0, $0x2  }
0x6b: {  	[sflag:s22] =	ssyncadd.s32 $0xFFFFC000;
	s0 =	sadd.s32 $0x2800, s0  }
0x6c: {  	[spmem:s2] =	stream.indirect.scatter.add.f32 [tilespmem:s15], [sflag:$0x3], $0x80, s0, s20, $0xb8;
	[tilespmem:$0x1F800] =	vst v63  }
0x6d: {  	_ =	swait.ge [sflag:s23], $0x4000  }
0x6e: {  	s30 =	sshra.s32 s30, $0x2;
	s0 =	sadd.s32 $0xFFFFFFD8, s31;
	[sflag:s23] =	ssyncset.done $0x0  }
0x6f: {  	s19 =	sadd.s32 $0x100, s30;
	s0 =	smov.u32 @p0 s31;
	[sflag:s23] =	ssyncadd.s32 $0xFFFFC000  }
0x70: {  	[tilespmem:s15], [sflag:$0x1] =	stream.indirect.gather [hbm4b:s4+s20], $0x80, s19, s20, $0xb8;
	[tilespmem:$0x1F800] =	vst v63  }
0x71: {  	s0 =	sshll.u32 s0, $0x7;
	_ =	swait.ge [sflag:s24], $0x4000  }
0x72: {  	s0 =	sand.u32 $0x3FFFFF80, s0;
	[sflag:s24] =	ssyncset.done $0x0  }
0x73: {  	s0 =	sadd.s32 $0x2800, s0;
	[sflag:s24] =	ssyncadd.s32 $0xFFFFC000  }
0x74: {  	[spmem:s2] =	stream.indirect.scatter.add.f32 [tilespmem:s21], [sflag:$0x4], $0x80, s0, s20, $0xb8;
	[tilespmem:$0x1F800] =	vst v63  }
0x75: {  	_ =	swait.ge [sflag:s25], $0x4000  }
0x76: {  	[sflag:s25] =	ssyncset.done $0x0  }
0x77: {  	s26 =	sadd.s32 $0x180, s30;
	[sflag:s25] =	ssyncadd.s32 $0xFFFFC000  }
0x78: {  	[tilespmem:s21], [sflag:$0x2] =	stream.indirect.gather [hbm4b:s4+s20], $0x80, s26, s20, $0xb8;
	[tilespmem:$0x1F800] =	vst v63  }
0x79: {  	_ =	swait.ge [sflag:s22], $0x4000  }
0x7a: {  	[sflag:s22] =	ssyncset.done $0x0  }
0x7b: {  	s28 =	simm.s32 $0x3B00;
	[sflag:s22] =	ssyncadd.s32 $0xFFFFC000  }
0x7c: {  	[spmem:s2] =	stream.indirect.scatter.add.f32 [tilespmem:s15], [sflag:$0x3], $0x80, s28, s20, $0xb8;
	[tilespmem:$0x1F800] =	vst v63  }
0x7d: {  	_ =	swait.ge [sflag:s23], $0x4000  }
0x7e: {  	[sflag:s23] =	ssyncset.done $0x0  }
0x7f: {  	[sflag:s23] =	ssyncadd.s32 $0xFFFFC000  }
0x80: {  	_ =	swait.ge [sflag:s24], $0x4000  }
0x81: {  	[sflag:s24] =	ssyncset.done $0x0  }
0x82: {  	s30 =	simm.s32 $0x3B80;
	[sflag:s24] =	ssyncadd.s32 $0xFFFFC000  }
0x83: {  	[spmem:s2] =	stream.indirect.scatter.add.f32 [tilespmem:s21], [sflag:$0x4], $0x80, s30, s20, $0xb8;
	[tilespmem:$0x1F800] =	vst v63  }
0x84: {  	_ =	swait.ge [sflag:s25], $0x4000  }
0x85: {  	s29 =	sadd.s32 $0x1, s29;
	[sflag:s25] =	ssyncset.done $0x0  }
0x86: {  	p0 =	sne.s32 s29, s14;
	[sflag:s25] =	ssyncadd.s32 $0xFFFFC000  }
.Ltmp1:
0x87: {  	s31 =	sshrl.u32 s6, $0x3;
	[bflag:$0x0] =	sbarrier.arrive $0xFFFF;
	(pc) =	sbr.rel @p0 .LBB2_1-.Ltmp1, $4  }
0x88: {  	[hbm:s13], [sflag:s17] =	dma.local [spmem:s31], $0x2780  }
0x89: {  	_ =	swait.ge [sflag:s16], $0x2780  }
0x8a: {  	[sflag:s16] =	ssyncset.done $0x0  }
0x8b: {  	[sflag:s16] =	ssyncadd.s32 $0xFFFFD880  }
0x8c: {  	_ =	sfence.sel $0x180000  }
0x8d: {  	[bflag:$0x0] =	sbarrier.arrive $0xFFFF  }
0x8e: {  	_ =	strace $0x9000004A  }
0x8f: {  	s0 =	stileid.u32;
	[bflag:$0x2] =	sbarrier.arrive $0xFFFF  }
0x90: {  	p0 =	sne.s32 s0, $0x0;
	s0 =	rddreg [dreg:$0x2]  }
0x91: {  	s0 =	sadd.s32 @!p0 $0x100000, s0  }
0x92: {  	[sflag:s0] =	ssyncadd.tile.s32 @!p0 $0x1;
	_ =	shalt  }
.Lfunc_end2:
_tile_overlayer_lowered:
.L_overlay_start_2:
0x93: {  	(tag) =	ssettag $0x2  }
0x94: {  	s0 =	rddreg [dreg:$0x0];
	s2 =	stileid.u32  }
0x95: {  	s1 =	rddreg [dreg:$0x1];
	p0 =	sne.s32 s2, $0x0  }
0x96: {  	s3 =	rddreg [dreg:$0x2];
	[bflag:$0x3] =	sbarrier.arrive $0xFFFF;
	s2 =	simm.s32 @!p0 $0x1C05  }
0x97: {  	[timem:s3], [sflag:s2] =	dma.local @!p0 [hbm:s0], s1  }
0x98: {  	s0 =	simm.s32 @!p0 $0x5  }
0x99: {  	_ =	swait.ge @!p0 [sflag:s0], s1  }
0x9a: {  	s1 =	ssub.s32 @!p0 $0x0, s1;
	[sflag:s0] =	ssyncset.done @!p0 $0x0  }
0x9b: {  	[sflag:s0] =	ssyncadd.s32 @!p0 s1  }
0x9c: {  	[bflag:$0x3] =	sbarrier.arrive $0xFFFF  }
0x9d: {  	_ =	shalt  }

// kernel: kernel.15.cloned.1.call-start
scs
__scs_entry_jumppad:
0x0: {  	(pc) =	sbr.rel $0x88, $3  }
0x1: {  	(tag) =	ssettag $0x0;
	lr =	simm.s32 $0x1  }
0x2: {  	[smem:$0x3F95] =	sst lr;
	_ =	strace $0xD0000000  }
0x3: {  	_ = 	snop  }
0x4: {  	_ = 	snop  }
0x5: {  	_ = 	snop  }
0x6: {  	_ = 	snop  }
0x7: {  	_ = 	snop  }
__scs_overlays_trampoline_lowered:
0x8: {  	[smem:$0x3FA4] =	sst s0  }
0x9: {  	[smem:$0x3FA5] =	sst s1  }
0xa: {  	[smem:$0x3FA6] =	sst s2  }
0xb: {  	[smem:$0x3FA7] =	sst s3  }
0xc: {  	[smem:$0x3FA8] =	sst s4  }
0xd: {  	[smem:$0x3FA9] =	sst s5  }
0xe: {  	[smem:$0x3FAA] =	sst s6  }
0xf: {  	[smem:$0x3FAB] =	sst s7  }
0x10: {  	[smem:$0x3FAC] =	sst s8  }
0x11: {  	[smem:$0x3FAD] =	sst s9;
	s0 =	simm.s32 @!p0 $0x0  }
0x12: {  	s1 =	sld [smem:$0x3F93];
	s0 =	simm.s32 @p0 $0x1  }
0x13: {  	[smem:$0x3FAE] =	sst s0;
	s0 =	simm.s32 @!p1 $0x0  }
0x14: {  	s2 =	sld [smem:$0x3F92];
	s0 =	simm.s32 @p1 $0x1  }
0x15: {  	[smem:$0x3FAF] =	sst s0;
	s0 =	simm.s32 @!p2 $0x0  }
0x16: {  	s3 =	sld [smem:$0x3FDB];
	s0 =	simm.s32 @p2 $0x1  }
0x17: {  	s4 =	simm.s32 $0x1BF5;
	[smem:$0x3FB1] =	sst s0  }
0x18: {  	s0 =	sld [smem:$0x3F94];
	_ =	swait.ge [sflag:s4], $0x0  }
0x19: {  	s7 =	sld [smem:$0x3F95]  }
0x1a: {  	s8 =	sadd.s32 $0xFFFFE003, lr  }
0x1b: {  	s9 =	sadd.s32 $0xFFFFFEF7, lr;
	s5 =	simm.s32 $0xFFFFFFFF;
	p2 =	slt.u32 s8, $0xFFFFF086  }
0x1c: {  	p1 =	slt.u32 s9, $0xF7A;
	s5 =	simm.s32 @!p2 $0x0  }
0x1d: {  	s5 =	simm.s32 @p1 $0x1;
	p0 =	seq.s32 s7, s2  }
0x1e: {  	s7 =	smul.u32 @!p0 $0xF7A, s2;
	p2 =	seq.s32 @!p0 s5, $0x0  }
0x1f: {  	s9 =	smul.u32 $0xF7A, s1;
	s8 =	simm.s32 @!p0 $0x1BF5;
	p2 =	por !p2, p0  }
0x20: {  	[sflag:s8] =	ssyncset.s32 @!p0 $0xFFFFF086;
	s6 =	sadd.s32 @!p0 s3, s7;
	s7 =	simm.s32 @!p0 $0x108  }
0x21: {  	s3 =	sadd.s32 s3, s9;
	s6 =	sadd.s32 @!p0 $0x88, s6;
	s7 =	simm.s32 @p2 $0x1082  }
0x22: {  	[simem:s7], [sflag:s8] =	dma.local @!p0 [hbm:s6], $0xF7A  }
0x23: {  	s9 =	sor.u32 $0xD0000000, s2;
	s6 =	simm.s32 $0x108;
	_ =	swait.ge @!p0 [sflag:s8], $0x0  }
0x24: {  	s3 =	sadd.s32 $0x88, s3;
	s6 =	simm.s32 @!p1 $0x1082;
	[sflag:s4] =	ssyncset.s32 $0xFFFFF086  }
0x25: {  	[simem:s6], [sflag:s4] =	dma.local [hbm:s3], $0xF7A  }
0x26: {  	[smem:$0x3F95] =	sst s1;
	(tag) =	ssettag s2;
	_ =	strace s9  }
0x27: {  	s1 =	sld [smem:$0x3FA5]  }
0x28: {  	s2 =	sld [smem:$0x3FA6]  }
0x29: {  	s4 =	sld [smem:$0x3FA8]  }
0x2a: {  	p0 =	seq.s32 s5, $0x0;
	s5 =	sld [smem:$0x3FA9]  }
0x2b: {  	s6 =	sld [smem:$0x3FAA]  }
0x2c: {  	s7 =	sld [smem:$0x3FAB]  }
0x2d: {  	s3 =	simm.s32 $0x108;
	s8 =	sld [smem:$0x3FAC]  }
0x2e: {  	s3 =	simm.s32 @!p0 $0x1082;
	s9 =	sld [smem:$0x3FAD]  }
0x2f: {  	lr =	sadd.s32 s0, s3;
	s0 =	sld [smem:$0x3FA4]  }
0x30: {  	s3 =	sld [smem:$0x3FA7]  }
0x31: {  	[smem:$0x3FB0] =	sst s10  }
0x32: {  	s10 =	sld [smem:$0x3FAE];
	_ =	sdelay $0x3  }
0x33: {  	p0 =	seq.s32 s10, $0x1;
	s10 =	sld [smem:$0x3FB0];
	_ =	sdelay $0x3  }
0x34: {  	[smem:$0x3FB0] =	sst s10  }
0x35: {  	s10 =	sld [smem:$0x3FAF];
	_ =	sdelay $0x3  }
0x36: {  	p1 =	seq.s32 s10, $0x1;
	s10 =	sld [smem:$0x3FB0];
	_ =	sdelay $0x3  }
0x37: {  	[smem:$0x3FB0] =	sst s10  }
0x38: {  	s10 =	sld [smem:$0x3FB1]  }
0x39: {  	_ = 	snop;
	(pc) =	sbr.ind lr, $3  }
0x3a: {  	_ = 	snop  }
0x3b: {  	_ = 	snop  }
0x3c: {  	p2 =	seq.s32 s10, $0x1;
	s10 =	sld [smem:$0x3FB0]  }
0x3d: {  	_ =	shalt  }
0x3e: {  	_ =	shalt  }
0x3f: {  	_ =	shalt  }
0x40: {  	_ =	shalt  }
0x41: {  	_ =	shalt  }
0x42: {  	_ =	shalt  }
0x43: {  	_ =	shalt  }
0x44: {  	_ =	shalt  }
0x45: {  	_ =	shalt  }
0x46: {  	_ =	shalt  }
0x47: {  	_ =	shalt  }
0x48: {  	_ =	shalt  }
0x49: {  	_ =	shalt  }
0x4a: {  	_ =	shalt  }
0x4b: {  	_ =	shalt  }
0x4c: {  	_ =	shalt  }
0x4d: {  	_ =	shalt  }
0x4e: {  	_ =	shalt  }
0x4f: {  	_ =	shalt  }
0x50: {  	_ =	shalt  }
0x51: {  	_ =	shalt  }
0x52: {  	_ =	shalt  }
0x53: {  	_ =	shalt  }
0x54: {  	_ =	shalt  }
0x55: {  	_ =	shalt  }
0x56: {  	_ =	shalt  }
0x57: {  	_ =	shalt  }
0x58: {  	_ =	shalt  }
0x59: {  	_ =	shalt  }
0x5a: {  	_ =	shalt  }
0x5b: {  	_ =	shalt  }
0x5c: {  	_ =	shalt  }
0x5d: {  	_ =	shalt  }
0x5e: {  	_ =	shalt  }
0x5f: {  	_ =	shalt  }
0x60: {  	_ =	shalt  }
0x61: {  	_ =	shalt  }
0x62: {  	_ =	shalt  }
0x63: {  	_ =	shalt  }
0x64: {  	_ =	shalt  }
0x65: {  	_ =	shalt  }
0x66: {  	_ =	shalt  }
0x67: {  	_ =	shalt  }
0x68: {  	_ =	shalt  }
0x69: {  	_ =	shalt  }
0x6a: {  	_ =	shalt  }
0x6b: {  	_ =	shalt  }
0x6c: {  	_ =	shalt  }
0x6d: {  	_ =	shalt  }
0x6e: {  	_ =	shalt  }
0x6f: {  	_ =	shalt  }
0x70: {  	_ =	shalt  }
0x71: {  	_ =	shalt  }
0x72: {  	_ =	shalt  }
0x73: {  	_ =	shalt  }
0x74: {  	_ =	shalt  }
0x75: {  	_ =	shalt  }
0x76: {  	_ =	shalt  }
0x77: {  	_ =	shalt  }
0x78: {  	_ =	shalt  }
0x79: {  	_ =	shalt  }
0x7a: {  	_ =	shalt  }
0x7b: {  	_ =	shalt  }
0x7c: {  	_ =	shalt  }
0x7d: {  	_ =	shalt  }
0x7e: {  	_ =	shalt  }
0x7f: {  	_ =	shalt  }
0x80: {  	_ =	shalt  }
0x81: {  	_ =	shalt  }
0x82: {  	_ =	shalt  }
0x83: {  	_ =	shalt  }
0x84: {  	_ =	shalt  }
0x85: {  	_ =	shalt  }
0x86: {  	_ =	shalt  }
0x87: {  	_ =	shalt  }
.Lfunc_end0:
.L_simem_size_0:
called_computation.2_lowered:
.L_overlay_start_0:
0x88: {  	s2 =	sld [smem:$0x3FD9]  }
0x89: {  	s3 =	sld [smem:$0x3FFE];
	_ =	sdelay $0x1  }
0x8a: {  	s1 =	srdreg.scid  }
0x8b: {  	s0 =	sand.u32 $0x1, s1  }
0x8c: {  	s16 =	sshll.u32 s0, $0xA;
	s2 =	sadd.s32 s3, s2  }
0x8d: {  	s2 =	sadd.s32 s2, s16  }
0x8e: {  	[smem:$0x3FBC] =	sst s2  }
0x8f: {  	_ = 	snop  }
0x90: {  	(tm) =	ssettm $0x1  }
0x91: {  	s17 =	sld [smem:$0x3FFB];
	_ =	sdelay $0x3  }
0x92: {  	_ =	strace s17  }
0x93: {  	s2 =	sld [smem:$0x3FFC];
	_ =	sdelay $0x3  }
0x94: {  	_ =	strace s2  }
0x95: {  	s2 =	sld [smem:$0x3FFD];
	_ =	sdelay $0x3  }
0x96: {  	_ =	strace s2  }
0x97: {  	_ =	strace $0x8FFFFFFF  }
0x98: {  	s18 =	sld [smem:$0x3FDB];
	_ =	sdelay $0x1  }
0x99: {  	s19 =	simm.s32 $_scs_section_size  }
0x9a: {  	s4 =	simm.s32 $_size__tile_overlayer_lowered;
	s5 =	simm.s32 $_tile_overlayer_lowered  }
0x9b: {  	s22 =	simm.s32 $0x1BFF;
	s21 =	sshll.u32 s5, $0x1;
	s2 =	sadd.s32 s19, s18  }
0x9c: {  	s6 =	simm.s32 $0x0;
	s20 =	sshll.u32 s4, $0x1;
	s4 =	sadd.s32 s21, s2  }
0x9d: {  	[timem:s6], [sflag:s22] =	dma.local [hbm:s4], s20  }
0x9e: {  	_ =	swait.ge [sflag:s22], s20  }
0x9f: {  	s3 =	ssub.s32 $0x0, s20;
	[sflag:s22] =	ssyncset.done $0x0  }
0xa0: {  	[sflag:s22] =	ssyncadd.s32 s3;
	_ =	sdelay $0x1  }
0xa1: {  	s23 =	simm.s32 $0x1B8B  }
0xa2: {  	_ =	swait.ge [sflag:s23], $0x1  }
0xa3: {  	[sflag:s23] =	ssyncset.done $0x0  }
0xa4: {  	s25 =	simm.s32 $0x1B8E;
	s24 =	sld [smem:$0x3FFE];
	[sflag:s23] =	ssyncadd.s32 $0xFFFFFFFF  }
0xa5: {  	s26 =	simm.s32 $execute0_lowered;
	[smem:$0x3FD2] =	sst s25  }
0xa6: {  	s4 =	sshll.u32 s26, $0x1;
	_ =	strace $0x8000004C;
	[dreg:$0x1] =	wrdreg $0xFFFFFFFF  }
0xa7: {  	s28 =	simm.s32 $_size_execute0_lowered;
	s2 =	sadd.s32 s2, s4;
	[dreg:$0x0] =	wrdreg $0x0  }
0xa8: {  	s4 =	sshll.u32 s28, $0x1;
	[dreg:$0x2] =	wrdreg s2  }
0xa9: {  	[dreg:$0x3] =	wrdreg s4  }
0xaa: {  	[dreg:$0x4] =	wrdreg $0xC0  }
0xab: {  	_ =	task [dreg:s6], $0x5FFFF  }
0xac: {  	[dreg:$0x1] =	wrdreg $0xFFFFFFFF  }
0xad: {  	[dreg:$0x0] =	wrdreg $0x60  }
0xae: {  	[dreg:$0x2] =	wrdreg s24  }
0xaf: {  	[dreg:$0x3] =	wrdreg $0xBC000  }
0xb0: {  	[dreg:$0x4] =	wrdreg $0x9  }
0xb1: {  	_ =	task.clear_ibuf [dreg:s6], $0x5FFFF;
	_ =	strace $0x9000004C  }
0xb2: {  	s29 =	simm.s32 $0x9;
	_ =	strace $0x8000004E  }
0xb3: {  	_ =	swait.ge [sflag:s29], $0x1  }
0xb4: {  	[sflag:s29] =	ssyncadd.s32 $0xFFFFFFFF  }
0xb5: {  	_ =	strace $0x9000004E  }
0xb6: {  	_ =	sfence  }
0xb7: {  	s30 =	sld [smem:$0x0];
	_ =	sdelay $0x2  }
0xb8: {  	s31 =	sshll.u32 s1, $0xD;
	s1 =	sshrl.u32 s1, $0x2  }
0xb9: {  	s3 =	sand.u32 $0x4000, s31;
	s1 =	sadd.s32 s1, s30  }
0xba: {  	s0 =	sor.u32 s3, s0;
	s1 =	sshll.u32 s1, $0x11  }
0xbb: {  	s0 =	sor.u32 s1, s0  }
0xbc: {  	s0 =	sadd.s32 $0x8F2B, s0  }
0xbd: {  	[sflag:s0] =	ssyncadd.remote.s32 $0x1  }
0xbe: {  	_ =	sfence.sel $0xFFFF  }
0xbf: {  	[dreg:$0x0] =	wrdreg $0xFFFFFFFF;
	(pc) =	sbr.abs _section_cstart, $3  }
0xc0: {  	[dreg:$0x1] =	wrdreg $0xFFFFFFFF  }
0xc1: {  	_ =	task.clear_ibuf [dreg:s6], $0x2FFFF;
	_ =	strace $0x9FFFFFFF  }
0xc2: {  	(tm) =	ssettm $0x7FFFFFFF  }
0xc3: {  	_ =	shalt  }
tec
execute0_lowered:
.L_overlay_start_1:
0x0: {  	(tag) =	ssettag $0x1  }
0x1: {  	s0 =	srdreg.scid  }
0x2: {  	s17 =	stileid.u32;
	s1 =	rddreg [dreg:$0x0]  }
0x3: {  	s2 =	rddreg [dreg:$0x1];
	s15 =	simm.s32 $0x3C00;
	s16 =	simm.s32 $0x5  }
0x4: {  	s20 =	simm.s32 $0x80;
	s21 =	simm.s32 $0x7C00;
	s22 =	simm.s32 $0x1  }
0x5: {  	s23 =	simm.s32 $0x3;
	s24 =	simm.s32 $0x2;
	s25 =	simm.s32 $0x4  }
0x6: {  	s29 =	simm.s32 $0x0;
	s0 =	sand.u32 $0x1, s0;
	s7 =	smul.u32 $0x13C00, s17  }
0x7: {  	s3 =	sshll.u32 s17, $0x1;
	s8 =	smul.u32 $0x4F000, s17;
	s31 =	sshll.u32 s17, $0x6  }
0x8: {  	s4 =	sor.u32 s0, s3;
	s3 =	simm.s32 $0x0;
	s6 =	smul.u32 $0x13C000, s0  }
0x9: {  	s0 =	ssub.s32 $0x2, s0;
	s17 =	sor.u32 $0x1C05, s31;
	s4 =	smul.u32 $0x2800, s4  }
0xa: {  	[smem:$0x7FF] =	sst s3;
	s28 =	sshrl.u32 s0, $0x1;
	s8 =	sshrl.u32 s8, $0x2  }
0xb: {  	s6 =	sadd.s32 s7, s6;
	s0 =	ssub.s32 s0, s28;
	s5 =	sshrl.u32 s4, $0x3  }
0xc: {  	s4 =	sadd.s32 $0x21200, s1;
	s6 =	sshrl.u32 s6, $0x3;
	s12 =	sadd.s32 s5, s1  }
0xd: {  	s5 =	sadd.s32 $0x3200, s1;
	s1 =	sadd.s32 s6, s1;
	s6 =	sadd.s32 s8, s2  }
0xe: {  	_ =	strace $0x8000004D;
	s14 =	smax.u32 s0, $0x1;
	s30 =	sadd.s32 $0x4000, s6  }
0xf: {  	s8 =	sadd.s32 $0x8000, s6;
	s9 =	sadd.s32 $0xC000, s6;
	s18 =	sadd.s32 $0x10000, s6  }
0x10: {  	s10 =	sadd.s32 $0x17200, s12;
	s11 =	sadd.s32 $0xD200, s12;
	s12 =	sadd.s32 $0xD480, s12  }
0x11: {  	s13 =	sadd.s32 $0x48C00, s1;
	[dreg:$0x3] =	wrdreg s30;
	s18 =	sshrl.u32 s18, $0x3  }
.LBB2_1:
0x12: {  	[tilespmem:s15], [sflag:$0x5] =	stream.linear.gather [hbm4b:s5+s3], $0x4000, $0x38;
	[tilespmem:$0x1F800] =	vst v63  }
0x13: {  	_ =	swait.ge [sflag:s16], $0x4000  }
0x14: {  	[sflag:s16] =	ssyncset.done $0x0  }
0x15: {  	[sflag:s16] =	ssyncadd.s32 $0xFFFFC000  }
0x16: {  	[spmem:s6] =	stream.linear.scatter [tilespmem:s15], [sflag:$0x1], $0x4000, $0x38;
	[tilespmem:$0x1F800] =	vst v63  }
0x17: {  	s0 =	rddreg [dreg:$0x3]  }
0x18: {  	[spmem:s0] =	stream.linear.scatter [tilespmem:s15], [sflag:$0x1], $0x4000, $0x38;
	[tilespmem:$0x1F800] =	vst v63  }
0x19: {  	_ = 	snop  }
0x1a: {  	[spmem:s8] =	stream.linear.scatter [tilespmem:s15], [sflag:$0x1], $0x4000, $0x38;
	[tilespmem:$0x1F800] =	vst v63  }
0x1b: {  	_ = 	snop  }
0x1c: {  	[spmem:s9] =	stream.linear.scatter [tilespmem:s15], [sflag:$0x1], $0x4000, $0x38;
	[tilespmem:$0x1F800] =	vst v63  }
0x1d: {  	[spmem:s18], [sflag:s17] =	dma.local [hbm:s5], $0x780  }
0x1e: {  	_ =	swait.ge [sflag:s16], $0x780  }
0x1f: {  	[sflag:s16] =	ssyncset.done $0x0  }
0x20: {  	[sflag:s16] =	ssyncadd.s32 $0xFFFFF880  }
0x21: {  	_ =	swait.ge [sflag:s22], $0x4000  }
0x22: {  	[sflag:s22] =	ssyncset.done $0x0  }
0x23: {  	[sflag:s22] =	ssyncadd.s32 $0xFFFFC000  }
0x24: {  	_ =	swait.ge [sflag:s22], $0x4000  }
0x25: {  	[sflag:s22] =	ssyncset.done $0x0  }
0x26: {  	[sflag:s22] =	ssyncadd.s32 $0xFFFFC000  }
0x27: {  	_ =	swait.ge [sflag:s22], $0x4000  }
0x28: {  	[sflag:s22] =	ssyncset.done $0x0  }
0x29: {  	[sflag:s22] =	ssyncadd.s32 $0xFFFFC000  }
0x2a: {  	_ =	swait.ge [sflag:s22], $0x4000  }
0x2b: {  	[sflag:s22] =	ssyncset.done $0x0  }
0x2c: {  	[sflag:s22] =	ssyncadd.s32 $0xFFFFC000  }
0x2d: {  	[bflag:$0x0] =	sbarrier.arrive $0xFFFF  }
0x2e: {  	[tilespmem:s3], [sflag:$0x5] =	stream.linear.gather [hbm4b:s10+s3], $0x2800, $0x38;
	[tilespmem:$0x1F800] =	vst v63  }
0x2f: {  	_ =	swait.ge [sflag:s16], $0x2800  }
0x30: {  	[sflag:s16] =	ssyncset.done $0x0  }
0x31: {  	s26 =	simm.s32 $0x2800;
	[sflag:s16] =	ssyncadd.s32 $0xFFFFD800  }
0x32: {  	[tilespmem:s26], [sflag:$0x5] =	stream.linear.gather [hbm4b:s11+s3], $0x1400, $0x38;
	[tilespmem:$0x1F800] =	vst v63  }
0x33: {  	_ =	swait.ge [sflag:s16], $0x1400  }
0x34: {  	[sflag:s16] =	ssyncset.done $0x0  }
0x35: {  	p0 =	por $0x1, $0x1;
	[sflag:s16] =	ssyncadd.s32 $0xFFFFEC00  }
0x36: {  	[tilespmem:s15], [sflag:$0x1] =	stream.indirect.gather [hbm4b:s4+s20], $0x80, s3, s20, $0xb8;
	[tilespmem:$0x1F800] =	vst v63  }
0x37: {  	p0 =	por p0, p0  }
0x38: {  	[tilespmem:s21], [sflag:$0x2] =	stream.indirect.gather [hbm4b:s4+s20], $0x80, s20, s20, $0xb8;
	[tilespmem:$0x1F800] =	vst v63  }
0x39: {  	s1 =	simm.s32 @!p0 $0x2800;
	s19 =	simm.s32 @!p0 $0x5;
	s0 =	simm.s32 @!p0 $0x0  }
0x3a: {  	[tilespmem:s1], [sflag:$0x5] =	stream.linear.gather @!p0 [hbm4b:s12+s0], $0x1400, $0x38;
	[tilespmem:$0x1F800] =	vst v63  }
0x3b: {  	_ =	swait.ge @!p0 [sflag:s19], $0x1400  }
0x3c: {  	[sflag:s19] =	ssyncset.done @!p0 $0x0  }
0x3d: {  	s0 =	simm.s32 $0xFFFFB000;
	[sflag:s19] =	ssyncadd.s32 @!p0 $0xFFFFEC00;
	p0 =	por $0x1, $0x1  }
0x3e: {  	_ =	swait.ge [sflag:s22], $0x4000;
	s0 =	smov.u32 @p0 s3  }
0x3f: {  	[sflag:s22] =	ssyncset.done $0x0;
	s0 =	sshra.s32 s0, $0x2  }
0x40: {  	[sflag:s22] =	ssyncadd.s32 $0xFFFFC000;
	s0 =	sadd.s32 $0x2800, s0  }
0x41: {  	[spmem:s2] =	stream.indirect.scatter.add.f32 [tilespmem:s15], [sflag:$0x3], $0x80, s0, s20, $0xb8;
	[tilespmem:$0x1F800] =	vst v63  }
0x42: {  	_ =	swait.ge [sflag:s23], $0x4000  }
0x43: {  	s0 =	simm.s32 $0xFFFFFFD9;
	[sflag:s23] =	ssyncset.done $0x0  }
0x44: {  	s28 =	simm.s32 $0x100;
	s0 =	smov.u32 @p0 s22;
	[sflag:s23] =	ssyncadd.s32 $0xFFFFC000  }
0x45: {  	[tilespmem:s15], [sflag:$0x1] =	stream.indirect.gather [hbm4b:s4+s20], $0x80, s28, s20, $0xb8;
	[tilespmem:$0x1F800] =	vst v63  }
0x46: {  	s0 =	sshll.u32 s0, $0x7;
	_ =	swait.ge [sflag:s24], $0x4000  }
0x47: {  	s0 =	sand.u32 $0x3FFFFF80, s0;
	[sflag:s24] =	ssyncset.done $0x0  }
0x48: {  	s30 =	simm.s32 $0x400;
	s0 =	sadd.s32 $0x2800, s0;
	[sflag:s24] =	ssyncadd.s32 $0xFFFFC000  }
0x49: {  	[spmem:s2] =	stream.indirect.scatter.add.f32 [tilespmem:s21], [sflag:$0x4], $0x80, s0, s20, $0xb8;
	[tilespmem:$0x1F800] =	vst v63  }
0x4a: {  	p6 =	por $0x1, $0x1;
	s31 =	simm.s32 $0x3;
	_ =	swait.ge [sflag:s25], $0x4000  }
0x4b: {  	s1 =	simm.s32 $0x1;
	s19 =	simm.s32 $0x180;
	[sflag:s25] =	ssyncset.done $0x0  }
0x4c: {  	p0 =	por p6, p6;
	s0 =	simm.s32 $0x800;
	[sflag:s25] =	ssyncadd.s32 $0xFFFFC000  }
.LBB2_2:
0x4d: {  	[tilespmem:s21], [sflag:$0x2] =	stream.indirect.gather [hbm4b:s4+s20], $0x80, s19, s20, $0xb8;
	[tilespmem:$0x1F800] =	vst v63  }
0x4e: {  	s19 =	smov.u32 s0  }
0x4f: {  	s26 =	simm.s32 @!p0 $0x0;
	s28 =	simm.s32 @!p0 $0x2800;
	s7 =	simm.s32 @!p0 $0x5  }
0x50: {  	[tilespmem:s28], [sflag:$0x5] =	stream.linear.gather @!p0 [hbm4b:s12+s26], $0x1400, $0x38;
	[tilespmem:$0x1F800] =	vst v63  }
0x51: {  	s0 =	sadd.s32 $0x400, s0;
	p2 =	sne.s32 s19, $0x5000;
	_ =	swait.ge @!p0 [sflag:s7], $0x1400  }
0x52: {  	p1 =	sne.s32 s0, $0x9C00;
	s26 =	sadd.s32 $0xFFFFFFD8, s31;
	[sflag:s7] =	ssyncset.done @!p0 $0x0  }
0x53: {  	[sflag:s7] =	ssyncadd.s32 @!p0 $0xFFFFEC00;
	p0 =	slt.u32 s1, $0x14;
	s7 =	sadd.s32 $0xFFFFB000, s30  }
0x54: {  	_ =	swait.ge [sflag:s22], $0x4000;
	s7 =	smov.u32 @p0 s30;
	s26 =	smov.u32 @p0 s31  }
0x55: {  	[sflag:s22] =	ssyncset.done $0x0;
	s7 =	sshra.s32 s7, $0x2;
	s26 =	sshll.u32 s26, $0x7  }
0x56: {  	[sflag:s22] =	ssyncadd.s32 $0xFFFFC000;
	s7 =	sadd.s32 $0x2800, s7;
	s26 =	sand.u32 $0x3FFFFF80, s26  }
0x57: {  	[spmem:s2] =	stream.indirect.scatter.add.f32 [tilespmem:s15], [sflag:$0x3], $0x80, s7, s20, $0xb8;
	[tilespmem:$0x1F800] =	vst v63  }
0x58: {  	p0 =	por p2, p2;
	_ =	swait.ge [sflag:s23], $0x4000  }
0x59: {  	s7 =	sshra.s32 s30, $0x2;
	s30 =	smov.u32 s19;
	[sflag:s23] =	ssyncset.done $0x0  }
0x5a: {  	s19 =	sadd.s32 $0x100, s7;
	[sflag:s23] =	ssyncadd.s32 $0xFFFFC000  }
0x5b: {  	[tilespmem:s15], [sflag:$0x1] =	stream.indirect.gather [hbm4b:s4+s20], $0x80, s19, s20, $0xb8;
	[tilespmem:$0x1F800] =	vst v63  }
0x5c: {  	_ =	swait.ge [sflag:s24], $0x4000  }
0x5d: {  	[sflag:s24] =	ssyncset.done $0x0  }
.Ltmp0:
0x5e: {  	s19 =	sadd.s32 $0x2800, s26;
	[sflag:s24] =	ssyncadd.s32 $0xFFFFC000;
	(pc) =	sbr.rel @p1 .LBB2_2-.Ltmp0, $4  }
0x5f: {  	[spmem:s2] =	stream.indirect.scatter.add.f32 [tilespmem:s21], [sflag:$0x4], $0x80, s19, s20, $0xb8;
	[tilespmem:$0x1F800] =	vst v63  }
0x60: {  	_ =	swait.ge [sflag:s25], $0x4000  }
0x61: {  	s31 =	sadd.s32 $0x2, s31;
	[sflag:s25] =	ssyncset.done $0x0  }
0x62: {  	s1 =	sadd.s32 $0x1, s1;
	s19 =	sadd.s32 $0x180, s7;
	[sflag:s25] =	ssyncadd.s32 $0xFFFFC000  }
0x63: {  	[tilespmem:s21], [sflag:$0x2] =	stream.indirect.gather [hbm4b:s4+s20], $0x80, s19, s20, $0xb8;
	[tilespmem:$0x1F800] =	vst v63  }
0x64: {  	s0 =	simm.s32 @!p0 $0x0;
	s7 =	simm.s32 @!p0 $0x2800;
	s19 =	simm.s32 @!p0 $0x5  }
0x65: {  	[tilespmem:s7], [sflag:$0x5] =	stream.linear.gather @!p0 [hbm4b:s12+s0], $0x1400, $0x38;
	[tilespmem:$0x1F800] =	vst v63  }
0x66: {  	_ =	swait.ge @!p0 [sflag:s19], $0x1400  }
0x67: {  	[sflag:s19] =	ssyncset.done @!p0 $0x0  }
0x68: {  	s0 =	sadd.s32 $0xFFFFB000, s30;
	[sflag:s19] =	ssyncadd.s32 @!p0 $0xFFFFEC00;
	p0 =	slt.u32 s1, $0x14  }
0x69: {  	_ =	swait.ge [sflag:s22], $0x4000;
	s0 =	smov.u32 @p0 s30  }
0x6a: {  	[sflag:s22] =	ssyncset.done $0x0;
	s0 =	sshra.s32 s0, $0x2  }
0x6b: {  	[sflag:s22] =	ssyncadd.s32 $0xFFFFC000;
	s0 =	sadd.s32 $0x2800, s0  }
0x6c: {  	[spmem:s2] =	stream.indirect.scatter.add.f32 [tilespmem:s15], [sflag:$0x3], $0x80, s0, s20, $0xb8;
	[tilespmem:$0x1F800] =	vst v63  }
0x6d: {  	_ =	swait.ge [sflag:s23], $0x4000  }
0x6e: {  	s30 =	sshra.s32 s30, $0x2;
	s0 =	sadd.s32 $0xFFFFFFD8, s31;
	[sflag:s23] =	ssyncset.done $0x0  }
0x6f: {  	s19 =	sadd.s32 $0x100, s30;
	s0 =	smov.u32 @p0 s31;
	[sflag:s23] =	ssyncadd.s32 $0xFFFFC000  }
0x70: {  	[tilespmem:s15], [sflag:$0x1] =	stream.indirect.gather [hbm4b:s4+s20], $0x80, s19, s20, $0xb8;
	[tilespmem:$0x1F800] =	vst v63  }
0x71: {  	s0 =	sshll.u32 s0, $0x7;
	_ =	swait.ge [sflag:s24], $0x4000  }
0x72: {  	s0 =	sand.u32 $0x3FFFFF80, s0;
	[sflag:s24] =	ssyncset.done $0x0  }
0x73: {  	s0 =	sadd.s32 $0x2800, s0;
	[sflag:s24] =	ssyncadd.s32 $0xFFFFC000  }
0x74: {  	[spmem:s2] =	stream.indirect.scatter.add.f32 [tilespmem:s21], [sflag:$0x4], $0x80, s0, s20, $0xb8;
	[tilespmem:$0x1F800] =	vst v63  }
0x75: {  	_ =	swait.ge [sflag:s25], $0x4000  }
0x76: {  	[sflag:s25] =	ssyncset.done $0x0  }
0x77: {  	s26 =	sadd.s32 $0x180, s30;
	[sflag:s25] =	ssyncadd.s32 $0xFFFFC000  }
0x78: {  	[tilespmem:s21], [sflag:$0x2] =	stream.indirect.gather [hbm4b:s4+s20], $0x80, s26, s20, $0xb8;
	[tilespmem:$0x1F800] =	vst v63  }
0x79: {  	_ =	swait.ge [sflag:s22], $0x4000  }
0x7a: {  	[sflag:s22] =	ssyncset.done $0x0  }
0x7b: {  	s28 =	simm.s32 $0x3B00;
	[sflag:s22] =	ssyncadd.s32 $0xFFFFC000  }
0x7c: {  	[spmem:s2] =	stream.indirect.scatter.add.f32 [tilespmem:s15], [sflag:$0x3], $0x80, s28, s20, $0xb8;
	[tilespmem:$0x1F800] =	vst v63  }
0x7d: {  	_ =	swait.ge [sflag:s23], $0x4000  }
0x7e: {  	[sflag:s23] =	ssyncset.done $0x0  }
0x7f: {  	[sflag:s23] =	ssyncadd.s32 $0xFFFFC000  }
0x80: {  	_ =	swait.ge [sflag:s24], $0x4000  }
0x81: {  	[sflag:s24] =	ssyncset.done $0x0  }
0x82: {  	s30 =	simm.s32 $0x3B80;
	[sflag:s24] =	ssyncadd.s32 $0xFFFFC000  }
0x83: {  	[spmem:s2] =	stream.indirect.scatter.add.f32 [tilespmem:s21], [sflag:$0x4], $0x80, s30, s20, $0xb8;
	[tilespmem:$0x1F800] =	vst v63  }
0x84: {  	_ =	swait.ge [sflag:s25], $0x4000  }
0x85: {  	s29 =	sadd.s32 $0x1, s29;
	[sflag:s25] =	ssyncset.done $0x0  }
0x86: {  	p0 =	sne.s32 s29, s14;
	[sflag:s25] =	ssyncadd.s32 $0xFFFFC000  }
.Ltmp1:
0x87: {  	s31 =	sshrl.u32 s6, $0x3;
	[bflag:$0x0] =	sbarrier.arrive $0xFFFF;
	(pc) =	sbr.rel @p0 .LBB2_1-.Ltmp1, $4  }
0x88: {  	[hbm:s13], [sflag:s17] =	dma.local [spmem:s31], $0x2780  }
0x89: {  	_ =	swait.ge [sflag:s16], $0x2780  }
0x8a: {  	[sflag:s16] =	ssyncset.done $0x0  }
0x8b: {  	[sflag:s16] =	ssyncadd.s32 $0xFFFFD880  }
0x8c: {  	_ =	sfence.sel $0x180000  }
0x8d: {  	[bflag:$0x0] =	sbarrier.arrive $0xFFFF  }
0x8e: {  	_ =	strace $0x9000004D  }
0x8f: {  	s0 =	stileid.u32;
	[bflag:$0x2] =	sbarrier.arrive $0xFFFF  }
0x90: {  	p0 =	sne.s32 s0, $0x0;
	s0 =	rddreg [dreg:$0x2]  }
0x91: {  	s0 =	sadd.s32 @!p0 $0x100000, s0  }
0x92: {  	[sflag:s0] =	ssyncadd.tile.s32 @!p0 $0x1;
	_ =	shalt  }
.Lfunc_end2:
_tile_overlayer_lowered:
.L_overlay_start_2:
0x93: {  	(tag) =	ssettag $0x2  }
0x94: {  	s0 =	rddreg [dreg:$0x0];
	s2 =	stileid.u32  }
0x95: {  	s1 =	rddreg [dreg:$0x1];
	p0 =	sne.s32 s2, $0x0  }
0x96: {  	s3 =	rddreg [dreg:$0x2];
	[bflag:$0x3] =	sbarrier.arrive $0xFFFF;
	s2 =	simm.s32 @!p0 $0x1C05  }
0x97: {  	[timem:s3], [sflag:s2] =	dma.local @!p0 [hbm:s0], s1  }
0x98: {  	s0 =	simm.s32 @!p0 $0x5  }
0x99: {  	_ =	swait.ge @!p0 [sflag:s0], s1  }
0x9a: {  	s1 =	ssub.s32 @!p0 $0x0, s1;
	[sflag:s0] =	ssyncset.done @!p0 $0x0  }
0x9b: {  	[sflag:s0] =	ssyncadd.s32 @!p0 s1  }
0x9c: {  	[bflag:$0x3] =	sbarrier.arrive $0xFFFF  }
0x9d: {  	_ =	shalt  }

// kernel: kernel.9.cloned.1.call-start
scs
__scs_entry_jumppad:
0x0: {  	(pc) =	sbr.rel $0x88, $3  }
0x1: {  	(tag) =	ssettag $0x0;
	lr =	simm.s32 $0x1  }
0x2: {  	[smem:$0x3F95] =	sst lr;
	_ =	strace $0xD0000000  }
0x3: {  	_ = 	snop  }
0x4: {  	_ = 	snop  }
0x5: {  	_ = 	snop  }
0x6: {  	_ = 	snop  }
0x7: {  	_ = 	snop  }
__scs_overlays_trampoline_lowered:
0x8: {  	[smem:$0x3FA4] =	sst s0  }
0x9: {  	[smem:$0x3FA5] =	sst s1  }
0xa: {  	[smem:$0x3FA6] =	sst s2  }
0xb: {  	[smem:$0x3FA7] =	sst s3  }
0xc: {  	[smem:$0x3FA8] =	sst s4  }
0xd: {  	[smem:$0x3FA9] =	sst s5  }
0xe: {  	[smem:$0x3FAA] =	sst s6  }
0xf: {  	[smem:$0x3FAB] =	sst s7  }
0x10: {  	[smem:$0x3FAC] =	sst s8  }
0x11: {  	[smem:$0x3FAD] =	sst s9;
	s0 =	simm.s32 @!p0 $0x0  }
0x12: {  	s1 =	sld [smem:$0x3F93];
	s0 =	simm.s32 @p0 $0x1  }
0x13: {  	[smem:$0x3FAE] =	sst s0;
	s0 =	simm.s32 @!p1 $0x0  }
0x14: {  	s2 =	sld [smem:$0x3F92];
	s0 =	simm.s32 @p1 $0x1  }
0x15: {  	[smem:$0x3FAF] =	sst s0;
	s0 =	simm.s32 @!p2 $0x0  }
0x16: {  	s3 =	sld [smem:$0x3FDB];
	s0 =	simm.s32 @p2 $0x1  }
0x17: {  	s4 =	simm.s32 $0x1BF5;
	[smem:$0x3FB1] =	sst s0  }
0x18: {  	s0 =	sld [smem:$0x3F94];
	_ =	swait.ge [sflag:s4], $0x0  }
0x19: {  	s7 =	sld [smem:$0x3F95]  }
0x1a: {  	s8 =	sadd.s32 $0xFFFFE003, lr  }
0x1b: {  	s9 =	sadd.s32 $0xFFFFFEF7, lr;
	s5 =	simm.s32 $0xFFFFFFFF;
	p2 =	slt.u32 s8, $0xFFFFF086  }
0x1c: {  	p1 =	slt.u32 s9, $0xF7A;
	s5 =	simm.s32 @!p2 $0x0  }
0x1d: {  	s5 =	simm.s32 @p1 $0x1;
	p0 =	seq.s32 s7, s2  }
0x1e: {  	s7 =	smul.u32 @!p0 $0xF7A, s2;
	p2 =	seq.s32 @!p0 s5, $0x0  }
0x1f: {  	s9 =	smul.u32 $0xF7A, s1;
	s8 =	simm.s32 @!p0 $0x1BF5;
	p2 =	por !p2, p0  }
0x20: {  	[sflag:s8] =	ssyncset.s32 @!p0 $0xFFFFF086;
	s6 =	sadd.s32 @!p0 s3, s7;
	s7 =	simm.s32 @!p0 $0x108  }
0x21: {  	s3 =	sadd.s32 s3, s9;
	s6 =	sadd.s32 @!p0 $0x88, s6;
	s7 =	simm.s32 @p2 $0x1082  }
0x22: {  	[simem:s7], [sflag:s8] =	dma.local @!p0 [hbm:s6], $0xF7A  }
0x23: {  	s9 =	sor.u32 $0xD0000000, s2;
	s6 =	simm.s32 $0x108;
	_ =	swait.ge @!p0 [sflag:s8], $0x0  }
0x24: {  	s3 =	sadd.s32 $0x88, s3;
	s6 =	simm.s32 @!p1 $0x1082;
	[sflag:s4] =	ssyncset.s32 $0xFFFFF086  }
0x25: {  	[simem:s6], [sflag:s4] =	dma.local [hbm:s3], $0xF7A  }
0x26: {  	[smem:$0x3F95] =	sst s1;
	(tag) =	ssettag s2;
	_ =	strace s9  }
0x27: {  	s1 =	sld [smem:$0x3FA5]  }
0x28: {  	s2 =	sld [smem:$0x3FA6]  }
0x29: {  	s4 =	sld [smem:$0x3FA8]  }
0x2a: {  	p0 =	seq.s32 s5, $0x0;
	s5 =	sld [smem:$0x3FA9]  }
0x2b: {  	s6 =	sld [smem:$0x3FAA]  }
0x2c: {  	s7 =	sld [smem:$0x3FAB]  }
0x2d: {  	s3 =	simm.s32 $0x108;
	s8 =	sld [smem:$0x3FAC]  }
0x2e: {  	s3 =	simm.s32 @!p0 $0x1082;
	s9 =	sld [smem:$0x3FAD]  }
0x2f: {  	lr =	sadd.s32 s0, s3;
	s0 =	sld [smem:$0x3FA4]  }
0x30: {  	s3 =	sld [smem:$0x3FA7]  }
0x31: {  	[smem:$0x3FB0] =	sst s10  }
0x32: {  	s10 =	sld [smem:$0x3FAE];
	_ =	sdelay $0x3  }
0x33: {  	p0 =	seq.s32 s10, $0x1;
	s10 =	sld [smem:$0x3FB0];
	_ =	sdelay $0x3  }
0x34: {  	[smem:$0x3FB0] =	sst s10  }
0x35: {  	s10 =	sld [smem:$0x3FAF];
	_ =	sdelay $0x3  }
0x36: {  	p1 =	seq.s32 s10, $0x1;
	s10 =	sld [smem:$0x3FB0];
	_ =	sdelay $0x3  }
0x37: {  	[smem:$0x3FB0] =	sst s10  }
0x38: {  	s10 =	sld [smem:$0x3FB1]  }
0x39: {  	_ = 	snop;
	(pc) =	sbr.ind lr, $3  }
0x3a: {  	_ = 	snop  }
0x3b: {  	_ = 	snop  }
0x3c: {  	p2 =	seq.s32 s10, $0x1;
	s10 =	sld [smem:$0x3FB0]  }
0x3d: {  	_ =	shalt  }
0x3e: {  	_ =	shalt  }
0x3f: {  	_ =	shalt  }
0x40: {  	_ =	shalt  }
0x41: {  	_ =	shalt  }
0x42: {  	_ =	shalt  }
0x43: {  	_ =	shalt  }
0x44: {  	_ =	shalt  }
0x45: {  	_ =	shalt  }
0x46: {  	_ =	shalt  }
0x47: {  	_ =	shalt  }
0x48: {  	_ =	shalt  }
0x49: {  	_ =	shalt  }
0x4a: {  	_ =	shalt  }
0x4b: {  	_ =	shalt  }
0x4c: {  	_ =	shalt  }
0x4d: {  	_ =	shalt  }
0x4e: {  	_ =	shalt  }
0x4f: {  	_ =	shalt  }
0x50: {  	_ =	shalt  }
0x51: {  	_ =	shalt  }
0x52: {  	_ =	shalt  }
0x53: {  	_ =	shalt  }
0x54: {  	_ =	shalt  }
0x55: {  	_ =	shalt  }
0x56: {  	_ =	shalt  }
0x57: {  	_ =	shalt  }
0x58: {  	_ =	shalt  }
0x59: {  	_ =	shalt  }
0x5a: {  	_ =	shalt  }
0x5b: {  	_ =	shalt  }
0x5c: {  	_ =	shalt  }
0x5d: {  	_ =	shalt  }
0x5e: {  	_ =	shalt  }
0x5f: {  	_ =	shalt  }
0x60: {  	_ =	shalt  }
0x61: {  	_ =	shalt  }
0x62: {  	_ =	shalt  }
0x63: {  	_ =	shalt  }
0x64: {  	_ =	shalt  }
0x65: {  	_ =	shalt  }
0x66: {  	_ =	shalt  }
0x67: {  	_ =	shalt  }
0x68: {  	_ =	shalt  }
0x69: {  	_ =	shalt  }
0x6a: {  	_ =	shalt  }
0x6b: {  	_ =	shalt  }
0x6c: {  	_ =	shalt  }
0x6d: {  	_ =	shalt  }
0x6e: {  	_ =	shalt  }
0x6f: {  	_ =	shalt  }
0x70: {  	_ =	shalt  }
0x71: {  	_ =	shalt  }
0x72: {  	_ =	shalt  }
0x73: {  	_ =	shalt  }
0x74: {  	_ =	shalt  }
0x75: {  	_ =	shalt  }
0x76: {  	_ =	shalt  }
0x77: {  	_ =	shalt  }
0x78: {  	_ =	shalt  }
0x79: {  	_ =	shalt  }
0x7a: {  	_ =	shalt  }
0x7b: {  	_ =	shalt  }
0x7c: {  	_ =	shalt  }
0x7d: {  	_ =	shalt  }
0x7e: {  	_ =	shalt  }
0x7f: {  	_ =	shalt  }
0x80: {  	_ =	shalt  }
0x81: {  	_ =	shalt  }
0x82: {  	_ =	shalt  }
0x83: {  	_ =	shalt  }
0x84: {  	_ =	shalt  }
0x85: {  	_ =	shalt  }
0x86: {  	_ =	shalt  }
0x87: {  	_ =	shalt  }
.Lfunc_end0:
.L_simem_size_0:
called_computation_lowered:
.L_overlay_start_0:
0x88: {  	s2 =	sld [smem:$0x3FD9]  }
0x89: {  	s3 =	sld [smem:$0x3FFE];
	_ =	sdelay $0x1  }
0x8a: {  	s1 =	srdreg.scid  }
0x8b: {  	s0 =	sand.u32 $0x1, s1  }
0x8c: {  	s17 =	sshll.u32 s0, $0xA;
	s2 =	sadd.s32 s3, s2  }
0x8d: {  	s2 =	sadd.s32 s2, s17  }
0x8e: {  	[smem:$0x3FBC] =	sst s2  }
0x8f: {  	_ = 	snop  }
0x90: {  	s2 =	sld [smem:$0x3FD0];
	(tm) =	ssettm $0x1  }
0x91: {  	s18 =	sld [smem:$0x3FFB];
	_ =	sdelay $0x3  }
0x92: {  	_ =	strace s18  }
0x93: {  	s3 =	sld [smem:$0x3FFC];
	_ =	sdelay $0x3  }
0x94: {  	_ =	strace s3  }
0x95: {  	s3 =	sld [smem:$0x3FFD];
	_ =	sdelay $0x3  }
0x96: {  	_ =	strace s3  }
0x97: {  	_ =	strace $0x8FFFFFFF  }
0x98: {  	s19 =	sld [smem:$0x3FDB];
	_ =	sdelay $0x1  }
0x99: {  	s4 =	simm.s32 $_scs_section_size  }
0x9a: {  	s5 =	simm.s32 $_size__tile_overlayer_lowered;
	s6 =	simm.s32 $_tile_overlayer_lowered  }
0x9b: {  	s22 =	simm.s32 $0x1BFF;
	s21 =	sshll.u32 s6, $0x1;
	s3 =	sadd.s32 s4, s19  }
0x9c: {  	s7 =	simm.s32 $0x0;
	s20 =	sshll.u32 s5, $0x1;
	s5 =	sadd.s32 s21, s3  }
0x9d: {  	[timem:s7], [sflag:s22] =	dma.local [hbm:s5], s20  }
0x9e: {  	_ =	swait.ge [sflag:s22], s20  }
0x9f: {  	s4 =	ssub.s32 $0x0, s20;
	[sflag:s22] =	ssyncset.done $0x0  }
0xa0: {  	[sflag:s22] =	ssyncadd.s32 s4;
	_ =	sdelay $0x1  }
0xa1: {  	s23 =	simm.s32 $0x1B8B  }
0xa2: {  	_ =	swait.ge [sflag:s23], $0x1  }
0xa3: {  	[sflag:s23] =	ssyncset.done $0x0  }
0xa4: {  	s25 =	simm.s32 $0x1B8E;
	s24 =	sld [smem:$0x3FFE];
	[sflag:s23] =	ssyncadd.s32 $0xFFFFFFFF  }
0xa5: {  	s26 =	simm.s32 $execute0_lowered;
	[smem:$0x3FD2] =	sst s25  }
0xa6: {  	s5 =	sshll.u32 s26, $0x1;
	_ =	strace $0x80000046;
	[dreg:$0x1] =	wrdreg $0xFFFFFFFF  }
0xa7: {  	s28 =	simm.s32 $_size_execute0_lowered;
	s3 =	sadd.s32 s3, s5;
	[dreg:$0x0] =	wrdreg $0x0  }
0xa8: {  	s5 =	sshll.u32 s28, $0x1;
	[dreg:$0x2] =	wrdreg s3  }
0xa9: {  	[dreg:$0x3] =	wrdreg s5  }
0xaa: {  	[dreg:$0x4] =	wrdreg $0xC0  }
0xab: {  	_ =	task [dreg:s7], $0x5FFFF  }
0xac: {  	[dreg:$0x1] =	wrdreg $0xFFFFFFFF  }
0xad: {  	[dreg:$0x0] =	wrdreg $0x60  }
0xae: {  	[dreg:$0x2] =	wrdreg s24  }
0xaf: {  	[dreg:$0x3] =	wrdreg s2  }
0xb0: {  	[dreg:$0x4] =	wrdreg $0x28800  }
0xb1: {  	[dreg:$0x5] =	wrdreg $0x9  }
0xb2: {  	_ =	task.clear_ibuf [dreg:s7], $0x6FFFF;
	_ =	strace $0x90000046  }
0xb3: {  	s29 =	simm.s32 $0x9;
	_ =	strace $0x80000048  }
0xb4: {  	_ =	swait.ge [sflag:s29], $0x1  }
0xb5: {  	[sflag:s29] =	ssyncadd.s32 $0xFFFFFFFF  }
0xb6: {  	_ =	strace $0x90000048  }
0xb7: {  	_ =	sfence  }
0xb8: {  	s30 =	sld [smem:$0x0];
	_ =	sdelay $0x2  }
0xb9: {  	s31 =	sshll.u32 s1, $0xD;
	s1 =	sshrl.u32 s1, $0x2  }
0xba: {  	s3 =	sand.u32 $0x4000, s31;
	s1 =	sadd.s32 s1, s30  }
0xbb: {  	s0 =	sor.u32 s3, s0;
	s1 =	sshll.u32 s1, $0x11  }
0xbc: {  	s0 =	sor.u32 s1, s0  }
0xbd: {  	s0 =	sadd.s32 $0x8F2B, s0  }
0xbe: {  	[sflag:s0] =	ssyncadd.remote.s32 $0x1  }
0xbf: {  	_ =	sfence.sel $0xFFFF  }
0xc0: {  	[dreg:$0x0] =	wrdreg $0xFFFFFFFF;
	(pc) =	sbr.abs _section_cstart, $3  }
0xc1: {  	[dreg:$0x1] =	wrdreg $0xFFFFFFFF  }
0xc2: {  	_ =	task.clear_ibuf [dreg:s7], $0x2FFFF;
	_ =	strace $0x9FFFFFFF  }
0xc3: {  	(tm) =	ssettm $0x7FFFFFFF  }
tec
execute0_lowered:
.L_overlay_start_1:
0x0: {  	(tag) =	ssettag $0x1  }
0x1: {  	s5 =	rddreg [dreg:$0x0]  }
0x2: {  	s1 =	rddreg [dreg:$0x1]  }
0x3: {  	s3 =	rddreg [dreg:$0x2]  }
0x4: {  	s0 =	rddreg [dreg:$0x3]  }
0x5: {  	s4 =	simm.s32 $0x0;
	s6 =	srdreg.scid;
	s2 =	stileid.u32  }
0x6: {  	s12 =	simm.s32 $0x2800;
	s13 =	simm.s32 $0x20;
	s14 =	simm.s32 $0x10  }
0x7: {  	s15 =	simm.s32 $0x0;
	s6 =	sand.u32 $0x1, s6;
	s8 =	smul.u32 $0x500, s2  }
0x8: {  	s7 =	sshll.u32 s2, $0x1;
	[smem:$0x7FF] =	sst s4;
	s28 =	smul.u32 $0xA00, s2  }
0x9: {  	s31 =	sshll.u32 s2, $0x6;
	s7 =	sor.u32 s6, s7;
	s9 =	sshll.u32 s6, $0x7  }
0xa: {  	_ =	strace $0x80000047;
	s6 =	ssub.s32 $0x2, s6;
	s7 =	smul.u32 $0x500, s7  }
0xb: {  	s8 =	sor.u32 s9, s8;
	s29 =	sshrl.u32 s6, $0x1;
	s30 =	sshrl.u32 s28, $0x2  }
0xc: {  	s9 =	sor.u32 $0x1C01, s31;
	s8 =	sshrl.u32 s8, $0x3;
	s10 =	ssub.s32 s6, s29  }
0xd: {  	s11 =	sadd.s32 s30, s3;
	s7 =	sadd.s32 s7, s5;
	s8 =	sadd.s32 s8, s5  }
0xe: {  	s5 =	sadd.s32 $0x3200, s7;
	s6 =	sadd.s32 $0x21200, s8;
	s7 =	smax.u32 s10, $0x1  }
0xf: {  	v0 =	vimm.f32 $1.000000000e+00;
	s8 =	simm.s32 $0x1;
	s10 =	sshrl.u32 s11, $0x3;
	s11 =	simm.s32 $0x80  }
.LBB2_1:
0x10: {  	[tilespmem:s4], [sflag:$0x1] =	stream.linear.gather [hbm4b:s5+s4], $0x2800, $0x38;
	[tilespmem:$0x2B00] =	vst v63  }
0x11: {  	_ =	swait.ge [sflag:s8], $0x2800  }
0x12: {  	[sflag:s8] =	ssyncset.done $0x0  }
0x13: {  	[sflag:s8] =	ssyncadd.s32 $0xFFFFD800  }
0x14: {  	[tilespmem:$0x2800] =	vst v0  }
0x15: {  	[tilespmem:$0x2810] =	vst v0  }
0x16: {  	[tilespmem:$0x2820] =	vst v0  }
0x17: {  	[tilespmem:$0x2830] =	vst v0  }
0x18: {  	[tilespmem:$0x2840] =	vst v0  }
0x19: {  	[tilespmem:$0x2850] =	vst v0  }
0x1a: {  	[tilespmem:$0x2860] =	vst v0  }
0x1b: {  	[tilespmem:$0x2870] =	vst v0  }
0x1c: {  	[spmem:s10], [sflag:s9] =	dma.local [hbm:s1], $0x50  }
0x1d: {  	_ =	swait.ge [sflag:s8], $0x50  }
0x1e: {  	[sflag:s8] =	ssyncset.done $0x0  }
0x1f: {  	[sflag:s8] =	ssyncadd.s32 $0xFFFFFFB0  }
0x20: {  	s16 =	simm.s32 $0x0;
	[bflag:$0x0] =	sbarrier.arrive $0xFFFF  }
0x21: {  	[spmem:s3] =	stream.indirect.scatter.add.f32 [tilespmem:s12], [sflag:$0x1], $0x1, s16, s11, $0xb8;
	[tilespmem:$0x2B00] =	vst v63  }
0x22: {  	_ =	swait.ge [sflag:s8], $0x80  }
0x23: {  	s16 =	simm.s32 $0x200;
	[sflag:s8] =	ssyncset.done $0x0  }
.LBB2_2:
0x24: {  	s17 =	sshra.s32 s16, $0x2;
	[sflag:s8] =	ssyncadd.s32 $0xFFFFFF80;
	p0 =	sne.s32 s16, $0x9E00  }
0x25: {  	[spmem:s3] =	stream.indirect.scatter.add.f32 [tilespmem:s12], [sflag:$0x1], $0x1, s17, s11, $0xb8;
	[tilespmem:$0x2B00] =	vst v63  }
.Ltmp0:
0x26: {  	_ = 	snop;
	(pc) =	sbr.rel @p0 .LBB2_2-.Ltmp0, $4  }
0x27: {  	_ = 	snop  }
0x28: {  	s16 =	sadd.s32 $0x200, s16  }
0x29: {  	_ =	swait.ge [sflag:s8], $0x80  }
0x2a: {  	[sflag:s8] =	ssyncset.done $0x0  }
0x2b: {  	s15 =	sadd.s32 $0x1, s15  }
0x2c: {  	[sflag:s8] =	ssyncadd.s32 $0xFFFFFF80;
	p0 =	sne.s32 s15, s7  }
.Ltmp1:
0x2d: {  	[bflag:$0x0] =	sbarrier.arrive $0xFFFF;
	(pc) =	sbr.rel @p0 .LBB2_1-.Ltmp1, $4  }
0x2e: {  	[hbm:s6@s13], [sflag:s9] =	dma.strided [spmem:s10@s14], $0x50, s8, $0x10   }
0x2f: {  	_ =	swait.ge [sflag:s8], $0x50  }
0x30: {  	[sflag:s8] =	ssyncset.done $0x0  }
0x31: {  	[sflag:s8] =	ssyncadd.s32 $0xFFFFFFB0  }
0x32: {  	_ =	sfence.sel $0x180000  }
0x33: {  	[bflag:$0x0] =	sbarrier.arrive $0xFFFF  }
0x34: {  	p0 =	sne.s32 s2, $0x0;
	_ =	strace $0x90000047  }
0x35: {  	s0 =	sadd.s32 @!p0 $0x100000, s0;
	[bflag:$0x2] =	sbarrier.arrive $0xFFFF  }
0x36: {  	[sflag:s0] =	ssyncadd.tile.s32 @!p0 $0x1;
	_ =	shalt  }
.Lfunc_end2:
_tile_overlayer_lowered:
.L_overlay_start_2:
0x37: {  	(tag) =	ssettag $0x2  }
0x38: {  	s0 =	rddreg [dreg:$0x0];
	s2 =	stileid.u32  }
0x39: {  	s1 =	rddreg [dreg:$0x1];
	p0 =	sne.s32 s2, $0x0  }
0x3a: {  	s3 =	rddreg [dreg:$0x2];
	[bflag:$0x3] =	sbarrier.arrive $0xFFFF;
	s2 =	simm.s32 @!p0 $0x1C01  }
0x3b: {  	[timem:s3], [sflag:s2] =	dma.local @!p0 [hbm:s0], s1  }
0x3c: {  	s0 =	simm.s32 @!p0 $0x1  }
0x3d: {  	_ =	swait.ge @!p0 [sflag:s0], s1  }
0x3e: {  	s1 =	ssub.s32 @!p0 $0x0, s1;
	[sflag:s0] =	ssyncset.done @!p0 $0x0  }
0x3f: {  	[sflag:s0] =	ssyncadd.s32 @!p0 s1  }
0x40: {  	[bflag:$0x3] =	sbarrier.arrive $0xFFFF  }
0x41: {  	_ =	shalt  }

</sc_bundles>
